<compile_context>
chip_gen: v7x
topology: tpu7x:2x2x1
jax: 0.10.2.dev20260603
libtpu: 0.0.44.dev20260713+nightly
codegen_flags: <defaults>
</compile_context>

<pallas_src>
import functools

import jax
import jax.numpy as jnp
from jax import lax
from jax.experimental import pallas as pl
from jax.experimental.pallas import tpu as pltpu
from jax.experimental.pallas import tpu_sc as plsc

N_RANK = 50
BATCH = 16384
NUM_CORES = 2
NUM_SUBCORES = 16
NW = NUM_CORES * NUM_SUBCORES
B_PER_W = BATCH // NW
LANES = 16
ROW_PAD = 128
CHUNK = 128
N_CHUNKS = B_PER_W // CHUNK
GROUPS = CHUNK // LANES


@functools.partial(
    pl.kernel,
    out_type=jax.ShapeDtypeStruct((BATCH,), jnp.float32),
    mesh=plsc.VectorSubcoreMesh(core_axis_name="c", subcore_axis_name="s"),
    compiler_params=pltpu.CompilerParams(needs_layout_passes=False),
    scratch_types=[
        pltpu.VMEM((B_PER_W,), jnp.int32),
        pltpu.VMEM((B_PER_W,), jnp.int32),
        pltpu.VMEM((CHUNK, ROW_PAD), jnp.float32),
        pltpu.VMEM((CHUNK, ROW_PAD), jnp.float32),
        pltpu.VMEM((B_PER_W,), jnp.float32),
        pltpu.VMEM((B_PER_W,), jnp.float32),
        pltpu.VMEM((LANES,), jnp.float32),
        pltpu.VMEM((B_PER_W,), jnp.float32),
        pltpu.SemaphoreType.DMA,
        pltpu.SemaphoreType.DMA,
        pltpu.SemaphoreType.DMA,
        pltpu.SemaphoreType.DMA,
    ],
)
def _lfm_sc(uid_hbm, iid_hbm, p_hbm, q_hbm, mu_hbm, ub_hbm, ib_hbm,
            out_hbm, uidx_v, iidx_v, prows_v, qrows_v, ubias_v, ibias_v,
            mu_v, out_v, sem_p, sem_q, sem_ub, sem_ib):
    wid = lax.axis_index("s") * NUM_CORES + lax.axis_index("c")
    base = wid * B_PER_W

    pltpu.sync_copy(uid_hbm.at[pl.ds(base, B_PER_W)], uidx_v)
    pltpu.sync_copy(iid_hbm.at[pl.ds(base, B_PER_W)], iidx_v)
    pltpu.sync_copy(mu_hbm, mu_v.at[pl.ds(0, 1)])

    cp_ub = pltpu.async_copy(ub_hbm.at[uidx_v], ubias_v, sem_ub)
    cp_ib = pltpu.async_copy(ib_hbm.at[iidx_v], ibias_v, sem_ib)

    mu_vec = jnp.broadcast_to(mu_v[...][0], (LANES,))
    lane_iota = lax.iota(jnp.int32, LANES)

    def chunk_body(c, carry):
        cbase = c * CHUNK

        def fire(g, carry2):
            jbase = g * LANES
            uvec = uidx_v[pl.ds(cbase + jbase, LANES)]
            ivec = iidx_v[pl.ds(cbase + jbase, LANES)]
            for j in range(LANES):
                pltpu.async_copy(p_hbm.at[uvec[j]],
                                 prows_v.at[jbase + j, pl.ds(0, N_RANK)],
                                 sem_p)
                pltpu.async_copy(q_hbm.at[ivec[j]],
                                 qrows_v.at[jbase + j, pl.ds(0, N_RANK)],
                                 sem_q)
            return carry2

        lax.fori_loop(0, GROUPS, fire, 0)

        def drain(j, carry2):
            pltpu.make_async_copy(
                p_hbm.at[0], prows_v.at[j, pl.ds(0, N_RANK)], sem_p).wait()
            pltpu.make_async_copy(
                q_hbm.at[0], qrows_v.at[j, pl.ds(0, N_RANK)], sem_q).wait()
            return carry2

        lax.fori_loop(0, CHUNK, drain, 0)

        def group_body(g, carry2):
            row0 = g * LANES
            rid = row0 + lane_iota
            acc = jnp.zeros((LANES,), jnp.float32)
            for r in range(N_RANK):
                cid = jnp.full((LANES,), r, jnp.int32)
                pv = plsc.load_gather(prows_v, [rid, cid])
                qv = plsc.load_gather(qrows_v, [rid, cid])
                acc = acc + pv * qv
            out_v[pl.ds(cbase + row0, LANES)] = acc
            return carry2

        lax.fori_loop(0, GROUPS, group_body, 0)
        return carry

    lax.fori_loop(0, N_CHUNKS, chunk_body, 0)

    cp_ub.wait()
    cp_ib.wait()

    def bias_body(g, carry):
        row0 = g * LANES
        sl = pl.ds(row0, LANES)
        out_v[sl] = out_v[sl] + ubias_v[sl] + ibias_v[sl] + mu_vec
        return carry

    lax.fori_loop(0, B_PER_W // LANES, bias_body, 0)
    pltpu.sync_copy(out_v, out_hbm.at[pl.ds(base, B_PER_W)])


def kernel(user_ids, item_ids, P, Q, mu, user_bias, item_bias):
    return _lfm_sc(user_ids.astype(jnp.int32), item_ids.astype(jnp.int32),
                   P, Q, mu, user_bias, item_bias)

# --- scband reference (transcript-rebuilt; emitter-appended) ---
"""Pipeline reference for scband-lfm-42116449305197 (READ-ONLY COPY).

The authoritative reference and input builder live on the scoring server;
editing this copy changes nothing except your own understanding.
"""

import jax, jax.numpy as jnp
import numpy as np

N_USERS = 1000000
N_ITEMS = 1000000
N_RANK = 50
BATCH = 16384


def setup_inputs(seed: int = 0) -> dict:
    key = jax.random.key(seed)
    k1, k2, k3, k4 = jax.random.split(key, 4)
    # xavier_normal init: std = sqrt(2 / (fan_in + fan_out))
    std_p = float(np.sqrt(2.0 / (N_USERS + N_RANK)))
    std_q = float(np.sqrt(2.0 / (N_ITEMS + N_RANK)))
    P = jax.random.normal(k1, (N_USERS, N_RANK), dtype=jnp.float32) * std_p
    Q = jax.random.normal(k2, (N_ITEMS, N_RANK), dtype=jnp.float32) * std_q
    mu = jnp.zeros((1,), dtype=jnp.float32)
    user_bias = jnp.zeros((N_USERS,), dtype=jnp.float32)
    item_bias = jnp.zeros((N_ITEMS,), dtype=jnp.float32)
    user_ids = jax.random.randint(k3, (BATCH,), 0, N_USERS, dtype=jnp.int64) if jax.config.jax_enable_x64 else jax.random.randint(k3, (BATCH,), 0, N_USERS, dtype=jnp.int32)
    item_ids = jax.random.randint(k4, (BATCH,), 0, N_ITEMS, dtype=jnp.int64) if jax.config.jax_enable_x64 else jax.random.randint(k4, (BATCH,), 0, N_ITEMS, dtype=jnp.int32)
    return {
        "user_ids": user_ids,
        "item_ids": item_ids,
        "P": P,
        "Q": Q,
        "mu": mu,
        "user_bias": user_bias,
        "item_bias": item_bias,
    }


def reference(user_ids, item_ids, P, Q, mu, user_bias, item_bias):
    global_bias = mu  # shape (1,), broadcasts
    ub = jnp.take(user_bias, user_ids, axis=0)        # [B]
    ib = jnp.take(item_bias, item_ids, axis=0)        # [B]
    uf = jnp.take(P, user_ids, axis=0)                # [B, n_rank]
    itf = jnp.take(Q, item_ids, axis=0)               # [B, n_rank]
    pred_rating = global_bias + ub + ib + jnp.sum(itf * uf, axis=1)
    return pred_rating

if __name__ == "__main__":
    import jax
    _d = setup_inputs()
    print(jax.jit(kernel)(*tuple(_d.values())))

</pallas_src>

<mosaic_0001>
#map = affine_map<(d0, d1) -> (0)>
#map1 = affine_map<(d0, d1) -> (0, 0)>
module attributes {stable_mosaic.version = 14 : i64} {
  func.func @_lfm_sc(%arg0: i32, %arg1: i32, %arg2: memref<16384xi32, #tpu.memory_space<hbm>>, %arg3: memref<16384xi32, #tpu.memory_space<hbm>>, %arg4: memref<1000000x50xf32, #tpu.memory_space<hbm>>, %arg5: memref<1000000x50xf32, #tpu.memory_space<hbm>>, %arg6: memref<1xf32, #tpu.memory_space<hbm>>, %arg7: memref<1000000xf32, #tpu.memory_space<hbm>>, %arg8: memref<1000000xf32, #tpu.memory_space<hbm>>, %arg9: memref<16384xf32, #tpu.memory_space<hbm>>, %arg10: memref<512xi32, #tpu.memory_space<vmem>>, %arg11: memref<512xi32, #tpu.memory_space<vmem>>, %arg12: memref<128x128xf32, #tpu.memory_space<vmem>>, %arg13: memref<128x128xf32, #tpu.memory_space<vmem>>, %arg14: memref<512xf32, #tpu.memory_space<vmem>>, %arg15: memref<512xf32, #tpu.memory_space<vmem>>, %arg16: memref<16xf32, #tpu.memory_space<vmem>>, %arg17: memref<512xf32, #tpu.memory_space<vmem>>, %arg18: memref<!tpu.dma_semaphore, #tpu.memory_space<semaphore_mem>>, %arg19: memref<!tpu.dma_semaphore, #tpu.memory_space<semaphore_mem>>, %arg20: memref<!tpu.dma_semaphore, #tpu.memory_space<semaphore_mem>>, %arg21: memref<!tpu.dma_semaphore, #tpu.memory_space<semaphore_mem>>) attributes {dimension_semantics = [#tpu.dimension_semantics<core_parallel>, #tpu.dimension_semantics<subcore_parallel>], iteration_bounds = array<i64: 2, 16>, scalar_prefetch = 0 : i64, scratch_operands = 12 : i64, tpu.core_type = #tpu.core_type<sc_vector_subcore>, window_params = [{transform_indices = #map}, {transform_indices = #map}, {transform_indices = #map1}, {transform_indices = #map1}, {transform_indices = #map}, {transform_indices = #map}, {transform_indices = #map}, {transform_indices = #map}]} {
    %mul3A = arith.constant 2 : i32
    %mul3A_0 = arith.muli %arg1, %mul3A : i32
    %add3A = arith.addi %mul3A_0, %arg0 : i32
    %mul3A_1 = arith.constant 512 : i32
    %mul3A_2 = arith.muli %add3A, %mul3A_1 : i32
    "tpu.region"() ({
      %run_scoped3A = tpu.sem_alloc : memref<!tpu.dma_semaphore, #tpu.memory_space<semaphore_mem>>
      %dma_start3A_21 = tpu.memref_slice %arg2[%mul3A_2] : memref<16384xi32, #tpu.memory_space<hbm>> -> memref<512xi32, #tpu.memory_space<hbm>>
      %dma_start3A_22 = tpu.memref_slice %arg2[%mul3A_2] : memref<16384xi32, #tpu.memory_space<hbm>> -> memref<512xi32, #tpu.memory_space<hbm>>
      tpu.enqueue_dma source(%dma_start3A_22 : memref<512xi32, #tpu.memory_space<hbm>>) target(%arg10 : memref<512xi32, #tpu.memory_space<vmem>>) target_semaphore(%run_scoped3A : memref<!tpu.dma_semaphore, #tpu.memory_space<semaphore_mem>>)
      %dma_wait3A_23 = tpu.memref_slice %arg2[%mul3A_2] : memref<16384xi32, #tpu.memory_space<hbm>> -> memref<512xi32, #tpu.memory_space<hbm>>
      %dma_wait3A_24 = tpu.memref_slice %arg2[%mul3A_2] : memref<16384xi32, #tpu.memory_space<hbm>> -> memref<512xi32, #tpu.memory_space<hbm>>
      tpu.wait_dma2 semaphore(%run_scoped3A : memref<!tpu.dma_semaphore, #tpu.memory_space<semaphore_mem>>) src(%dma_wait3A_24 : memref<512xi32, #tpu.memory_space<hbm>>) dst(%arg10 : memref<512xi32, #tpu.memory_space<vmem>>)
      tpu.yield
    }) : () -> ()
    "tpu.region"() ({
      %run_scoped3A = tpu.sem_alloc : memref<!tpu.dma_semaphore, #tpu.memory_space<semaphore_mem>>
      %dma_start3A_21 = tpu.memref_slice %arg3[%mul3A_2] : memref<16384xi32, #tpu.memory_space<hbm>> -> memref<512xi32, #tpu.memory_space<hbm>>
      %dma_start3A_22 = tpu.memref_slice %arg3[%mul3A_2] : memref<16384xi32, #tpu.memory_space<hbm>> -> memref<512xi32, #tpu.memory_space<hbm>>
      tpu.enqueue_dma source(%dma_start3A_22 : memref<512xi32, #tpu.memory_space<hbm>>) target(%arg11 : memref<512xi32, #tpu.memory_space<vmem>>) target_semaphore(%run_scoped3A : memref<!tpu.dma_semaphore, #tpu.memory_space<semaphore_mem>>)
      %dma_wait3A_23 = tpu.memref_slice %arg3[%mul3A_2] : memref<16384xi32, #tpu.memory_space<hbm>> -> memref<512xi32, #tpu.memory_space<hbm>>
      %dma_wait3A_24 = tpu.memref_slice %arg3[%mul3A_2] : memref<16384xi32, #tpu.memory_space<hbm>> -> memref<512xi32, #tpu.memory_space<hbm>>
      tpu.wait_dma2 semaphore(%run_scoped3A : memref<!tpu.dma_semaphore, #tpu.memory_space<semaphore_mem>>) src(%dma_wait3A_24 : memref<512xi32, #tpu.memory_space<hbm>>) dst(%arg11 : memref<512xi32, #tpu.memory_space<vmem>>)
      tpu.yield
    }) : () -> ()
    "tpu.region"() ({
      %run_scoped3A = tpu.sem_alloc : memref<!tpu.dma_semaphore, #tpu.memory_space<semaphore_mem>>
      %dma_start3A_21 = arith.constant 0 : i32
      %dma_start3A_22 = tpu.memref_slice %arg16[%dma_start3A_21] : memref<16xf32, #tpu.memory_space<vmem>> -> memref<1xf32, #tpu.memory_space<vmem>>
      %dma_start3A_23 = arith.constant 0 : i32
      %dma_start3A_24 = tpu.memref_slice %arg16[%dma_start3A_23] : memref<16xf32, #tpu.memory_space<vmem>> -> memref<1xf32, #tpu.memory_space<vmem>>
      tpu.enqueue_dma source(%arg6 : memref<1xf32, #tpu.memory_space<hbm>>) target(%dma_start3A_24 : memref<1xf32, #tpu.memory_space<vmem>>) target_semaphore(%run_scoped3A : memref<!tpu.dma_semaphore, #tpu.memory_space<semaphore_mem>>)
      %dma_wait3A_25 = arith.constant 0 : i32
      %dma_wait3A_26 = tpu.memref_slice %arg16[%dma_wait3A_25] : memref<16xf32, #tpu.memory_space<vmem>> -> memref<1xf32, #tpu.memory_space<vmem>>
      %dma_wait3A_27 = arith.constant 0 : i32
      %dma_wait3A_28 = tpu.memref_slice %arg16[%dma_wait3A_27] : memref<16xf32, #tpu.memory_space<vmem>> -> memref<1xf32, #tpu.memory_space<vmem>>
      tpu.wait_dma2 semaphore(%run_scoped3A : memref<!tpu.dma_semaphore, #tpu.memory_space<semaphore_mem>>) src(%arg6 : memref<1xf32, #tpu.memory_space<hbm>>) dst(%dma_wait3A_28 : memref<1xf32, #tpu.memory_space<vmem>>)
      tpu.yield
    }) : () -> ()
    %dma_start3A = arith.constant 0 : i32
    %dma_start3A_3 = tpu.memref_slice %arg7[%dma_start3A] : memref<1000000xf32, #tpu.memory_space<hbm>> -> memref<1000000xf32, #tpu.memory_space<hbm>>
    tpu.enqueue_indirect_dma source(%dma_start3A_3 : memref<1000000xf32, #tpu.memory_space<hbm>>) target(%arg14 : memref<512xf32, #tpu.memory_space<vmem>>) offsets(%arg10 : memref<512xi32, #tpu.memory_space<vmem>>) semaphore(%arg20 : memref<!tpu.dma_semaphore, #tpu.memory_space<semaphore_mem>>)
    %dma_start3A_4 = arith.constant 0 : i32
    %dma_start3A_5 = tpu.memref_slice %arg8[%dma_start3A_4] : memref<1000000xf32, #tpu.memory_space<hbm>> -> memref<1000000xf32, #tpu.memory_space<hbm>>
    tpu.enqueue_indirect_dma source(%dma_start3A_5 : memref<1000000xf32, #tpu.memory_space<hbm>>) target(%arg15 : memref<512xf32, #tpu.memory_space<vmem>>) offsets(%arg11 : memref<512xi32, #tpu.memory_space<vmem>>) semaphore(%arg21 : memref<!tpu.dma_semaphore, #tpu.memory_space<semaphore_mem>>)
    %get3A = arith.constant 0 : index
    %get3A_6 = tpu.vector_load %arg16[%get3A] {strides = array<i32>} : memref<16xf32, #tpu.memory_space<vmem>>, vector<16xf32>,
    %slice3A = vector.extract_strided_slice %get3A_6 {offsets = [0], sizes = [1], strides = [1]} : vector<16xf32> to vector<1xf32>
    %squeeze3A = vector.extract %slice3A[0] : f32 from vector<1xf32>
    %broadcast_in_dim3A = vector.broadcast %squeeze3A : f32 to vector<16xf32>
    %iota3A = tpu.iota {dimensions = array<i32: 0>} : vector<16xi32>
    %scan3A = arith.constant 0 : i32
    %scan3A_7 = arith.constant 0 : i32
    %scan3A_8 = arith.constant 4 : i32
    %scan3A_9 = arith.addi %scan3A_7, %scan3A_8 : i32
    %scan3A_10 = arith.constant 1 : i32
    scf.for %scan3A_21 = %scan3A_7 to %scan3A_9 step %scan3A_10  : i32 {
      %mul3A_22 = arith.constant 128 : i32
      %mul3A_23 = arith.muli %scan3A_21, %mul3A_22 : i32
      %scan3A_24 = arith.constant 0 : i32
      %scan3A_25 = arith.constant 0 : i32
      %scan3A_26 = arith.constant 8 : i32
      %scan3A_27 = arith.addi %scan3A_25, %scan3A_26 : i32
      %scan3A_28 = arith.constant 1 : i32
      scf.for %scan3A_42 = %scan3A_25 to %scan3A_27 step %scan3A_28  : i32 {
        %mul3A_43 = arith.constant 16 : i32
        %mul3A_44 = arith.muli %scan3A_42, %mul3A_43 : i32
        %add3A_45 = arith.addi %mul3A_23, %mul3A_44 : i32
        %get3A_46 = arith.index_cast %add3A_45 : i32 to index
        %get3A_47 = tpu.vector_load %arg10[%get3A_46] {strides = array<i32>} : memref<512xi32, #tpu.memory_space<vmem>>, vector<16xi32>,
        %add3A_48 = arith.addi %mul3A_23, %mul3A_44 : i32
        %get3A_49 = arith.index_cast %add3A_48 : i32 to index
        %get3A_50 = tpu.vector_load %arg11[%get3A_49] {strides = array<i32>} : memref<512xi32, #tpu.memory_space<vmem>>, vector<16xi32>,
        %slice3A_51 = vector.extract_strided_slice %get3A_47 {offsets = [0], sizes = [1], strides = [1]} : vector<16xi32> to vector<1xi32>
        %squeeze3A_52 = vector.extract %slice3A_51[0] : i32 from vector<1xi32>
        %add3A_53 = arith.constant 0 : i32
        %add3A_54 = arith.addi %mul3A_44, %add3A_53 : i32
        %dma_start3A_55 = arith.constant 0 : i32
        %dma_start3A_56 = tpu.memref_slice %arg12[%add3A_54, %dma_start3A_55] : memref<128x128xf32, #tpu.memory_space<vmem>> -> memref<1x50xf32, #tpu.memory_space<vmem>>
        %dma_start3A_57 = tpu.memref_squeeze %dma_start3A_56 : memref<1x50xf32, #tpu.memory_space<vmem>> -> memref<50xf32, #tpu.memory_space<vmem>>
        %dma_start3A_58 = arith.constant 0 : i32
        %dma_start3A_59 = tpu.memref_slice %arg4[%squeeze3A_52, %dma_start3A_58] : memref<1000000x50xf32, #tpu.memory_space<hbm>> -> memref<1x50xf32, #tpu.memory_space<hbm>>
        %dma_start3A_60 = tpu.memref_squeeze %dma_start3A_59 : memref<1x50xf32, #tpu.memory_space<hbm>> -> memref<50xf32, #tpu.memory_space<hbm>>
        %dma_start3A_61 = arith.constant 0 : i32
        %dma_start3A_62 = tpu.memref_slice %arg12[%add3A_54, %dma_start3A_61] : memref<128x128xf32, #tpu.memory_space<vmem>> -> memref<1x50xf32, #tpu.memory_space<vmem>>
        %dma_start3A_63 = tpu.memref_squeeze %dma_start3A_62 : memref<1x50xf32, #tpu.memory_space<vmem>> -> memref<50xf32, #tpu.memory_space<vmem>>
        %dma_start3A_64 = arith.constant 0 : i32
        %dma_start3A_65 = tpu.memref_slice %arg4[%squeeze3A_52, %dma_start3A_64] : memref<1000000x50xf32, #tpu.memory_space<hbm>> -> memref<1x50xf32, #tpu.memory_space<hbm>>
        %dma_start3A_66 = tpu.memref_squeeze %dma_start3A_65 : memref<1x50xf32, #tpu.memory_space<hbm>> -> memref<50xf32, #tpu.memory_space<hbm>>
        tpu.enqueue_dma source(%dma_start3A_66 : memref<50xf32, #tpu.memory_space<hbm>>) target(%dma_start3A_63 : memref<50xf32, #tpu.memory_space<vmem>>) target_semaphore(%arg18 : memref<!tpu.dma_semaphore, #tpu.memory_space<semaphore_mem>>)
        %slice3A_67 = vector.extract_strided_slice %get3A_50 {offsets = [0], sizes = [1], strides = [1]} : vector<16xi32> to vector<1xi32>
        %squeeze3A_68 = vector.extract %slice3A_67[0] : i32 from vector<1xi32>
        %add3A_69 = arith.constant 0 : i32
        %add3A_70 = arith.addi %mul3A_44, %add3A_69 : i32
        %dma_start3A_71 = arith.constant 0 : i32
        %dma_start3A_72 = tpu.memref_slice %arg13[%add3A_70, %dma_start3A_71] : memref<128x128xf32, #tpu.memory_space<vmem>> -> memref<1x50xf32, #tpu.memory_space<vmem>>
        %dma_start3A_73 = tpu.memref_squeeze %dma_start3A_72 : memref<1x50xf32, #tpu.memory_space<vmem>> -> memref<50xf32, #tpu.memory_space<vmem>>
        %dma_start3A_74 = arith.constant 0 : i32
        %dma_start3A_75 = tpu.memref_slice %arg5[%squeeze3A_68, %dma_start3A_74] : memref<1000000x50xf32, #tpu.memory_space<hbm>> -> memref<1x50xf32, #tpu.memory_space<hbm>>
        %dma_start3A_76 = tpu.memref_squeeze %dma_start3A_75 : memref<1x50xf32, #tpu.memory_space<hbm>> -> memref<50xf32, #tpu.memory_space<hbm>>
        %dma_start3A_77 = arith.constant 0 : i32
        %dma_start3A_78 = tpu.memref_slice %arg13[%add3A_70, %dma_start3A_77] : memref<128x128xf32, #tpu.memory_space<vmem>> -> memref<1x50xf32, #tpu.memory_space<vmem>>
        %dma_start3A_79 = tpu.memref_squeeze %dma_start3A_78 : memref<1x50xf32, #tpu.memory_space<vmem>> -> memref<50xf32, #tpu.memory_space<vmem>>
        %dma_start3A_80 = arith.constant 0 : i32
        %dma_start3A_81 = tpu.memref_slice %arg5[%squeeze3A_68, %dma_start3A_80] : memref<1000000x50xf32, #tpu.memory_space<hbm>> -> memref<1x50xf32, #tpu.memory_space<hbm>>
        %dma_start3A_82 = tpu.memref_squeeze %dma_start3A_81 : memref<1x50xf32, #tpu.memory_space<hbm>> -> memref<50xf32, #tpu.memory_space<hbm>>
        tpu.enqueue_dma source(%dma_start3A_82 : memref<50xf32, #tpu.memory_space<hbm>>) target(%dma_start3A_79 : memref<50xf32, #tpu.memory_space<vmem>>) target_semaphore(%arg19 : memref<!tpu.dma_semaphore, #tpu.memory_space<semaphore_mem>>)
        %slice3A_83 = vector.extract_strided_slice %get3A_47 {offsets = [1], sizes = [1], strides = [1]} : vector<16xi32> to vector<1xi32>
        %squeeze3A_84 = vector.extract %slice3A_83[0] : i32 from vector<1xi32>
        %add3A_85 = arith.constant 1 : i32
        %add3A_86 = arith.addi %mul3A_44, %add3A_85 : i32
        %dma_start3A_87 = arith.constant 0 : i32
        %dma_start3A_88 = tpu.memref_slice %arg12[%add3A_86, %dma_start3A_87] : memref<128x128xf32, #tpu.memory_space<vmem>> -> memref<1x50xf32, #tpu.memory_space<vmem>>
        %dma_start3A_89 = tpu.memref_squeeze %dma_start3A_88 : memref<1x50xf32, #tpu.memory_space<vmem>> -> memref<50xf32, #tpu.memory_space<vmem>>
        %dma_start3A_90 = arith.constant 0 : i32
        %dma_start3A_91 = tpu.memref_slice %arg4[%squeeze3A_84, %dma_start3A_90] : memref<1000000x50xf32, #tpu.memory_space<hbm>> -> memref<1x50xf32, #tpu.memory_space<hbm>>
        %dma_start3A_92 = tpu.memref_squeeze %dma_start3A_91 : memref<1x50xf32, #tpu.memory_space<hbm>> -> memref<50xf32, #tpu.memory_space<hbm>>
        %dma_start3A_93 = arith.constant 0 : i32
        %dma_start3A_94 = tpu.memref_slice %arg12[%add3A_86, %dma_start3A_93] : memref<128x128xf32, #tpu.memory_space<vmem>> -> memref<1x50xf32, #tpu.memory_space<vmem>>
        %dma_start3A_95 = tpu.memref_squeeze %dma_start3A_94 : memref<1x50xf32, #tpu.memory_space<vmem>> -> memref<50xf32, #tpu.memory_space<vmem>>
        %dma_start3A_96 = arith.constant 0 : i32
        %dma_start3A_97 = tpu.memref_slice %arg4[%squeeze3A_84, %dma_start3A_96] : memref<1000000x50xf32, #tpu.memory_space<hbm>> -> memref<1x50xf32, #tpu.memory_space<hbm>>
        %dma_start3A_98 = tpu.memref_squeeze %dma_start3A_97 : memref<1x50xf32, #tpu.memory_space<hbm>> -> memref<50xf32, #tpu.memory_space<hbm>>
        tpu.enqueue_dma source(%dma_start3A_98 : memref<50xf32, #tpu.memory_space<hbm>>) target(%dma_start3A_95 : memref<50xf32, #tpu.memory_space<vmem>>) target_semaphore(%arg18 : memref<!tpu.dma_semaphore, #tpu.memory_space<semaphore_mem>>)
        %slice3A_99 = vector.extract_strided_slice %get3A_50 {offsets = [1], sizes = [1], strides = [1]} : vector<16xi32> to vector<1xi32>
        %squeeze3A_100 = vector.extract %slice3A_99[0] : i32 from vector<1xi32>
        %add3A_101 = arith.constant 1 : i32
        %add3A_102 = arith.addi %mul3A_44, %add3A_101 : i32
        %dma_start3A_103 = arith.constant 0 : i32
        %dma_start3A_104 = tpu.memref_slice %arg13[%add3A_102, %dma_start3A_103] : memref<128x128xf32, #tpu.memory_space<vmem>> -> memref<1x50xf32, #tpu.memory_space<vmem>>
        %dma_start3A_105 = tpu.memref_squeeze %dma_start3A_104 : memref<1x50xf32, #tpu.memory_space<vmem>> -> memref<50xf32, #tpu.memory_space<vmem>>
        %dma_start3A_106 = arith.constant 0 : i32
        %dma_start3A_107 = tpu.memref_slice %arg5[%squeeze3A_100, %dma_start3A_106] : memref<1000000x50xf32, #tpu.memory_space<hbm>> -> memref<1x50xf32, #tpu.memory_space<hbm>>
        %dma_start3A_108 = tpu.memref_squeeze %dma_start3A_107 : memref<1x50xf32, #tpu.memory_space<hbm>> -> memref<50xf32, #tpu.memory_space<hbm>>
        %dma_start3A_109 = arith.constant 0 : i32
        %dma_start3A_110 = tpu.memref_slice %arg13[%add3A_102, %dma_start3A_109] : memref<128x128xf32, #tpu.memory_space<vmem>> -> memref<1x50xf32, #tpu.memory_space<vmem>>
        %dma_start3A_111 = tpu.memref_squeeze %dma_start3A_110 : memref<1x50xf32, #tpu.memory_space<vmem>> -> memref<50xf32, #tpu.memory_space<vmem>>
        %dma_start3A_112 = arith.constant 0 : i32
        %dma_start3A_113 = tpu.memref_slice %arg5[%squeeze3A_100, %dma_start3A_112] : memref<1000000x50xf32, #tpu.memory_space<hbm>> -> memref<1x50xf32, #tpu.memory_space<hbm>>
        %dma_start3A_114 = tpu.memref_squeeze %dma_start3A_113 : memref<1x50xf32, #tpu.memory_space<hbm>> -> memref<50xf32, #tpu.memory_space<hbm>>
        tpu.enqueue_dma source(%dma_start3A_114 : memref<50xf32, #tpu.memory_space<hbm>>) target(%dma_start3A_111 : memref<50xf32, #tpu.memory_space<vmem>>) target_semaphore(%arg19 : memref<!tpu.dma_semaphore, #tpu.memory_space<semaphore_mem>>)
        %slice3A_115 = vector.extract_strided_slice %get3A_47 {offsets = [2], sizes = [1], strides = [1]} : vector<16xi32> to vector<1xi32>
        %squeeze3A_116 = vector.extract %slice3A_115[0] : i32 from vector<1xi32>
        %add3A_117 = arith.constant 2 : i32
        %add3A_118 = arith.addi %mul3A_44, %add3A_117 : i32
        %dma_start3A_119 = arith.constant 0 : i32
        %dma_start3A_120 = tpu.memref_slice %arg12[%add3A_118, %dma_start3A_119] : memref<128x128xf32, #tpu.memory_space<vmem>> -> memref<1x50xf32, #tpu.memory_space<vmem>>
        %dma_start3A_121 = tpu.memref_squeeze %dma_start3A_120 : memref<1x50xf32, #tpu.memory_space<vmem>> -> memref<50xf32, #tpu.memory_space<vmem>>
        %dma_start3A_122 = arith.constant 0 : i32
        %dma_start3A_123 = tpu.memref_slice %arg4[%squeeze3A_116, %dma_start3A_122] : memref<1000000x50xf32, #tpu.memory_space<hbm>> -> memref<1x50xf32, #tpu.memory_space<hbm>>
        %dma_start3A_124 = tpu.memref_squeeze %dma_start3A_123 : memref<1x50xf32, #tpu.memory_space<hbm>> -> memref<50xf32, #tpu.memory_space<hbm>>
        %dma_start3A_125 = arith.constant 0 : i32
        %dma_start3A_126 = tpu.memref_slice %arg12[%add3A_118, %dma_start3A_125] : memref<128x128xf32, #tpu.memory_space<vmem>> -> memref<1x50xf32, #tpu.memory_space<vmem>>
        %dma_start3A_127 = tpu.memref_squeeze %dma_start3A_126 : memref<1x50xf32, #tpu.memory_space<vmem>> -> memref<50xf32, #tpu.memory_space<vmem>>
        %dma_start3A_128 = arith.constant 0 : i32
        %dma_start3A_129 = tpu.memref_slice %arg4[%squeeze3A_116, %dma_start3A_128] : memref<1000000x50xf32, #tpu.memory_space<hbm>> -> memref<1x50xf32, #tpu.memory_space<hbm>>
        %dma_start3A_130 = tpu.memref_squeeze %dma_start3A_129 : memref<1x50xf32, #tpu.memory_space<hbm>> -> memref<50xf32, #tpu.memory_space<hbm>>
        tpu.enqueue_dma source(%dma_start3A_130 : memref<50xf32, #tpu.memory_space<hbm>>) target(%dma_start3A_127 : memref<50xf32, #tpu.memory_space<vmem>>) target_semaphore(%arg18 : memref<!tpu.dma_semaphore, #tpu.memory_space<semaphore_mem>>)
        %slice3A_131 = vector.extract_strided_slice %get3A_50 {offsets = [2], sizes = [1], strides = [1]} : vector<16xi32> to vector<1xi32>
        %squeeze3A_132 = vector.extract %slice3A_131[0] : i32 from vector<1xi32>
        %add3A_133 = arith.constant 2 : i32
        %add3A_134 = arith.addi %mul3A_44, %add3A_133 : i32
        %dma_start3A_135 = arith.constant 0 : i32
        %dma_start3A_136 = tpu.memref_slice %arg13[%add3A_134, %dma_start3A_135] : memref<128x128xf32, #tpu.memory_space<vmem>> -> memref<1x50xf32, #tpu.memory_space<vmem>>
        %dma_start3A_137 = tpu.memref_squeeze %dma_start3A_136 : memref<1x50xf32, #tpu.memory_space<vmem>> -> memref<50xf32, #tpu.memory_space<vmem>>
        %dma_start3A_138 = arith.constant 0 : i32
        %dma_start3A_139 = tpu.memref_slice %arg5[%squeeze3A_132, %dma_start3A_138] : memref<1000000x50xf32, #tpu.memory_space<hbm>> -> memref<1x50xf32, #tpu.memory_space<hbm>>
        %dma_start3A_140 = tpu.memref_squeeze %dma_start3A_139 : memref<1x50xf32, #tpu.memory_space<hbm>> -> memref<50xf32, #tpu.memory_space<hbm>>
        %dma_start3A_141 = arith.constant 0 : i32
        %dma_start3A_142 = tpu.memref_slice %arg13[%add3A_134, %dma_start3A_141] : memref<128x128xf32, #tpu.memory_space<vmem>> -> memref<1x50xf32, #tpu.memory_space<vmem>>
        %dma_start3A_143 = tpu.memref_squeeze %dma_start3A_142 : memref<1x50xf32, #tpu.memory_space<vmem>> -> memref<50xf32, #tpu.memory_space<vmem>>
        %dma_start3A_144 = arith.constant 0 : i32
        %dma_start3A_145 = tpu.memref_slice %arg5[%squeeze3A_132, %dma_start3A_144] : memref<1000000x50xf32, #tpu.memory_space<hbm>> -> memref<1x50xf32, #tpu.memory_space<hbm>>
        %dma_start3A_146 = tpu.memref_squeeze %dma_start3A_145 : memref<1x50xf32, #tpu.memory_space<hbm>> -> memref<50xf32, #tpu.memory_space<hbm>>
        tpu.enqueue_dma source(%dma_start3A_146 : memref<50xf32, #tpu.memory_space<hbm>>) target(%dma_start3A_143 : memref<50xf32, #tpu.memory_space<vmem>>) target_semaphore(%arg19 : memref<!tpu.dma_semaphore, #tpu.memory_space<semaphore_mem>>)
        %slice3A_147 = vector.extract_strided_slice %get3A_47 {offsets = [3], sizes = [1], strides = [1]} : vector<16xi32> to vector<1xi32>
        %squeeze3A_148 = vector.extract %slice3A_147[0] : i32 from vector<1xi32>
        %add3A_149 = arith.constant 3 : i32
        %add3A_150 = arith.addi %mul3A_44, %add3A_149 : i32
        %dma_start3A_151 = arith.constant 0 : i32
        %dma_start3A_152 = tpu.memref_slice %arg12[%add3A_150, %dma_start3A_151] : memref<128x128xf32, #tpu.memory_space<vmem>> -> memref<1x50xf32, #tpu.memory_space<vmem>>
        %dma_start3A_153 = tpu.memref_squeeze %dma_start3A_152 : memref<1x50xf32, #tpu.memory_space<vmem>> -> memref<50xf32, #tpu.memory_space<vmem>>
        %dma_start3A_154 = arith.constant 0 : i32
        %dma_start3A_155 = tpu.memref_slice %arg4[%squeeze3A_148, %dma_start3A_154] : memref<1000000x50xf32, #tpu.memory_space<hbm>> -> memref<1x50xf32, #tpu.memory_space<hbm>>
        %dma_start3A_156 = tpu.memref_squeeze %dma_start3A_155 : memref<1x50xf32, #tpu.memory_space<hbm>> -> memref<50xf32, #tpu.memory_space<hbm>>
        %dma_start3A_157 = arith.constant 0 : i32
        %dma_start3A_158 = tpu.memref_slice %arg12[%add3A_150, %dma_start3A_157] : memref<128x128xf32, #tpu.memory_space<vmem>> -> memref<1x50xf32, #tpu.memory_space<vmem>>
        %dma_start3A_159 = tpu.memref_squeeze %dma_start3A_158 : memref<1x50xf32, #tpu.memory_space<vmem>> -> memref<50xf32, #tpu.memory_space<vmem>>
        %dma_start3A_160 = arith.constant 0 : i32
        %dma_start3A_161 = tpu.memref_slice %arg4[%squeeze3A_148, %dma_start3A_160] : memref<1000000x50xf32, #tpu.memory_space<hbm>> -> memref<1x50xf32, #tpu.memory_space<hbm>>
        %dma_start3A_162 = tpu.memref_squeeze %dma_start3A_161 : memref<1x50xf32, #tpu.memory_space<hbm>> -> memref<50xf32, #tpu.memory_space<hbm>>
        tpu.enqueue_dma source(%dma_start3A_162 : memref<50xf32, #tpu.memory_space<hbm>>) target(%dma_start3A_159 : memref<50xf32, #tpu.memory_space<vmem>>) target_semaphore(%arg18 : memref<!tpu.dma_semaphore, #tpu.memory_space<semaphore_mem>>)
        %slice3A_163 = vector.extract_strided_slice %get3A_50 {offsets = [3], sizes = [1], strides = [1]} : vector<16xi32> to vector<1xi32>
        %squeeze3A_164 = vector.extract %slice3A_163[0] : i32 from vector<1xi32>
        %add3A_165 = arith.constant 3 : i32
        %add3A_166 = arith.addi %mul3A_44, %add3A_165 : i32
        %dma_start3A_167 = arith.constant 0 : i32
        %dma_start3A_168 = tpu.memref_slice %arg13[%add3A_166, %dma_start3A_167] : memref<128x128xf32, #tpu.memory_space<vmem>> -> memref<1x50xf32, #tpu.memory_space<vmem>>
        %dma_start3A_169 = tpu.memref_squeeze %dma_start3A_168 : memref<1x50xf32, #tpu.memory_space<vmem>> -> memref<50xf32, #tpu.memory_space<vmem>>
        %dma_start3A_170 = arith.constant 0 : i32
        %dma_start3A_171 = tpu.memref_slice %arg5[%squeeze3A_164, %dma_start3A_170] : memref<1000000x50xf32, #tpu.memory_space<hbm>> -> memref<1x50xf32, #tpu.memory_space<hbm>>
        %dma_start3A_172 = tpu.memref_squeeze %dma_start3A_171 : memref<1x50xf32, #tpu.memory_space<hbm>> -> memref<50xf32, #tpu.memory_space<hbm>>
        %dma_start3A_173 = arith.constant 0 : i32
        %dma_start3A_174 = tpu.memref_slice %arg13[%add3A_166, %dma_start3A_173] : memref<128x128xf32, #tpu.memory_space<vmem>> -> memref<1x50xf32, #tpu.memory_space<vmem>>
        %dma_start3A_175 = tpu.memref_squeeze %dma_start3A_174 : memref<1x50xf32, #tpu.memory_space<vmem>> -> memref<50xf32, #tpu.memory_space<vmem>>
        %dma_start3A_176 = arith.constant 0 : i32
        %dma_start3A_177 = tpu.memref_slice %arg5[%squeeze3A_164, %dma_start3A_176] : memref<1000000x50xf32, #tpu.memory_space<hbm>> -> memref<1x50xf32, #tpu.memory_space<hbm>>
        %dma_start3A_178 = tpu.memref_squeeze %dma_start3A_177 : memref<1x50xf32, #tpu.memory_space<hbm>> -> memref<50xf32, #tpu.memory_space<hbm>>
        tpu.enqueue_dma source(%dma_start3A_178 : memref<50xf32, #tpu.memory_space<hbm>>) target(%dma_start3A_175 : memref<50xf32, #tpu.memory_space<vmem>>) target_semaphore(%arg19 : memref<!tpu.dma_semaphore, #tpu.memory_space<semaphore_mem>>)
        %slice3A_179 = vector.extract_strided_slice %get3A_47 {offsets = [4], sizes = [1], strides = [1]} : vector<16xi32> to vector<1xi32>
        %squeeze3A_180 = vector.extract %slice3A_179[0] : i32 from vector<1xi32>
        %add3A_181 = arith.constant 4 : i32
        %add3A_182 = arith.addi %mul3A_44, %add3A_181 : i32
        %dma_start3A_183 = arith.constant 0 : i32
        %dma_start3A_184 = tpu.memref_slice %arg12[%add3A_182, %dma_start3A_183] : memref<128x128xf32, #tpu.memory_space<vmem>> -> memref<1x50xf32, #tpu.memory_space<vmem>>
        %dma_start3A_185 = tpu.memref_squeeze %dma_start3A_184 : memref<1x50xf32, #tpu.memory_space<vmem>> -> memref<50xf32, #tpu.memory_space<vmem>>
        %dma_start3A_186 = arith.constant 0 : i32
        %dma_start3A_187 = tpu.memref_slice %arg4[%squeeze3A_180, %dma_start3A_186] : memref<1000000x50xf32, #tpu.memory_space<hbm>> -> memref<1x50xf32, #tpu.memory_space<hbm>>
        %dma_start3A_188 = tpu.memref_squeeze %dma_start3A_187 : memref<1x50xf32, #tpu.memory_space<hbm>> -> memref<50xf32, #tpu.memory_space<hbm>>
        %dma_start3A_189 = arith.constant 0 : i32
        %dma_start3A_190 = tpu.memref_slice %arg12[%add3A_182, %dma_start3A_189] : memref<128x128xf32, #tpu.memory_space<vmem>> -> memref<1x50xf32, #tpu.memory_space<vmem>>
        %dma_start3A_191 = tpu.memref_squeeze %dma_start3A_190 : memref<1x50xf32, #tpu.memory_space<vmem>> -> memref<50xf32, #tpu.memory_space<vmem>>
        %dma_start3A_192 = arith.constant 0 : i32
        %dma_start3A_193 = tpu.memref_slice %arg4[%squeeze3A_180, %dma_start3A_192] : memref<1000000x50xf32, #tpu.memory_space<hbm>> -> memref<1x50xf32, #tpu.memory_space<hbm>>
        %dma_start3A_194 = tpu.memref_squeeze %dma_start3A_193 : memref<1x50xf32, #tpu.memory_space<hbm>> -> memref<50xf32, #tpu.memory_space<hbm>>
        tpu.enqueue_dma source(%dma_start3A_194 : memref<50xf32, #tpu.memory_space<hbm>>) target(%dma_start3A_191 : memref<50xf32, #tpu.memory_space<vmem>>) target_semaphore(%arg18 : memref<!tpu.dma_semaphore, #tpu.memory_space<semaphore_mem>>)
        %slice3A_195 = vector.extract_strided_slice %get3A_50 {offsets = [4], sizes = [1], strides = [1]} : vector<16xi32> to vector<1xi32>
        %squeeze3A_196 = vector.extract %slice3A_195[0] : i32 from vector<1xi32>
        %add3A_197 = arith.constant 4 : i32
        %add3A_198 = arith.addi %mul3A_44, %add3A_197 : i32
        %dma_start3A_199 = arith.constant 0 : i32
        %dma_start3A_200 = tpu.memref_slice %arg13[%add3A_198, %dma_start3A_199] : memref<128x128xf32, #tpu.memory_space<vmem>> -> memref<1x50xf32, #tpu.memory_space<vmem>>
        %dma_start3A_201 = tpu.memref_squeeze %dma_start3A_200 : memref<1x50xf32, #tpu.memory_space<vmem>> -> memref<50xf32, #tpu.memory_space<vmem>>
        %dma_start3A_202 = arith.constant 0 : i32
        %dma_start3A_203 = tpu.memref_slice %arg5[%squeeze3A_196, %dma_start3A_202] : memref<1000000x50xf32, #tpu.memory_space<hbm>> -> memref<1x50xf32, #tpu.memory_space<hbm>>
        %dma_start3A_204 = tpu.memref_squeeze %dma_start3A_203 : memref<1x50xf32, #tpu.memory_space<hbm>> -> memref<50xf32, #tpu.memory_space<hbm>>
        %dma_start3A_205 = arith.constant 0 : i32
        %dma_start3A_206 = tpu.memref_slice %arg13[%add3A_198, %dma_start3A_205] : memref<128x128xf32, #tpu.memory_space<vmem>> -> memref<1x50xf32, #tpu.memory_space<vmem>>
        %dma_start3A_207 = tpu.memref_squeeze %dma_start3A_206 : memref<1x50xf32, #tpu.memory_space<vmem>> -> memref<50xf32, #tpu.memory_space<vmem>>
        %dma_start3A_208 = arith.constant 0 : i32
        %dma_start3A_209 = tpu.memref_slice %arg5[%squeeze3A_196, %dma_start3A_208] : memref<1000000x50xf32, #tpu.memory_space<hbm>> -> memref<1x50xf32, #tpu.memory_space<hbm>>
        %dma_start3A_210 = tpu.memref_squeeze %dma_start3A_209 : memref<1x50xf32, #tpu.memory_space<hbm>> -> memref<50xf32, #tpu.memory_space<hbm>>
        tpu.enqueue_dma source(%dma_start3A_210 : memref<50xf32, #tpu.memory_space<hbm>>) target(%dma_start3A_207 : memref<50xf32, #tpu.memory_space<vmem>>) target_semaphore(%arg19 : memref<!tpu.dma_semaphore, #tpu.memory_space<semaphore_mem>>)
        %slice3A_211 = vector.extract_strided_slice %get3A_47 {offsets = [5], sizes = [1], strides = [1]} : vector<16xi32> to vector<1xi32>
        %squeeze3A_212 = vector.extract %slice3A_211[0] : i32 from vector<1xi32>
        %add3A_213 = arith.constant 5 : i32
        %add3A_214 = arith.addi %mul3A_44, %add3A_213 : i32
        %dma_start3A_215 = arith.constant 0 : i32
        %dma_start3A_216 = tpu.memref_slice %arg12[%add3A_214, %dma_start3A_215] : memref<128x128xf32, #tpu.memory_space<vmem>> -> memref<1x50xf32, #tpu.memory_space<vmem>>
        %dma_start3A_217 = tpu.memref_squeeze %dma_start3A_216 : memref<1x50xf32, #tpu.memory_space<vmem>> -> memref<50xf32, #tpu.memory_space<vmem>>
        %dma_start3A_218 = arith.constant 0 : i32
        %dma_start3A_219 = tpu.memref_slice %arg4[%squeeze3A_212, %dma_start3A_218] : memref<1000000x50xf32, #tpu.memory_space<hbm>> -> memref<1x50xf32, #tpu.memory_space<hbm>>
        %dma_start3A_220 = tpu.memref_squeeze %dma_start3A_219 : memref<1x50xf32, #tpu.memory_space<hbm>> -> memref<50xf32, #tpu.memory_space<hbm>>
        %dma_start3A_221 = arith.constant 0 : i32
        %dma_start3A_222 = tpu.memref_slice %arg12[%add3A_214, %dma_start3A_221] : memref<128x128xf32, #tpu.memory_space<vmem>> -> memref<1x50xf32, #tpu.memory_space<vmem>>
        %dma_start3A_223 = tpu.memref_squeeze %dma_start3A_222 : memref<1x50xf32, #tpu.memory_space<vmem>> -> memref<50xf32, #tpu.memory_space<vmem>>
        %dma_start3A_224 = arith.constant 0 : i32
        %dma_start3A_225 = tpu.memref_slice %arg4[%squeeze3A_212, %dma_start3A_224] : memref<1000000x50xf32, #tpu.memory_space<hbm>> -> memref<1x50xf32, #tpu.memory_space<hbm>>
        %dma_start3A_226 = tpu.memref_squeeze %dma_start3A_225 : memref<1x50xf32, #tpu.memory_space<hbm>> -> memref<50xf32, #tpu.memory_space<hbm>>
        tpu.enqueue_dma source(%dma_start3A_226 : memref<50xf32, #tpu.memory_space<hbm>>) target(%dma_start3A_223 : memref<50xf32, #tpu.memory_space<vmem>>) target_semaphore(%arg18 : memref<!tpu.dma_semaphore, #tpu.memory_space<semaphore_mem>>)
        %slice3A_227 = vector.extract_strided_slice %get3A_50 {offsets = [5], sizes = [1], strides = [1]} : vector<16xi32> to vector<1xi32>
        %squeeze3A_228 = vector.extract %slice3A_227[0] : i32 from vector<1xi32>
        %add3A_229 = arith.constant 5 : i32
        %add3A_230 = arith.addi %mul3A_44, %add3A_229 : i32
        %dma_start3A_231 = arith.constant 0 : i32
        %dma_start3A_232 = tpu.memref_slice %arg13[%add3A_230, %dma_start3A_231] : memref<128x128xf32, #tpu.memory_space<vmem>> -> memref<1x50xf32, #tpu.memory_space<vmem>>
        %dma_start3A_233 = tpu.memref_squeeze %dma_start3A_232 : memref<1x50xf32, #tpu.memory_space<vmem>> -> memref<50xf32, #tpu.memory_space<vmem>>
        %dma_start3A_234 = arith.constant 0 : i32
        %dma_start3A_235 = tpu.memref_slice %arg5[%squeeze3A_228, %dma_start3A_234] : memref<1000000x50xf32, #tpu.memory_space<hbm>> -> memref<1x50xf32, #tpu.memory_space<hbm>>
        %dma_start3A_236 = tpu.memref_squeeze %dma_start3A_235 : memref<1x50xf32, #tpu.memory_space<hbm>> -> memref<50xf32, #tpu.memory_space<hbm>>
        %dma_start3A_237 = arith.constant 0 : i32
        %dma_start3A_238 = tpu.memref_slice %arg13[%add3A_230, %dma_start3A_237] : memref<128x128xf32, #tpu.memory_space<vmem>> -> memref<1x50xf32, #tpu.memory_space<vmem>>
        %dma_start3A_239 = tpu.memref_squeeze %dma_start3A_238 : memref<1x50xf32, #tpu.memory_space<vmem>> -> memref<50xf32, #tpu.memory_space<vmem>>
        %dma_start3A_240 = arith.constant 0 : i32
        %dma_start3A_241 = tpu.memref_slice %arg5[%squeeze3A_228, %dma_start3A_240] : memref<1000000x50xf32, #tpu.memory_space<hbm>> -> memref<1x50xf32, #tpu.memory_space<hbm>>
        %dma_start3A_242 = tpu.memref_squeeze %dma_start3A_241 : memref<1x50xf32, #tpu.memory_space<hbm>> -> memref<50xf32, #tpu.memory_space<hbm>>
        tpu.enqueue_dma source(%dma_start3A_242 : memref<50xf32, #tpu.memory_space<hbm>>) target(%dma_start3A_239 : memref<50xf32, #tpu.memory_space<vmem>>) target_semaphore(%arg19 : memref<!tpu.dma_semaphore, #tpu.memory_space<semaphore_mem>>)
        %slice3A_243 = vector.extract_strided_slice %get3A_47 {offsets = [6], sizes = [1], strides = [1]} : vector<16xi32> to vector<1xi32>
        %squeeze3A_244 = vector.extract %slice3A_243[0] : i32 from vector<1xi32>
        %add3A_245 = arith.constant 6 : i32
        %add3A_246 = arith.addi %mul3A_44, %add3A_245 : i32
        %dma_start3A_247 = arith.constant 0 : i32
        %dma_start3A_248 = tpu.memref_slice %arg12[%add3A_246, %dma_start3A_247] : memref<128x128xf32, #tpu.memory_space<vmem>> -> memref<1x50xf32, #tpu.memory_space<vmem>>
        %dma_start3A_249 = tpu.memref_squeeze %dma_start3A_248 : memref<1x50xf32, #tpu.memory_space<vmem>> -> memref<50xf32, #tpu.memory_space<vmem>>
        %dma_start3A_250 = arith.constant 0 : i32
        %dma_start3A_251 = tpu.memref_slice %arg4[%squeeze3A_244, %dma_start3A_250] : memref<1000000x50xf32, #tpu.memory_space<hbm>> -> memref<1x50xf32, #tpu.memory_space<hbm>>
        %dma_start3A_252 = tpu.memref_squeeze %dma_start3A_251 : memref<1x50xf32, #tpu.memory_space<hbm>> -> memref<50xf32, #tpu.memory_space<hbm>>
        %dma_start3A_253 = arith.constant 0 : i32
        %dma_start3A_254 = tpu.memref_slice %arg12[%add3A_246, %dma_start3A_253] : memref<128x128xf32, #tpu.memory_space<vmem>> -> memref<1x50xf32, #tpu.memory_space<vmem>>
        %dma_start3A_255 = tpu.memref_squeeze %dma_start3A_254 : memref<1x50xf32, #tpu.memory_space<vmem>> -> memref<50xf32, #tpu.memory_space<vmem>>
        %dma_start3A_256 = arith.constant 0 : i32
        %dma_start3A_257 = tpu.memref_slice %arg4[%squeeze3A_244, %dma_start3A_256] : memref<1000000x50xf32, #tpu.memory_space<hbm>> -> memref<1x50xf32, #tpu.memory_space<hbm>>
        %dma_start3A_258 = tpu.memref_squeeze %dma_start3A_257 : memref<1x50xf32, #tpu.memory_space<hbm>> -> memref<50xf32, #tpu.memory_space<hbm>>
        tpu.enqueue_dma source(%dma_start3A_258 : memref<50xf32, #tpu.memory_space<hbm>>) target(%dma_start3A_255 : memref<50xf32, #tpu.memory_space<vmem>>) target_semaphore(%arg18 : memref<!tpu.dma_semaphore, #tpu.memory_space<semaphore_mem>>)
        %slice3A_259 = vector.extract_strided_slice %get3A_50 {offsets = [6], sizes = [1], strides = [1]} : vector<16xi32> to vector<1xi32>
        %squeeze3A_260 = vector.extract %slice3A_259[0] : i32 from vector<1xi32>
        %add3A_261 = arith.constant 6 : i32
        %add3A_262 = arith.addi %mul3A_44, %add3A_261 : i32
        %dma_start3A_263 = arith.constant 0 : i32
        %dma_start3A_264 = tpu.memref_slice %arg13[%add3A_262, %dma_start3A_263] : memref<128x128xf32, #tpu.memory_space<vmem>> -> memref<1x50xf32, #tpu.memory_space<vmem>>
        %dma_start3A_265 = tpu.memref_squeeze %dma_start3A_264 : memref<1x50xf32, #tpu.memory_space<vmem>> -> memref<50xf32, #tpu.memory_space<vmem>>
        %dma_start3A_266 = arith.constant 0 : i32
        %dma_start3A_267 = tpu.memref_slice %arg5[%squeeze3A_260, %dma_start3A_266] : memref<1000000x50xf32, #tpu.memory_space<hbm>> -> memref<1x50xf32, #tpu.memory_space<hbm>>
        %dma_start3A_268 = tpu.memref_squeeze %dma_start3A_267 : memref<1x50xf32, #tpu.memory_space<hbm>> -> memref<50xf32, #tpu.memory_space<hbm>>
        %dma_start3A_269 = arith.constant 0 : i32
        %dma_start3A_270 = tpu.memref_slice %arg13[%add3A_262, %dma_start3A_269] : memref<128x128xf32, #tpu.memory_space<vmem>> -> memref<1x50xf32, #tpu.memory_space<vmem>>
        %dma_start3A_271 = tpu.memref_squeeze %dma_start3A_270 : memref<1x50xf32, #tpu.memory_space<vmem>> -> memref<50xf32, #tpu.memory_space<vmem>>
        %dma_start3A_272 = arith.constant 0 : i32
        %dma_start3A_273 = tpu.memref_slice %arg5[%squeeze3A_260, %dma_start3A_272] : memref<1000000x50xf32, #tpu.memory_space<hbm>> -> memref<1x50xf32, #tpu.memory_space<hbm>>
        %dma_start3A_274 = tpu.memref_squeeze %dma_start3A_273 : memref<1x50xf32, #tpu.memory_space<hbm>> -> memref<50xf32, #tpu.memory_space<hbm>>
        tpu.enqueue_dma source(%dma_start3A_274 : memref<50xf32, #tpu.memory_space<hbm>>) target(%dma_start3A_271 : memref<50xf32, #tpu.memory_space<vmem>>) target_semaphore(%arg19 : memref<!tpu.dma_semaphore, #tpu.memory_space<semaphore_mem>>)
        %slice3A_275 = vector.extract_strided_slice %get3A_47 {offsets = [7], sizes = [1], strides = [1]} : vector<16xi32> to vector<1xi32>
        %squeeze3A_276 = vector.extract %slice3A_275[0] : i32 from vector<1xi32>
        %add3A_277 = arith.constant 7 : i32
        %add3A_278 = arith.addi %mul3A_44, %add3A_277 : i32
        %dma_start3A_279 = arith.constant 0 : i32
        %dma_start3A_280 = tpu.memref_slice %arg12[%add3A_278, %dma_start3A_279] : memref<128x128xf32, #tpu.memory_space<vmem>> -> memref<1x50xf32, #tpu.memory_space<vmem>>
        %dma_start3A_281 = tpu.memref_squeeze %dma_start3A_280 : memref<1x50xf32, #tpu.memory_space<vmem>> -> memref<50xf32, #tpu.memory_space<vmem>>
        %dma_start3A_282 = arith.constant 0 : i32
        %dma_start3A_283 = tpu.memref_slice %arg4[%squeeze3A_276, %dma_start3A_282] : memref<1000000x50xf32, #tpu.memory_space<hbm>> -> memref<1x50xf32, #tpu.memory_space<hbm>>
        %dma_start3A_284 = tpu.memref_squeeze %dma_start3A_283 : memref<1x50xf32, #tpu.memory_space<hbm>> -> memref<50xf32, #tpu.memory_space<hbm>>
        %dma_start3A_285 = arith.constant 0 : i32
        %dma_start3A_286 = tpu.memref_slice %arg12[%add3A_278, %dma_start3A_285] : memref<128x128xf32, #tpu.memory_space<vmem>> -> memref<1x50xf32, #tpu.memory_space<vmem>>
        %dma_start3A_287 = tpu.memref_squeeze %dma_start3A_286 : memref<1x50xf32, #tpu.memory_space<vmem>> -> memref<50xf32, #tpu.memory_space<vmem>>
        %dma_start3A_288 = arith.constant 0 : i32
        %dma_start3A_289 = tpu.memref_slice %arg4[%squeeze3A_276, %dma_start3A_288] : memref<1000000x50xf32, #tpu.memory_space<hbm>> -> memref<1x50xf32, #tpu.memory_space<hbm>>
        %dma_start3A_290 = tpu.memref_squeeze %dma_start3A_289 : memref<1x50xf32, #tpu.memory_space<hbm>> -> memref<50xf32, #tpu.memory_space<hbm>>
        tpu.enqueue_dma source(%dma_start3A_290 : memref<50xf32, #tpu.memory_space<hbm>>) target(%dma_start3A_287 : memref<50xf32, #tpu.memory_space<vmem>>) target_semaphore(%arg18 : memref<!tpu.dma_semaphore, #tpu.memory_space<semaphore_mem>>)
        %slice3A_291 = vector.extract_strided_slice %get3A_50 {offsets = [7], sizes = [1], strides = [1]} : vector<16xi32> to vector<1xi32>
        %squeeze3A_292 = vector.extract %slice3A_291[0] : i32 from vector<1xi32>
        %add3A_293 = arith.constant 7 : i32
        %add3A_294 = arith.addi %mul3A_44, %add3A_293 : i32
        %dma_start3A_295 = arith.constant 0 : i32
        %dma_start3A_296 = tpu.memref_slice %arg13[%add3A_294, %dma_start3A_295] : memref<128x128xf32, #tpu.memory_space<vmem>> -> memref<1x50xf32, #tpu.memory_space<vmem>>
        %dma_start3A_297 = tpu.memref_squeeze %dma_start3A_296 : memref<1x50xf32, #tpu.memory_space<vmem>> -> memref<50xf32, #tpu.memory_space<vmem>>
        %dma_start3A_298 = arith.constant 0 : i32
        %dma_start3A_299 = tpu.memref_slice %arg5[%squeeze3A_292, %dma_start3A_298] : memref<1000000x50xf32, #tpu.memory_space<hbm>> -> memref<1x50xf32, #tpu.memory_space<hbm>>
        %dma_start3A_300 = tpu.memref_squeeze %dma_start3A_299 : memref<1x50xf32, #tpu.memory_space<hbm>> -> memref<50xf32, #tpu.memory_space<hbm>>
        %dma_start3A_301 = arith.constant 0 : i32
        %dma_start3A_302 = tpu.memref_slice %arg13[%add3A_294, %dma_start3A_301] : memref<128x128xf32, #tpu.memory_space<vmem>> -> memref<1x50xf32, #tpu.memory_space<vmem>>
        %dma_start3A_303 = tpu.memref_squeeze %dma_start3A_302 : memref<1x50xf32, #tpu.memory_space<vmem>> -> memref<50xf32, #tpu.memory_space<vmem>>
        %dma_start3A_304 = arith.constant 0 : i32
        %dma_start3A_305 = tpu.memref_slice %arg5[%squeeze3A_292, %dma_start3A_304] : memref<1000000x50xf32, #tpu.memory_space<hbm>> -> memref<1x50xf32, #tpu.memory_space<hbm>>
        %dma_start3A_306 = tpu.memref_squeeze %dma_start3A_305 : memref<1x50xf32, #tpu.memory_space<hbm>> -> memref<50xf32, #tpu.memory_space<hbm>>
        tpu.enqueue_dma source(%dma_start3A_306 : memref<50xf32, #tpu.memory_space<hbm>>) target(%dma_start3A_303 : memref<50xf32, #tpu.memory_space<vmem>>) target_semaphore(%arg19 : memref<!tpu.dma_semaphore, #tpu.memory_space<semaphore_mem>>)
        %slice3A_307 = vector.extract_strided_slice %get3A_47 {offsets = [8], sizes = [1], strides = [1]} : vector<16xi32> to vector<1xi32>
        %squeeze3A_308 = vector.extract %slice3A_307[0] : i32 from vector<1xi32>
        %add3A_309 = arith.constant 8 : i32
        %add3A_310 = arith.addi %mul3A_44, %add3A_309 : i32
        %dma_start3A_311 = arith.constant 0 : i32
        %dma_start3A_312 = tpu.memref_slice %arg12[%add3A_310, %dma_start3A_311] : memref<128x128xf32, #tpu.memory_space<vmem>> -> memref<1x50xf32, #tpu.memory_space<vmem>>
        %dma_start3A_313 = tpu.memref_squeeze %dma_start3A_312 : memref<1x50xf32, #tpu.memory_space<vmem>> -> memref<50xf32, #tpu.memory_space<vmem>>
        %dma_start3A_314 = arith.constant 0 : i32
        %dma_start3A_315 = tpu.memref_slice %arg4[%squeeze3A_308, %dma_start3A_314] : memref<1000000x50xf32, #tpu.memory_space<hbm>> -> memref<1x50xf32, #tpu.memory_space<hbm>>
        %dma_start3A_316 = tpu.memref_squeeze %dma_start3A_315 : memref<1x50xf32, #tpu.memory_space<hbm>> -> memref<50xf32, #tpu.memory_space<hbm>>
        %dma_start3A_317 = arith.constant 0 : i32
        %dma_start3A_318 = tpu.memref_slice %arg12[%add3A_310, %dma_start3A_317] : memref<128x128xf32, #tpu.memory_space<vmem>> -> memref<1x50xf32, #tpu.memory_space<vmem>>
        %dma_start3A_319 = tpu.memref_squeeze %dma_start3A_318 : memref<1x50xf32, #tpu.memory_space<vmem>> -> memref<50xf32, #tpu.memory_space<vmem>>
        %dma_start3A_320 = arith.constant 0 : i32
        %dma_start3A_321 = tpu.memref_slice %arg4[%squeeze3A_308, %dma_start3A_320] : memref<1000000x50xf32, #tpu.memory_space<hbm>> -> memref<1x50xf32, #tpu.memory_space<hbm>>
        %dma_start3A_322 = tpu.memref_squeeze %dma_start3A_321 : memref<1x50xf32, #tpu.memory_space<hbm>> -> memref<50xf32, #tpu.memory_space<hbm>>
        tpu.enqueue_dma source(%dma_start3A_322 : memref<50xf32, #tpu.memory_space<hbm>>) target(%dma_start3A_319 : memref<50xf32, #tpu.memory_space<vmem>>) target_semaphore(%arg18 : memref<!tpu.dma_semaphore, #tpu.memory_space<semaphore_mem>>)
        %slice3A_323 = vector.extract_strided_slice %get3A_50 {offsets = [8], sizes = [1], strides = [1]} : vector<16xi32> to vector<1xi32>
        %squeeze3A_324 = vector.extract %slice3A_323[0] : i32 from vector<1xi32>
        %add3A_325 = arith.constant 8 : i32
        %add3A_326 = arith.addi %mul3A_44, %add3A_325 : i32
        %dma_start3A_327 = arith.constant 0 : i32
        %dma_start3A_328 = tpu.memref_slice %arg13[%add3A_326, %dma_start3A_327] : memref<128x128xf32, #tpu.memory_space<vmem>> -> memref<1x50xf32, #tpu.memory_space<vmem>>
        %dma_start3A_329 = tpu.memref_squeeze %dma_start3A_328 : memref<1x50xf32, #tpu.memory_space<vmem>> -> memref<50xf32, #tpu.memory_space<vmem>>
        %dma_start3A_330 = arith.constant 0 : i32
        %dma_start3A_331 = tpu.memref_slice %arg5[%squeeze3A_324, %dma_start3A_330] : memref<1000000x50xf32, #tpu.memory_space<hbm>> -> memref<1x50xf32, #tpu.memory_space<hbm>>
        %dma_start3A_332 = tpu.memref_squeeze %dma_start3A_331 : memref<1x50xf32, #tpu.memory_space<hbm>> -> memref<50xf32, #tpu.memory_space<hbm>>
        %dma_start3A_333 = arith.constant 0 : i32
        %dma_start3A_334 = tpu.memref_slice %arg13[%add3A_326, %dma_start3A_333] : memref<128x128xf32, #tpu.memory_space<vmem>> -> memref<1x50xf32, #tpu.memory_space<vmem>>
        %dma_start3A_335 = tpu.memref_squeeze %dma_start3A_334 : memref<1x50xf32, #tpu.memory_space<vmem>> -> memref<50xf32, #tpu.memory_space<vmem>>
        %dma_start3A_336 = arith.constant 0 : i32
        %dma_start3A_337 = tpu.memref_slice %arg5[%squeeze3A_324, %dma_start3A_336] : memref<1000000x50xf32, #tpu.memory_space<hbm>> -> memref<1x50xf32, #tpu.memory_space<hbm>>
        %dma_start3A_338 = tpu.memref_squeeze %dma_start3A_337 : memref<1x50xf32, #tpu.memory_space<hbm>> -> memref<50xf32, #tpu.memory_space<hbm>>
        tpu.enqueue_dma source(%dma_start3A_338 : memref<50xf32, #tpu.memory_space<hbm>>) target(%dma_start3A_335 : memref<50xf32, #tpu.memory_space<vmem>>) target_semaphore(%arg19 : memref<!tpu.dma_semaphore, #tpu.memory_space<semaphore_mem>>)
        %slice3A_339 = vector.extract_strided_slice %get3A_47 {offsets = [9], sizes = [1], strides = [1]} : vector<16xi32> to vector<1xi32>
        %squeeze3A_340 = vector.extract %slice3A_339[0] : i32 from vector<1xi32>
        %add3A_341 = arith.constant 9 : i32
        %add3A_342 = arith.addi %mul3A_44, %add3A_341 : i32
        %dma_start3A_343 = arith.constant 0 : i32
        %dma_start3A_344 = tpu.memref_slice %arg12[%add3A_342, %dma_start3A_343] : memref<128x128xf32, #tpu.memory_space<vmem>> -> memref<1x50xf32, #tpu.memory_space<vmem>>
        %dma_start3A_345 = tpu.memref_squeeze %dma_start3A_344 : memref<1x50xf32, #tpu.memory_space<vmem>> -> memref<50xf32, #tpu.memory_space<vmem>>
        %dma_start3A_346 = arith.constant 0 : i32
        %dma_start3A_347 = tpu.memref_slice %arg4[%squeeze3A_340, %dma_start3A_346] : memref<1000000x50xf32, #tpu.memory_space<hbm>> -> memref<1x50xf32, #tpu.memory_space<hbm>>
        %dma_start3A_348 = tpu.memref_squeeze %dma_start3A_347 : memref<1x50xf32, #tpu.memory_space<hbm>> -> memref<50xf32, #tpu.memory_space<hbm>>
        %dma_start3A_349 = arith.constant 0 : i32
        %dma_start3A_350 = tpu.memref_slice %arg12[%add3A_342, %dma_start3A_349] : memref<128x128xf32, #tpu.memory_space<vmem>> -> memref<1x50xf32, #tpu.memory_space<vmem>>
        %dma_start3A_351 = tpu.memref_squeeze %dma_start3A_350 : memref<1x50xf32, #tpu.memory_space<vmem>> -> memref<50xf32, #tpu.memory_space<vmem>>
        %dma_start3A_352 = arith.constant 0 : i32
        %dma_start3A_353 = tpu.memref_slice %arg4[%squeeze3A_340, %dma_start3A_352] : memref<1000000x50xf32, #tpu.memory_space<hbm>> -> memref<1x50xf32, #tpu.memory_space<hbm>>
        %dma_start3A_354 = tpu.memref_squeeze %dma_start3A_353 : memref<1x50xf32, #tpu.memory_space<hbm>> -> memref<50xf32, #tpu.memory_space<hbm>>
        tpu.enqueue_dma source(%dma_start3A_354 : memref<50xf32, #tpu.memory_space<hbm>>) target(%dma_start3A_351 : memref<50xf32, #tpu.memory_space<vmem>>) target_semaphore(%arg18 : memref<!tpu.dma_semaphore, #tpu.memory_space<semaphore_mem>>)
        %slice3A_355 = vector.extract_strided_slice %get3A_50 {offsets = [9], sizes = [1], strides = [1]} : vector<16xi32> to vector<1xi32>
        %squeeze3A_356 = vector.extract %slice3A_355[0] : i32 from vector<1xi32>
        %add3A_357 = arith.constant 9 : i32
        %add3A_358 = arith.addi %mul3A_44, %add3A_357 : i32
        %dma_start3A_359 = arith.constant 0 : i32
        %dma_start3A_360 = tpu.memref_slice %arg13[%add3A_358, %dma_start3A_359] : memref<128x128xf32, #tpu.memory_space<vmem>> -> memref<1x50xf32, #tpu.memory_space<vmem>>
        %dma_start3A_361 = tpu.memref_squeeze %dma_start3A_360 : memref<1x50xf32, #tpu.memory_space<vmem>> -> memref<50xf32, #tpu.memory_space<vmem>>
        %dma_start3A_362 = arith.constant 0 : i32
        %dma_start3A_363 = tpu.memref_slice %arg5[%squeeze3A_356, %dma_start3A_362] : memref<1000000x50xf32, #tpu.memory_space<hbm>> -> memref<1x50xf32, #tpu.memory_space<hbm>>
        %dma_start3A_364 = tpu.memref_squeeze %dma_start3A_363 : memref<1x50xf32, #tpu.memory_space<hbm>> -> memref<50xf32, #tpu.memory_space<hbm>>
        %dma_start3A_365 = arith.constant 0 : i32
        %dma_start3A_366 = tpu.memref_slice %arg13[%add3A_358, %dma_start3A_365] : memref<128x128xf32, #tpu.memory_space<vmem>> -> memref<1x50xf32, #tpu.memory_space<vmem>>
        %dma_start3A_367 = tpu.memref_squeeze %dma_start3A_366 : memref<1x50xf32, #tpu.memory_space<vmem>> -> memref<50xf32, #tpu.memory_space<vmem>>
        %dma_start3A_368 = arith.constant 0 : i32
        %dma_start3A_369 = tpu.memref_slice %arg5[%squeeze3A_356, %dma_start3A_368] : memref<1000000x50xf32, #tpu.memory_space<hbm>> -> memref<1x50xf32, #tpu.memory_space<hbm>>
        %dma_start3A_370 = tpu.memref_squeeze %dma_start3A_369 : memref<1x50xf32, #tpu.memory_space<hbm>> -> memref<50xf32, #tpu.memory_space<hbm>>
        tpu.enqueue_dma source(%dma_start3A_370 : memref<50xf32, #tpu.memory_space<hbm>>) target(%dma_start3A_367 : memref<50xf32, #tpu.memory_space<vmem>>) target_semaphore(%arg19 : memref<!tpu.dma_semaphore, #tpu.memory_space<semaphore_mem>>)
        %slice3A_371 = vector.extract_strided_slice %get3A_47 {offsets = [10], sizes = [1], strides = [1]} : vector<16xi32> to vector<1xi32>
        %squeeze3A_372 = vector.extract %slice3A_371[0] : i32 from vector<1xi32>
        %add3A_373 = arith.constant 10 : i32
        %add3A_374 = arith.addi %mul3A_44, %add3A_373 : i32
        %dma_start3A_375 = arith.constant 0 : i32
        %dma_start3A_376 = tpu.memref_slice %arg12[%add3A_374, %dma_start3A_375] : memref<128x128xf32, #tpu.memory_space<vmem>> -> memref<1x50xf32, #tpu.memory_space<vmem>>
        %dma_start3A_377 = tpu.memref_squeeze %dma_start3A_376 : memref<1x50xf32, #tpu.memory_space<vmem>> -> memref<50xf32, #tpu.memory_space<vmem>>
        %dma_start3A_378 = arith.constant 0 : i32
        %dma_start3A_379 = tpu.memref_slice %arg4[%squeeze3A_372, %dma_start3A_378] : memref<1000000x50xf32, #tpu.memory_space<hbm>> -> memref<1x50xf32, #tpu.memory_space<hbm>>
        %dma_start3A_380 = tpu.memref_squeeze %dma_start3A_379 : memref<1x50xf32, #tpu.memory_space<hbm>> -> memref<50xf32, #tpu.memory_space<hbm>>
        %dma_start3A_381 = arith.constant 0 : i32
        %dma_start3A_382 = tpu.memref_slice %arg12[%add3A_374, %dma_start3A_381] : memref<128x128xf32, #tpu.memory_space<vmem>> -> memref<1x50xf32, #tpu.memory_space<vmem>>
        %dma_start3A_383 = tpu.memref_squeeze %dma_start3A_382 : memref<1x50xf32, #tpu.memory_space<vmem>> -> memref<50xf32, #tpu.memory_space<vmem>>
        %dma_start3A_384 = arith.constant 0 : i32
        %dma_start3A_385 = tpu.memref_slice %arg4[%squeeze3A_372, %dma_start3A_384] : memref<1000000x50xf32, #tpu.memory_space<hbm>> -> memref<1x50xf32, #tpu.memory_space<hbm>>
        %dma_start3A_386 = tpu.memref_squeeze %dma_start3A_385 : memref<1x50xf32, #tpu.memory_space<hbm>> -> memref<50xf32, #tpu.memory_space<hbm>>
        tpu.enqueue_dma source(%dma_start3A_386 : memref<50xf32, #tpu.memory_space<hbm>>) target(%dma_start3A_383 : memref<50xf32, #tpu.memory_space<vmem>>) target_semaphore(%arg18 : memref<!tpu.dma_semaphore, #tpu.memory_space<semaphore_mem>>)
        %slice3A_387 = vector.extract_strided_slice %get3A_50 {offsets = [10], sizes = [1], strides = [1]} : vector<16xi32> to vector<1xi32>
        %squeeze3A_388 = vector.extract %slice3A_387[0] : i32 from vector<1xi32>
        %add3A_389 = arith.constant 10 : i32
        %add3A_390 = arith.addi %mul3A_44, %add3A_389 : i32
        %dma_start3A_391 = arith.constant 0 : i32
        %dma_start3A_392 = tpu.memref_slice %arg13[%add3A_390, %dma_start3A_391] : memref<128x128xf32, #tpu.memory_space<vmem>> -> memref<1x50xf32, #tpu.memory_space<vmem>>
        %dma_start3A_393 = tpu.memref_squeeze %dma_start3A_392 : memref<1x50xf32, #tpu.memory_space<vmem>> -> memref<50xf32, #tpu.memory_space<vmem>>
        %dma_start3A_394 = arith.constant 0 : i32
        %dma_start3A_395 = tpu.memref_slice %arg5[%squeeze3A_388, %dma_start3A_394] : memref<1000000x50xf32, #tpu.memory_space<hbm>> -> memref<1x50xf32, #tpu.memory_space<hbm>>
        %dma_start3A_396 = tpu.memref_squeeze %dma_start3A_395 : memref<1x50xf32, #tpu.memory_space<hbm>> -> memref<50xf32, #tpu.memory_space<hbm>>
        %dma_start3A_397 = arith.constant 0 : i32
        %dma_start3A_398 = tpu.memref_slice %arg13[%add3A_390, %dma_start3A_397] : memref<128x128xf32, #tpu.memory_space<vmem>> -> memref<1x50xf32, #tpu.memory_space<vmem>>
        %dma_start3A_399 = tpu.memref_squeeze %dma_start3A_398 : memref<1x50xf32, #tpu.memory_space<vmem>> -> memref<50xf32, #tpu.memory_space<vmem>>
        %dma_start3A_400 = arith.constant 0 : i32
        %dma_start3A_401 = tpu.memref_slice %arg5[%squeeze3A_388, %dma_start3A_400] : memref<1000000x50xf32, #tpu.memory_space<hbm>> -> memref<1x50xf32, #tpu.memory_space<hbm>>
        %dma_start3A_402 = tpu.memref_squeeze %dma_start3A_401 : memref<1x50xf32, #tpu.memory_space<hbm>> -> memref<50xf32, #tpu.memory_space<hbm>>
        tpu.enqueue_dma source(%dma_start3A_402 : memref<50xf32, #tpu.memory_space<hbm>>) target(%dma_start3A_399 : memref<50xf32, #tpu.memory_space<vmem>>) target_semaphore(%arg19 : memref<!tpu.dma_semaphore, #tpu.memory_space<semaphore_mem>>)
        %slice3A_403 = vector.extract_strided_slice %get3A_47 {offsets = [11], sizes = [1], strides = [1]} : vector<16xi32> to vector<1xi32>
        %squeeze3A_404 = vector.extract %slice3A_403[0] : i32 from vector<1xi32>
        %add3A_405 = arith.constant 11 : i32
        %add3A_406 = arith.addi %mul3A_44, %add3A_405 : i32
        %dma_start3A_407 = arith.constant 0 : i32
        %dma_start3A_408 = tpu.memref_slice %arg12[%add3A_406, %dma_start3A_407] : memref<128x128xf32, #tpu.memory_space<vmem>> -> memref<1x50xf32, #tpu.memory_space<vmem>>
        %dma_start3A_409 = tpu.memref_squeeze %dma_start3A_408 : memref<1x50xf32, #tpu.memory_space<vmem>> -> memref<50xf32, #tpu.memory_space<vmem>>
        %dma_start3A_410 = arith.constant 0 : i32
        %dma_start3A_411 = tpu.memref_slice %arg4[%squeeze3A_404, %dma_start3A_410] : memref<1000000x50xf32, #tpu.memory_space<hbm>> -> memref<1x50xf32, #tpu.memory_space<hbm>>
        %dma_start3A_412 = tpu.memref_squeeze %dma_start3A_411 : memref<1x50xf32, #tpu.memory_space<hbm>> -> memref<50xf32, #tpu.memory_space<hbm>>
        %dma_start3A_413 = arith.constant 0 : i32
        %dma_start3A_414 = tpu.memref_slice %arg12[%add3A_406, %dma_start3A_413] : memref<128x128xf32, #tpu.memory_space<vmem>> -> memref<1x50xf32, #tpu.memory_space<vmem>>
        %dma_start3A_415 = tpu.memref_squeeze %dma_start3A_414 : memref<1x50xf32, #tpu.memory_space<vmem>> -> memref<50xf32, #tpu.memory_space<vmem>>
        %dma_start3A_416 = arith.constant 0 : i32
        %dma_start3A_417 = tpu.memref_slice %arg4[%squeeze3A_404, %dma_start3A_416] : memref<1000000x50xf32, #tpu.memory_space<hbm>> -> memref<1x50xf32, #tpu.memory_space<hbm>>
        %dma_start3A_418 = tpu.memref_squeeze %dma_start3A_417 : memref<1x50xf32, #tpu.memory_space<hbm>> -> memref<50xf32, #tpu.memory_space<hbm>>
        tpu.enqueue_dma source(%dma_start3A_418 : memref<50xf32, #tpu.memory_space<hbm>>) target(%dma_start3A_415 : memref<50xf32, #tpu.memory_space<vmem>>) target_semaphore(%arg18 : memref<!tpu.dma_semaphore, #tpu.memory_space<semaphore_mem>>)
        %slice3A_419 = vector.extract_strided_slice %get3A_50 {offsets = [11], sizes = [1], strides = [1]} : vector<16xi32> to vector<1xi32>
        %squeeze3A_420 = vector.extract %slice3A_419[0] : i32 from vector<1xi32>
        %add3A_421 = arith.constant 11 : i32
        %add3A_422 = arith.addi %mul3A_44, %add3A_421 : i32
        %dma_start3A_423 = arith.constant 0 : i32
        %dma_start3A_424 = tpu.memref_slice %arg13[%add3A_422, %dma_start3A_423] : memref<128x128xf32, #tpu.memory_space<vmem>> -> memref<1x50xf32, #tpu.memory_space<vmem>>
        %dma_start3A_425 = tpu.memref_squeeze %dma_start3A_424 : memref<1x50xf32, #tpu.memory_space<vmem>> -> memref<50xf32, #tpu.memory_space<vmem>>
        %dma_start3A_426 = arith.constant 0 : i32
        %dma_start3A_427 = tpu.memref_slice %arg5[%squeeze3A_420, %dma_start3A_426] : memref<1000000x50xf32, #tpu.memory_space<hbm>> -> memref<1x50xf32, #tpu.memory_space<hbm>>
        %dma_start3A_428 = tpu.memref_squeeze %dma_start3A_427 : memref<1x50xf32, #tpu.memory_space<hbm>> -> memref<50xf32, #tpu.memory_space<hbm>>
        %dma_start3A_429 = arith.constant 0 : i32
        %dma_start3A_430 = tpu.memref_slice %arg13[%add3A_422, %dma_start3A_429] : memref<128x128xf32, #tpu.memory_space<vmem>> -> memref<1x50xf32, #tpu.memory_space<vmem>>
        %dma_start3A_431 = tpu.memref_squeeze %dma_start3A_430 : memref<1x50xf32, #tpu.memory_space<vmem>> -> memref<50xf32, #tpu.memory_space<vmem>>
        %dma_start3A_432 = arith.constant 0 : i32
        %dma_start3A_433 = tpu.memref_slice %arg5[%squeeze3A_420, %dma_start3A_432] : memref<1000000x50xf32, #tpu.memory_space<hbm>> -> memref<1x50xf32, #tpu.memory_space<hbm>>
        %dma_start3A_434 = tpu.memref_squeeze %dma_start3A_433 : memref<1x50xf32, #tpu.memory_space<hbm>> -> memref<50xf32, #tpu.memory_space<hbm>>
        tpu.enqueue_dma source(%dma_start3A_434 : memref<50xf32, #tpu.memory_space<hbm>>) target(%dma_start3A_431 : memref<50xf32, #tpu.memory_space<vmem>>) target_semaphore(%arg19 : memref<!tpu.dma_semaphore, #tpu.memory_space<semaphore_mem>>)
        %slice3A_435 = vector.extract_strided_slice %get3A_47 {offsets = [12], sizes = [1], strides = [1]} : vector<16xi32> to vector<1xi32>
        %squeeze3A_436 = vector.extract %slice3A_435[0] : i32 from vector<1xi32>
        %add3A_437 = arith.constant 12 : i32
        %add3A_438 = arith.addi %mul3A_44, %add3A_437 : i32
        %dma_start3A_439 = arith.constant 0 : i32
        %dma_start3A_440 = tpu.memref_slice %arg12[%add3A_438, %dma_start3A_439] : memref<128x128xf32, #tpu.memory_space<vmem>> -> memref<1x50xf32, #tpu.memory_space<vmem>>
        %dma_start3A_441 = tpu.memref_squeeze %dma_start3A_440 : memref<1x50xf32, #tpu.memory_space<vmem>> -> memref<50xf32, #tpu.memory_space<vmem>>
        %dma_start3A_442 = arith.constant 0 : i32
        %dma_start3A_443 = tpu.memref_slice %arg4[%squeeze3A_436, %dma_start3A_442] : memref<1000000x50xf32, #tpu.memory_space<hbm>> -> memref<1x50xf32, #tpu.memory_space<hbm>>
        %dma_start3A_444 = tpu.memref_squeeze %dma_start3A_443 : memref<1x50xf32, #tpu.memory_space<hbm>> -> memref<50xf32, #tpu.memory_space<hbm>>
        %dma_start3A_445 = arith.constant 0 : i32
        %dma_start3A_446 = tpu.memref_slice %arg12[%add3A_438, %dma_start3A_445] : memref<128x128xf32, #tpu.memory_space<vmem>> -> memref<1x50xf32, #tpu.memory_space<vmem>>
        %dma_start3A_447 = tpu.memref_squeeze %dma_start3A_446 : memref<1x50xf32, #tpu.memory_space<vmem>> -> memref<50xf32, #tpu.memory_space<vmem>>
        %dma_start3A_448 = arith.constant 0 : i32
        %dma_start3A_449 = tpu.memref_slice %arg4[%squeeze3A_436, %dma_start3A_448] : memref<1000000x50xf32, #tpu.memory_space<hbm>> -> memref<1x50xf32, #tpu.memory_space<hbm>>
        %dma_start3A_450 = tpu.memref_squeeze %dma_start3A_449 : memref<1x50xf32, #tpu.memory_space<hbm>> -> memref<50xf32, #tpu.memory_space<hbm>>
        tpu.enqueue_dma source(%dma_start3A_450 : memref<50xf32, #tpu.memory_space<hbm>>) target(%dma_start3A_447 : memref<50xf32, #tpu.memory_space<vmem>>) target_semaphore(%arg18 : memref<!tpu.dma_semaphore, #tpu.memory_space<semaphore_mem>>)
        %slice3A_451 = vector.extract_strided_slice %get3A_50 {offsets = [12], sizes = [1], strides = [1]} : vector<16xi32> to vector<1xi32>
        %squeeze3A_452 = vector.extract %slice3A_451[0] : i32 from vector<1xi32>
        %add3A_453 = arith.constant 12 : i32
        %add3A_454 = arith.addi %mul3A_44, %add3A_453 : i32
        %dma_start3A_455 = arith.constant 0 : i32
        %dma_start3A_456 = tpu.memref_slice %arg13[%add3A_454, %dma_start3A_455] : memref<128x128xf32, #tpu.memory_space<vmem>> -> memref<1x50xf32, #tpu.memory_space<vmem>>
        %dma_start3A_457 = tpu.memref_squeeze %dma_start3A_456 : memref<1x50xf32, #tpu.memory_space<vmem>> -> memref<50xf32, #tpu.memory_space<vmem>>
        %dma_start3A_458 = arith.constant 0 : i32
        %dma_start3A_459 = tpu.memref_slice %arg5[%squeeze3A_452, %dma_start3A_458] : memref<1000000x50xf32, #tpu.memory_space<hbm>> -> memref<1x50xf32, #tpu.memory_space<hbm>>
        %dma_start3A_460 = tpu.memref_squeeze %dma_start3A_459 : memref<1x50xf32, #tpu.memory_space<hbm>> -> memref<50xf32, #tpu.memory_space<hbm>>
        %dma_start3A_461 = arith.constant 0 : i32
        %dma_start3A_462 = tpu.memref_slice %arg13[%add3A_454, %dma_start3A_461] : memref<128x128xf32, #tpu.memory_space<vmem>> -> memref<1x50xf32, #tpu.memory_space<vmem>>
        %dma_start3A_463 = tpu.memref_squeeze %dma_start3A_462 : memref<1x50xf32, #tpu.memory_space<vmem>> -> memref<50xf32, #tpu.memory_space<vmem>>
        %dma_start3A_464 = arith.constant 0 : i32
        %dma_start3A_465 = tpu.memref_slice %arg5[%squeeze3A_452, %dma_start3A_464] : memref<1000000x50xf32, #tpu.memory_space<hbm>> -> memref<1x50xf32, #tpu.memory_space<hbm>>
        %dma_start3A_466 = tpu.memref_squeeze %dma_start3A_465 : memref<1x50xf32, #tpu.memory_space<hbm>> -> memref<50xf32, #tpu.memory_space<hbm>>
        tpu.enqueue_dma source(%dma_start3A_466 : memref<50xf32, #tpu.memory_space<hbm>>) target(%dma_start3A_463 : memref<50xf32, #tpu.memory_space<vmem>>) target_semaphore(%arg19 : memref<!tpu.dma_semaphore, #tpu.memory_space<semaphore_mem>>)
        %slice3A_467 = vector.extract_strided_slice %get3A_47 {offsets = [13], sizes = [1], strides = [1]} : vector<16xi32> to vector<1xi32>
        %squeeze3A_468 = vector.extract %slice3A_467[0] : i32 from vector<1xi32>
        %add3A_469 = arith.constant 13 : i32
        %add3A_470 = arith.addi %mul3A_44, %add3A_469 : i32
        %dma_start3A_471 = arith.constant 0 : i32
        %dma_start3A_472 = tpu.memref_slice %arg12[%add3A_470, %dma_start3A_471] : memref<128x128xf32, #tpu.memory_space<vmem>> -> memref<1x50xf32, #tpu.memory_space<vmem>>
        %dma_start3A_473 = tpu.memref_squeeze %dma_start3A_472 : memref<1x50xf32, #tpu.memory_space<vmem>> -> memref<50xf32, #tpu.memory_space<vmem>>
        %dma_start3A_474 = arith.constant 0 : i32
        %dma_start3A_475 = tpu.memref_slice %arg4[%squeeze3A_468, %dma_start3A_474] : memref<1000000x50xf32, #tpu.memory_space<hbm>> -> memref<1x50xf32, #tpu.memory_space<hbm>>
        %dma_start3A_476 = tpu.memref_squeeze %dma_start3A_475 : memref<1x50xf32, #tpu.memory_space<hbm>> -> memref<50xf32, #tpu.memory_space<hbm>>
        %dma_start3A_477 = arith.constant 0 : i32
        %dma_start3A_478 = tpu.memref_slice %arg12[%add3A_470, %dma_start3A_477] : memref<128x128xf32, #tpu.memory_space<vmem>> -> memref<1x50xf32, #tpu.memory_space<vmem>>
        %dma_start3A_479 = tpu.memref_squeeze %dma_start3A_478 : memref<1x50xf32, #tpu.memory_space<vmem>> -> memref<50xf32, #tpu.memory_space<vmem>>
        %dma_start3A_480 = arith.constant 0 : i32
        %dma_start3A_481 = tpu.memref_slice %arg4[%squeeze3A_468, %dma_start3A_480] : memref<1000000x50xf32, #tpu.memory_space<hbm>> -> memref<1x50xf32, #tpu.memory_space<hbm>>
        %dma_start3A_482 = tpu.memref_squeeze %dma_start3A_481 : memref<1x50xf32, #tpu.memory_space<hbm>> -> memref<50xf32, #tpu.memory_space<hbm>>
        tpu.enqueue_dma source(%dma_start3A_482 : memref<50xf32, #tpu.memory_space<hbm>>) target(%dma_start3A_479 : memref<50xf32, #tpu.memory_space<vmem>>) target_semaphore(%arg18 : memref<!tpu.dma_semaphore, #tpu.memory_space<semaphore_mem>>)
        %slice3A_483 = vector.extract_strided_slice %get3A_50 {offsets = [13], sizes = [1], strides = [1]} : vector<16xi32> to vector<1xi32>
        %squeeze3A_484 = vector.extract %slice3A_483[0] : i32 from vector<1xi32>
        %add3A_485 = arith.constant 13 : i32
        %add3A_486 = arith.addi %mul3A_44, %add3A_485 : i32
        %dma_start3A_487 = arith.constant 0 : i32
        %dma_start3A_488 = tpu.memref_slice %arg13[%add3A_486, %dma_start3A_487] : memref<128x128xf32, #tpu.memory_space<vmem>> -> memref<1x50xf32, #tpu.memory_space<vmem>>
        %dma_start3A_489 = tpu.memref_squeeze %dma_start3A_488 : memref<1x50xf32, #tpu.memory_space<vmem>> -> memref<50xf32, #tpu.memory_space<vmem>>
        %dma_start3A_490 = arith.constant 0 : i32
        %dma_start3A_491 = tpu.memref_slice %arg5[%squeeze3A_484, %dma_start3A_490] : memref<1000000x50xf32, #tpu.memory_space<hbm>> -> memref<1x50xf32, #tpu.memory_space<hbm>>
        %dma_start3A_492 = tpu.memref_squeeze %dma_start3A_491 : memref<1x50xf32, #tpu.memory_space<hbm>> -> memref<50xf32, #tpu.memory_space<hbm>>
        %dma_start3A_493 = arith.constant 0 : i32
        %dma_start3A_494 = tpu.memref_slice %arg13[%add3A_486, %dma_start3A_493] : memref<128x128xf32, #tpu.memory_space<vmem>> -> memref<1x50xf32, #tpu.memory_space<vmem>>
        %dma_start3A_495 = tpu.memref_squeeze %dma_start3A_494 : memref<1x50xf32, #tpu.memory_space<vmem>> -> memref<50xf32, #tpu.memory_space<vmem>>
        %dma_start3A_496 = arith.constant 0 : i32
        %dma_start3A_497 = tpu.memref_slice %arg5[%squeeze3A_484, %dma_start3A_496] : memref<1000000x50xf32, #tpu.memory_space<hbm>> -> memref<1x50xf32, #tpu.memory_space<hbm>>
        %dma_start3A_498 = tpu.memref_squeeze %dma_start3A_497 : memref<1x50xf32, #tpu.memory_space<hbm>> -> memref<50xf32, #tpu.memory_space<hbm>>
        tpu.enqueue_dma source(%dma_start3A_498 : memref<50xf32, #tpu.memory_space<hbm>>) target(%dma_start3A_495 : memref<50xf32, #tpu.memory_space<vmem>>) target_semaphore(%arg19 : memref<!tpu.dma_semaphore, #tpu.memory_space<semaphore_mem>>)
        %slice3A_499 = vector.extract_strided_slice %get3A_47 {offsets = [14], sizes = [1], strides = [1]} : vector<16xi32> to vector<1xi32>
        %squeeze3A_500 = vector.extract %slice3A_499[0] : i32 from vector<1xi32>
        %add3A_501 = arith.constant 14 : i32
        %add3A_502 = arith.addi %mul3A_44, %add3A_501 : i32
        %dma_start3A_503 = arith.constant 0 : i32
        %dma_start3A_504 = tpu.memref_slice %arg12[%add3A_502, %dma_start3A_503] : memref<128x128xf32, #tpu.memory_space<vmem>> -> memref<1x50xf32, #tpu.memory_space<vmem>>
        %dma_start3A_505 = tpu.memref_squeeze %dma_start3A_504 : memref<1x50xf32, #tpu.memory_space<vmem>> -> memref<50xf32, #tpu.memory_space<vmem>>
        %dma_start3A_506 = arith.constant 0 : i32
        %dma_start3A_507 = tpu.memref_slice %arg4[%squeeze3A_500, %dma_start3A_506] : memref<1000000x50xf32, #tpu.memory_space<hbm>> -> memref<1x50xf32, #tpu.memory_space<hbm>>
        %dma_start3A_508 = tpu.memref_squeeze %dma_start3A_507 : memref<1x50xf32, #tpu.memory_space<hbm>> -> memref<50xf32, #tpu.memory_space<hbm>>
        %dma_start3A_509 = arith.constant 0 : i32
        %dma_start3A_510 = tpu.memref_slice %arg12[%add3A_502, %dma_start3A_509] : memref<128x128xf32, #tpu.memory_space<vmem>> -> memref<1x50xf32, #tpu.memory_space<vmem>>
        %dma_start3A_511 = tpu.memref_squeeze %dma_start3A_510 : memref<1x50xf32, #tpu.memory_space<vmem>> -> memref<50xf32, #tpu.memory_space<vmem>>
        %dma_start3A_512 = arith.constant 0 : i32
        %dma_start3A_513 = tpu.memref_slice %arg4[%squeeze3A_500, %dma_start3A_512] : memref<1000000x50xf32, #tpu.memory_space<hbm>> -> memref<1x50xf32, #tpu.memory_space<hbm>>
        %dma_start3A_514 = tpu.memref_squeeze %dma_start3A_513 : memref<1x50xf32, #tpu.memory_space<hbm>> -> memref<50xf32, #tpu.memory_space<hbm>>
        tpu.enqueue_dma source(%dma_start3A_514 : memref<50xf32, #tpu.memory_space<hbm>>) target(%dma_start3A_511 : memref<50xf32, #tpu.memory_space<vmem>>) target_semaphore(%arg18 : memref<!tpu.dma_semaphore, #tpu.memory_space<semaphore_mem>>)
        %slice3A_515 = vector.extract_strided_slice %get3A_50 {offsets = [14], sizes = [1], strides = [1]} : vector<16xi32> to vector<1xi32>
        %squeeze3A_516 = vector.extract %slice3A_515[0] : i32 from vector<1xi32>
        %add3A_517 = arith.constant 14 : i32
        %add3A_518 = arith.addi %mul3A_44, %add3A_517 : i32
        %dma_start3A_519 = arith.constant 0 : i32
        %dma_start3A_520 = tpu.memref_slice %arg13[%add3A_518, %dma_start3A_519] : memref<128x128xf32, #tpu.memory_space<vmem>> -> memref<1x50xf32, #tpu.memory_space<vmem>>
        %dma_start3A_521 = tpu.memref_squeeze %dma_start3A_520 : memref<1x50xf32, #tpu.memory_space<vmem>> -> memref<50xf32, #tpu.memory_space<vmem>>
        %dma_start3A_522 = arith.constant 0 : i32
        %dma_start3A_523 = tpu.memref_slice %arg5[%squeeze3A_516, %dma_start3A_522] : memref<1000000x50xf32, #tpu.memory_space<hbm>> -> memref<1x50xf32, #tpu.memory_space<hbm>>
        %dma_start3A_524 = tpu.memref_squeeze %dma_start3A_523 : memref<1x50xf32, #tpu.memory_space<hbm>> -> memref<50xf32, #tpu.memory_space<hbm>>
        %dma_start3A_525 = arith.constant 0 : i32
        %dma_start3A_526 = tpu.memref_slice %arg13[%add3A_518, %dma_start3A_525] : memref<128x128xf32, #tpu.memory_space<vmem>> -> memref<1x50xf32, #tpu.memory_space<vmem>>
        %dma_start3A_527 = tpu.memref_squeeze %dma_start3A_526 : memref<1x50xf32, #tpu.memory_space<vmem>> -> memref<50xf32, #tpu.memory_space<vmem>>
        %dma_start3A_528 = arith.constant 0 : i32
        %dma_start3A_529 = tpu.memref_slice %arg5[%squeeze3A_516, %dma_start3A_528] : memref<1000000x50xf32, #tpu.memory_space<hbm>> -> memref<1x50xf32, #tpu.memory_space<hbm>>
        %dma_start3A_530 = tpu.memref_squeeze %dma_start3A_529 : memref<1x50xf32, #tpu.memory_space<hbm>> -> memref<50xf32, #tpu.memory_space<hbm>>
        tpu.enqueue_dma source(%dma_start3A_530 : memref<50xf32, #tpu.memory_space<hbm>>) target(%dma_start3A_527 : memref<50xf32, #tpu.memory_space<vmem>>) target_semaphore(%arg19 : memref<!tpu.dma_semaphore, #tpu.memory_space<semaphore_mem>>)
        %slice3A_531 = vector.extract_strided_slice %get3A_47 {offsets = [15], sizes = [1], strides = [1]} : vector<16xi32> to vector<1xi32>
        %squeeze3A_532 = vector.extract %slice3A_531[0] : i32 from vector<1xi32>
        %add3A_533 = arith.constant 15 : i32
        %add3A_534 = arith.addi %mul3A_44, %add3A_533 : i32
        %dma_start3A_535 = arith.constant 0 : i32
        %dma_start3A_536 = tpu.memref_slice %arg12[%add3A_534, %dma_start3A_535] : memref<128x128xf32, #tpu.memory_space<vmem>> -> memref<1x50xf32, #tpu.memory_space<vmem>>
        %dma_start3A_537 = tpu.memref_squeeze %dma_start3A_536 : memref<1x50xf32, #tpu.memory_space<vmem>> -> memref<50xf32, #tpu.memory_space<vmem>>
        %dma_start3A_538 = arith.constant 0 : i32
        %dma_start3A_539 = tpu.memref_slice %arg4[%squeeze3A_532, %dma_start3A_538] : memref<1000000x50xf32, #tpu.memory_space<hbm>> -> memref<1x50xf32, #tpu.memory_space<hbm>>
        %dma_start3A_540 = tpu.memref_squeeze %dma_start3A_539 : memref<1x50xf32, #tpu.memory_space<hbm>> -> memref<50xf32, #tpu.memory_space<hbm>>
        %dma_start3A_541 = arith.constant 0 : i32
        %dma_start3A_542 = tpu.memref_slice %arg12[%add3A_534, %dma_start3A_541] : memref<128x128xf32, #tpu.memory_space<vmem>> -> memref<1x50xf32, #tpu.memory_space<vmem>>
        %dma_start3A_543 = tpu.memref_squeeze %dma_start3A_542 : memref<1x50xf32, #tpu.memory_space<vmem>> -> memref<50xf32, #tpu.memory_space<vmem>>
        %dma_start3A_544 = arith.constant 0 : i32
        %dma_start3A_545 = tpu.memref_slice %arg4[%squeeze3A_532, %dma_start3A_544] : memref<1000000x50xf32, #tpu.memory_space<hbm>> -> memref<1x50xf32, #tpu.memory_space<hbm>>
        %dma_start3A_546 = tpu.memref_squeeze %dma_start3A_545 : memref<1x50xf32, #tpu.memory_space<hbm>> -> memref<50xf32, #tpu.memory_space<hbm>>
        tpu.enqueue_dma source(%dma_start3A_546 : memref<50xf32, #tpu.memory_space<hbm>>) target(%dma_start3A_543 : memref<50xf32, #tpu.memory_space<vmem>>) target_semaphore(%arg18 : memref<!tpu.dma_semaphore, #tpu.memory_space<semaphore_mem>>)
        %slice3A_547 = vector.extract_strided_slice %get3A_50 {offsets = [15], sizes = [1], strides = [1]} : vector<16xi32> to vector<1xi32>
        %squeeze3A_548 = vector.extract %slice3A_547[0] : i32 from vector<1xi32>
        %add3A_549 = arith.constant 15 : i32
        %add3A_550 = arith.addi %mul3A_44, %add3A_549 : i32
        %dma_start3A_551 = arith.constant 0 : i32
        %dma_start3A_552 = tpu.memref_slice %arg13[%add3A_550, %dma_start3A_551] : memref<128x128xf32, #tpu.memory_space<vmem>> -> memref<1x50xf32, #tpu.memory_space<vmem>>
        %dma_start3A_553 = tpu.memref_squeeze %dma_start3A_552 : memref<1x50xf32, #tpu.memory_space<vmem>> -> memref<50xf32, #tpu.memory_space<vmem>>
        %dma_start3A_554 = arith.constant 0 : i32
        %dma_start3A_555 = tpu.memref_slice %arg5[%squeeze3A_548, %dma_start3A_554] : memref<1000000x50xf32, #tpu.memory_space<hbm>> -> memref<1x50xf32, #tpu.memory_space<hbm>>
        %dma_start3A_556 = tpu.memref_squeeze %dma_start3A_555 : memref<1x50xf32, #tpu.memory_space<hbm>> -> memref<50xf32, #tpu.memory_space<hbm>>
        %dma_start3A_557 = arith.constant 0 : i32
        %dma_start3A_558 = tpu.memref_slice %arg13[%add3A_550, %dma_start3A_557] : memref<128x128xf32, #tpu.memory_space<vmem>> -> memref<1x50xf32, #tpu.memory_space<vmem>>
        %dma_start3A_559 = tpu.memref_squeeze %dma_start3A_558 : memref<1x50xf32, #tpu.memory_space<vmem>> -> memref<50xf32, #tpu.memory_space<vmem>>
        %dma_start3A_560 = arith.constant 0 : i32
        %dma_start3A_561 = tpu.memref_slice %arg5[%squeeze3A_548, %dma_start3A_560] : memref<1000000x50xf32, #tpu.memory_space<hbm>> -> memref<1x50xf32, #tpu.memory_space<hbm>>
        %dma_start3A_562 = tpu.memref_squeeze %dma_start3A_561 : memref<1x50xf32, #tpu.memory_space<hbm>> -> memref<50xf32, #tpu.memory_space<hbm>>
        tpu.enqueue_dma source(%dma_start3A_562 : memref<50xf32, #tpu.memory_space<hbm>>) target(%dma_start3A_559 : memref<50xf32, #tpu.memory_space<vmem>>) target_semaphore(%arg19 : memref<!tpu.dma_semaphore, #tpu.memory_space<semaphore_mem>>)
      }
      %scan3A_29 = arith.constant 8 : i32
      %scan3A_30 = arith.constant 0 : i32
      %scan3A_31 = arith.constant 0 : i32
      %scan3A_32 = arith.constant 128 : i32
      %scan3A_33 = arith.addi %scan3A_31, %scan3A_32 : i32
      %scan3A_34 = arith.constant 1 : i32
      scf.for %scan3A_42 = %scan3A_31 to %scan3A_33 step %scan3A_34  : i32 {
        %dma_wait3A_43 = arith.constant 0 : i32
        %dma_wait3A_44 = arith.constant 0 : i32
        %dma_wait3A_45 = tpu.memref_slice %arg12[%scan3A_42, %dma_wait3A_44] : memref<128x128xf32, #tpu.memory_space<vmem>> -> memref<1x50xf32, #tpu.memory_space<vmem>>
        %dma_wait3A_46 = tpu.memref_squeeze %dma_wait3A_45 : memref<1x50xf32, #tpu.memory_space<vmem>> -> memref<50xf32, #tpu.memory_space<vmem>>
        %dma_wait3A_47 = arith.constant 0 : i32
        %dma_wait3A_48 = tpu.memref_slice %arg4[%dma_wait3A_43, %dma_wait3A_47] : memref<1000000x50xf32, #tpu.memory_space<hbm>> -> memref<1x50xf32, #tpu.memory_space<hbm>>
        %dma_wait3A_49 = tpu.memref_squeeze %dma_wait3A_48 : memref<1x50xf32, #tpu.memory_space<hbm>> -> memref<50xf32, #tpu.memory_space<hbm>>
        %dma_wait3A_50 = arith.constant 0 : i32
        %dma_wait3A_51 = tpu.memref_slice %arg12[%scan3A_42, %dma_wait3A_50] : memref<128x128xf32, #tpu.memory_space<vmem>> -> memref<1x50xf32, #tpu.memory_space<vmem>>
        %dma_wait3A_52 = tpu.memref_squeeze %dma_wait3A_51 : memref<1x50xf32, #tpu.memory_space<vmem>> -> memref<50xf32, #tpu.memory_space<vmem>>
        %dma_wait3A_53 = arith.constant 0 : i32
        %dma_wait3A_54 = tpu.memref_slice %arg4[%dma_wait3A_43, %dma_wait3A_53] : memref<1000000x50xf32, #tpu.memory_space<hbm>> -> memref<1x50xf32, #tpu.memory_space<hbm>>
        %dma_wait3A_55 = tpu.memref_squeeze %dma_wait3A_54 : memref<1x50xf32, #tpu.memory_space<hbm>> -> memref<50xf32, #tpu.memory_space<hbm>>
        tpu.wait_dma2 semaphore(%arg18 : memref<!tpu.dma_semaphore, #tpu.memory_space<semaphore_mem>>) src(%dma_wait3A_55 : memref<50xf32, #tpu.memory_space<hbm>>) dst(%dma_wait3A_52 : memref<50xf32, #tpu.memory_space<vmem>>)
        %dma_wait3A_56 = arith.constant 0 : i32
        %dma_wait3A_57 = arith.constant 0 : i32
        %dma_wait3A_58 = tpu.memref_slice %arg13[%scan3A_42, %dma_wait3A_57] : memref<128x128xf32, #tpu.memory_space<vmem>> -> memref<1x50xf32, #tpu.memory_space<vmem>>
        %dma_wait3A_59 = tpu.memref_squeeze %dma_wait3A_58 : memref<1x50xf32, #tpu.memory_space<vmem>> -> memref<50xf32, #tpu.memory_space<vmem>>
        %dma_wait3A_60 = arith.constant 0 : i32
        %dma_wait3A_61 = tpu.memref_slice %arg5[%dma_wait3A_56, %dma_wait3A_60] : memref<1000000x50xf32, #tpu.memory_space<hbm>> -> memref<1x50xf32, #tpu.memory_space<hbm>>
        %dma_wait3A_62 = tpu.memref_squeeze %dma_wait3A_61 : memref<1x50xf32, #tpu.memory_space<hbm>> -> memref<50xf32, #tpu.memory_space<hbm>>
        %dma_wait3A_63 = arith.constant 0 : i32
        %dma_wait3A_64 = tpu.memref_slice %arg13[%scan3A_42, %dma_wait3A_63] : memref<128x128xf32, #tpu.memory_space<vmem>> -> memref<1x50xf32, #tpu.memory_space<vmem>>
        %dma_wait3A_65 = tpu.memref_squeeze %dma_wait3A_64 : memref<1x50xf32, #tpu.memory_space<vmem>> -> memref<50xf32, #tpu.memory_space<vmem>>
        %dma_wait3A_66 = arith.constant 0 : i32
        %dma_wait3A_67 = tpu.memref_slice %arg5[%dma_wait3A_56, %dma_wait3A_66] : memref<1000000x50xf32, #tpu.memory_space<hbm>> -> memref<1x50xf32, #tpu.memory_space<hbm>>
        %dma_wait3A_68 = tpu.memref_squeeze %dma_wait3A_67 : memref<1x50xf32, #tpu.memory_space<hbm>> -> memref<50xf32, #tpu.memory_space<hbm>>
        tpu.wait_dma2 semaphore(%arg19 : memref<!tpu.dma_semaphore, #tpu.memory_space<semaphore_mem>>) src(%dma_wait3A_68 : memref<50xf32, #tpu.memory_space<hbm>>) dst(%dma_wait3A_65 : memref<50xf32, #tpu.memory_space<vmem>>)
      }
      %scan3A_35 = arith.constant 128 : i32
      %scan3A_36 = arith.constant 0 : i32
      %scan3A_37 = arith.constant 0 : i32
      %scan3A_38 = arith.constant 8 : i32
      %scan3A_39 = arith.addi %scan3A_37, %scan3A_38 : i32
      %scan3A_40 = arith.constant 1 : i32
      scf.for %scan3A_42 = %scan3A_37 to %scan3A_39 step %scan3A_40  : i32 {
        %mul3A_43 = arith.constant 16 : i32
        %mul3A_44 = arith.muli %scan3A_42, %mul3A_43 : i32
        %add3A_45 = vector.broadcast %mul3A_44 : i32 to vector<16xi32>
        %add3A_46 = arith.addi %add3A_45, %iota3A : vector<16xi32>
        %broadcast_in_dim3A_47 = arith.constant 0.000000e+00 : f32
        %broadcast_in_dim3A_48 = vector.broadcast %broadcast_in_dim3A_47 : f32 to vector<16xf32>
        %broadcast_in_dim3A_49 = arith.constant 0 : i32
        %broadcast_in_dim3A_50 = vector.broadcast %broadcast_in_dim3A_49 : i32 to vector<16xi32>
        %gather3A = tpu.vector_load_idx %arg12[%add3A_46, %broadcast_in_dim3A_50] : memref<128x128xf32, #tpu.memory_space<vmem>>[vector<16xi32>, vector<16xi32>], vector<16xf32>,
        %gather3A_51 = tpu.vector_load_idx %arg13[%add3A_46, %broadcast_in_dim3A_50] : memref<128x128xf32, #tpu.memory_space<vmem>>[vector<16xi32>, vector<16xi32>], vector<16xf32>,
        %mul3A_52 = arith.mulf %gather3A, %gather3A_51 : vector<16xf32>
        %add3A_53 = arith.addf %broadcast_in_dim3A_48, %mul3A_52 : vector<16xf32>
        %broadcast_in_dim3A_54 = arith.constant 1 : i32
        %broadcast_in_dim3A_55 = vector.broadcast %broadcast_in_dim3A_54 : i32 to vector<16xi32>
        %gather3A_56 = tpu.vector_load_idx %arg12[%add3A_46, %broadcast_in_dim3A_55] : memref<128x128xf32, #tpu.memory_space<vmem>>[vector<16xi32>, vector<16xi32>], vector<16xf32>,
        %gather3A_57 = tpu.vector_load_idx %arg13[%add3A_46, %broadcast_in_dim3A_55] : memref<128x128xf32, #tpu.memory_space<vmem>>[vector<16xi32>, vector<16xi32>], vector<16xf32>,
        %mul3A_58 = arith.mulf %gather3A_56, %gather3A_57 : vector<16xf32>
        %add3A_59 = arith.addf %add3A_53, %mul3A_58 : vector<16xf32>
        %broadcast_in_dim3A_60 = arith.constant 2 : i32
        %broadcast_in_dim3A_61 = vector.broadcast %broadcast_in_dim3A_60 : i32 to vector<16xi32>
        %gather3A_62 = tpu.vector_load_idx %arg12[%add3A_46, %broadcast_in_dim3A_61] : memref<128x128xf32, #tpu.memory_space<vmem>>[vector<16xi32>, vector<16xi32>], vector<16xf32>,
        %gather3A_63 = tpu.vector_load_idx %arg13[%add3A_46, %broadcast_in_dim3A_61] : memref<128x128xf32, #tpu.memory_space<vmem>>[vector<16xi32>, vector<16xi32>], vector<16xf32>,
        %mul3A_64 = arith.mulf %gather3A_62, %gather3A_63 : vector<16xf32>
        %add3A_65 = arith.addf %add3A_59, %mul3A_64 : vector<16xf32>
        %broadcast_in_dim3A_66 = arith.constant 3 : i32
        %broadcast_in_dim3A_67 = vector.broadcast %broadcast_in_dim3A_66 : i32 to vector<16xi32>
        %gather3A_68 = tpu.vector_load_idx %arg12[%add3A_46, %broadcast_in_dim3A_67] : memref<128x128xf32, #tpu.memory_space<vmem>>[vector<16xi32>, vector<16xi32>], vector<16xf32>,
        %gather3A_69 = tpu.vector_load_idx %arg13[%add3A_46, %broadcast_in_dim3A_67] : memref<128x128xf32, #tpu.memory_space<vmem>>[vector<16xi32>, vector<16xi32>], vector<16xf32>,
        %mul3A_70 = arith.mulf %gather3A_68, %gather3A_69 : vector<16xf32>
        %add3A_71 = arith.addf %add3A_65, %mul3A_70 : vector<16xf32>
        %broadcast_in_dim3A_72 = arith.constant 4 : i32
        %broadcast_in_dim3A_73 = vector.broadcast %broadcast_in_dim3A_72 : i32 to vector<16xi32>
        %gather3A_74 = tpu.vector_load_idx %arg12[%add3A_46, %broadcast_in_dim3A_73] : memref<128x128xf32, #tpu.memory_space<vmem>>[vector<16xi32>, vector<16xi32>], vector<16xf32>,
        %gather3A_75 = tpu.vector_load_idx %arg13[%add3A_46, %broadcast_in_dim3A_73] : memref<128x128xf32, #tpu.memory_space<vmem>>[vector<16xi32>, vector<16xi32>], vector<16xf32>,
        %mul3A_76 = arith.mulf %gather3A_74, %gather3A_75 : vector<16xf32>
        %add3A_77 = arith.addf %add3A_71, %mul3A_76 : vector<16xf32>
        %broadcast_in_dim3A_78 = arith.constant 5 : i32
        %broadcast_in_dim3A_79 = vector.broadcast %broadcast_in_dim3A_78 : i32 to vector<16xi32>
        %gather3A_80 = tpu.vector_load_idx %arg12[%add3A_46, %broadcast_in_dim3A_79] : memref<128x128xf32, #tpu.memory_space<vmem>>[vector<16xi32>, vector<16xi32>], vector<16xf32>,
        %gather3A_81 = tpu.vector_load_idx %arg13[%add3A_46, %broadcast_in_dim3A_79] : memref<128x128xf32, #tpu.memory_space<vmem>>[vector<16xi32>, vector<16xi32>], vector<16xf32>,
        %mul3A_82 = arith.mulf %gather3A_80, %gather3A_81 : vector<16xf32>
        %add3A_83 = arith.addf %add3A_77, %mul3A_82 : vector<16xf32>
        %broadcast_in_dim3A_84 = arith.constant 6 : i32
        %broadcast_in_dim3A_85 = vector.broadcast %broadcast_in_dim3A_84 : i32 to vector<16xi32>
        %gather3A_86 = tpu.vector_load_idx %arg12[%add3A_46, %broadcast_in_dim3A_85] : memref<128x128xf32, #tpu.memory_space<vmem>>[vector<16xi32>, vector<16xi32>], vector<16xf32>,
        %gather3A_87 = tpu.vector_load_idx %arg13[%add3A_46, %broadcast_in_dim3A_85] : memref<128x128xf32, #tpu.memory_space<vmem>>[vector<16xi32>, vector<16xi32>], vector<16xf32>,
        %mul3A_88 = arith.mulf %gather3A_86, %gather3A_87 : vector<16xf32>
        %add3A_89 = arith.addf %add3A_83, %mul3A_88 : vector<16xf32>
        %broadcast_in_dim3A_90 = arith.constant 7 : i32
        %broadcast_in_dim3A_91 = vector.broadcast %broadcast_in_dim3A_90 : i32 to vector<16xi32>
        %gather3A_92 = tpu.vector_load_idx %arg12[%add3A_46, %broadcast_in_dim3A_91] : memref<128x128xf32, #tpu.memory_space<vmem>>[vector<16xi32>, vector<16xi32>], vector<16xf32>,
        %gather3A_93 = tpu.vector_load_idx %arg13[%add3A_46, %broadcast_in_dim3A_91] : memref<128x128xf32, #tpu.memory_space<vmem>>[vector<16xi32>, vector<16xi32>], vector<16xf32>,
        %mul3A_94 = arith.mulf %gather3A_92, %gather3A_93 : vector<16xf32>
        %add3A_95 = arith.addf %add3A_89, %mul3A_94 : vector<16xf32>
        %broadcast_in_dim3A_96 = arith.constant 8 : i32
        %broadcast_in_dim3A_97 = vector.broadcast %broadcast_in_dim3A_96 : i32 to vector<16xi32>
        %gather3A_98 = tpu.vector_load_idx %arg12[%add3A_46, %broadcast_in_dim3A_97] : memref<128x128xf32, #tpu.memory_space<vmem>>[vector<16xi32>, vector<16xi32>], vector<16xf32>,
        %gather3A_99 = tpu.vector_load_idx %arg13[%add3A_46, %broadcast_in_dim3A_97] : memref<128x128xf32, #tpu.memory_space<vmem>>[vector<16xi32>, vector<16xi32>], vector<16xf32>,
        %mul3A_100 = arith.mulf %gather3A_98, %gather3A_99 : vector<16xf32>
        %add3A_101 = arith.addf %add3A_95, %mul3A_100 : vector<16xf32>
        %broadcast_in_dim3A_102 = arith.constant 9 : i32
        %broadcast_in_dim3A_103 = vector.broadcast %broadcast_in_dim3A_102 : i32 to vector<16xi32>
        %gather3A_104 = tpu.vector_load_idx %arg12[%add3A_46, %broadcast_in_dim3A_103] : memref<128x128xf32, #tpu.memory_space<vmem>>[vector<16xi32>, vector<16xi32>], vector<16xf32>,
        %gather3A_105 = tpu.vector_load_idx %arg13[%add3A_46, %broadcast_in_dim3A_103] : memref<128x128xf32, #tpu.memory_space<vmem>>[vector<16xi32>, vector<16xi32>], vector<16xf32>,
        %mul3A_106 = arith.mulf %gather3A_104, %gather3A_105 : vector<16xf32>
        %add3A_107 = arith.addf %add3A_101, %mul3A_106 : vector<16xf32>
        %broadcast_in_dim3A_108 = arith.constant 10 : i32
        %broadcast_in_dim3A_109 = vector.broadcast %broadcast_in_dim3A_108 : i32 to vector<16xi32>
        %gather3A_110 = tpu.vector_load_idx %arg12[%add3A_46, %broadcast_in_dim3A_109] : memref<128x128xf32, #tpu.memory_space<vmem>>[vector<16xi32>, vector<16xi32>], vector<16xf32>,
        %gather3A_111 = tpu.vector_load_idx %arg13[%add3A_46, %broadcast_in_dim3A_109] : memref<128x128xf32, #tpu.memory_space<vmem>>[vector<16xi32>, vector<16xi32>], vector<16xf32>,
        %mul3A_112 = arith.mulf %gather3A_110, %gather3A_111 : vector<16xf32>
        %add3A_113 = arith.addf %add3A_107, %mul3A_112 : vector<16xf32>
        %broadcast_in_dim3A_114 = arith.constant 11 : i32
        %broadcast_in_dim3A_115 = vector.broadcast %broadcast_in_dim3A_114 : i32 to vector<16xi32>
        %gather3A_116 = tpu.vector_load_idx %arg12[%add3A_46, %broadcast_in_dim3A_115] : memref<128x128xf32, #tpu.memory_space<vmem>>[vector<16xi32>, vector<16xi32>], vector<16xf32>,
        %gather3A_117 = tpu.vector_load_idx %arg13[%add3A_46, %broadcast_in_dim3A_115] : memref<128x128xf32, #tpu.memory_space<vmem>>[vector<16xi32>, vector<16xi32>], vector<16xf32>,
        %mul3A_118 = arith.mulf %gather3A_116, %gather3A_117 : vector<16xf32>
        %add3A_119 = arith.addf %add3A_113, %mul3A_118 : vector<16xf32>
        %broadcast_in_dim3A_120 = arith.constant 12 : i32
        %broadcast_in_dim3A_121 = vector.broadcast %broadcast_in_dim3A_120 : i32 to vector<16xi32>
        %gather3A_122 = tpu.vector_load_idx %arg12[%add3A_46, %broadcast_in_dim3A_121] : memref<128x128xf32, #tpu.memory_space<vmem>>[vector<16xi32>, vector<16xi32>], vector<16xf32>,
        %gather3A_123 = tpu.vector_load_idx %arg13[%add3A_46, %broadcast_in_dim3A_121] : memref<128x128xf32, #tpu.memory_space<vmem>>[vector<16xi32>, vector<16xi32>], vector<16xf32>,
        %mul3A_124 = arith.mulf %gather3A_122, %gather3A_123 : vector<16xf32>
        %add3A_125 = arith.addf %add3A_119, %mul3A_124 : vector<16xf32>
        %broadcast_in_dim3A_126 = arith.constant 13 : i32
        %broadcast_in_dim3A_127 = vector.broadcast %broadcast_in_dim3A_126 : i32 to vector<16xi32>
        %gather3A_128 = tpu.vector_load_idx %arg12[%add3A_46, %broadcast_in_dim3A_127] : memref<128x128xf32, #tpu.memory_space<vmem>>[vector<16xi32>, vector<16xi32>], vector<16xf32>,
        %gather3A_129 = tpu.vector_load_idx %arg13[%add3A_46, %broadcast_in_dim3A_127] : memref<128x128xf32, #tpu.memory_space<vmem>>[vector<16xi32>, vector<16xi32>], vector<16xf32>,
        %mul3A_130 = arith.mulf %gather3A_128, %gather3A_129 : vector<16xf32>
        %add3A_131 = arith.addf %add3A_125, %mul3A_130 : vector<16xf32>
        %broadcast_in_dim3A_132 = arith.constant 14 : i32
        %broadcast_in_dim3A_133 = vector.broadcast %broadcast_in_dim3A_132 : i32 to vector<16xi32>
        %gather3A_134 = tpu.vector_load_idx %arg12[%add3A_46, %broadcast_in_dim3A_133] : memref<128x128xf32, #tpu.memory_space<vmem>>[vector<16xi32>, vector<16xi32>], vector<16xf32>,
        %gather3A_135 = tpu.vector_load_idx %arg13[%add3A_46, %broadcast_in_dim3A_133] : memref<128x128xf32, #tpu.memory_space<vmem>>[vector<16xi32>, vector<16xi32>], vector<16xf32>,
        %mul3A_136 = arith.mulf %gather3A_134, %gather3A_135 : vector<16xf32>
        %add3A_137 = arith.addf %add3A_131, %mul3A_136 : vector<16xf32>
        %broadcast_in_dim3A_138 = arith.constant 15 : i32
        %broadcast_in_dim3A_139 = vector.broadcast %broadcast_in_dim3A_138 : i32 to vector<16xi32>
        %gather3A_140 = tpu.vector_load_idx %arg12[%add3A_46, %broadcast_in_dim3A_139] : memref<128x128xf32, #tpu.memory_space<vmem>>[vector<16xi32>, vector<16xi32>], vector<16xf32>,
        %gather3A_141 = tpu.vector_load_idx %arg13[%add3A_46, %broadcast_in_dim3A_139] : memref<128x128xf32, #tpu.memory_space<vmem>>[vector<16xi32>, vector<16xi32>], vector<16xf32>,
        %mul3A_142 = arith.mulf %gather3A_140, %gather3A_141 : vector<16xf32>
        %add3A_143 = arith.addf %add3A_137, %mul3A_142 : vector<16xf32>
        %broadcast_in_dim3A_144 = arith.constant 16 : i32
        %broadcast_in_dim3A_145 = vector.broadcast %broadcast_in_dim3A_144 : i32 to vector<16xi32>
        %gather3A_146 = tpu.vector_load_idx %arg12[%add3A_46, %broadcast_in_dim3A_145] : memref<128x128xf32, #tpu.memory_space<vmem>>[vector<16xi32>, vector<16xi32>], vector<16xf32>,
        %gather3A_147 = tpu.vector_load_idx %arg13[%add3A_46, %broadcast_in_dim3A_145] : memref<128x128xf32, #tpu.memory_space<vmem>>[vector<16xi32>, vector<16xi32>], vector<16xf32>,
        %mul3A_148 = arith.mulf %gather3A_146, %gather3A_147 : vector<16xf32>
        %add3A_149 = arith.addf %add3A_143, %mul3A_148 : vector<16xf32>
        %broadcast_in_dim3A_150 = arith.constant 17 : i32
        %broadcast_in_dim3A_151 = vector.broadcast %broadcast_in_dim3A_150 : i32 to vector<16xi32>
        %gather3A_152 = tpu.vector_load_idx %arg12[%add3A_46, %broadcast_in_dim3A_151] : memref<128x128xf32, #tpu.memory_space<vmem>>[vector<16xi32>, vector<16xi32>], vector<16xf32>,
        %gather3A_153 = tpu.vector_load_idx %arg13[%add3A_46, %broadcast_in_dim3A_151] : memref<128x128xf32, #tpu.memory_space<vmem>>[vector<16xi32>, vector<16xi32>], vector<16xf32>,
        %mul3A_154 = arith.mulf %gather3A_152, %gather3A_153 : vector<16xf32>
        %add3A_155 = arith.addf %add3A_149, %mul3A_154 : vector<16xf32>
        %broadcast_in_dim3A_156 = arith.constant 18 : i32
        %broadcast_in_dim3A_157 = vector.broadcast %broadcast_in_dim3A_156 : i32 to vector<16xi32>
        %gather3A_158 = tpu.vector_load_idx %arg12[%add3A_46, %broadcast_in_dim3A_157] : memref<128x128xf32, #tpu.memory_space<vmem>>[vector<16xi32>, vector<16xi32>], vector<16xf32>,
        %gather3A_159 = tpu.vector_load_idx %arg13[%add3A_46, %broadcast_in_dim3A_157] : memref<128x128xf32, #tpu.memory_space<vmem>>[vector<16xi32>, vector<16xi32>], vector<16xf32>,
        %mul3A_160 = arith.mulf %gather3A_158, %gather3A_159 : vector<16xf32>
        %add3A_161 = arith.addf %add3A_155, %mul3A_160 : vector<16xf32>
        %broadcast_in_dim3A_162 = arith.constant 19 : i32
        %broadcast_in_dim3A_163 = vector.broadcast %broadcast_in_dim3A_162 : i32 to vector<16xi32>
        %gather3A_164 = tpu.vector_load_idx %arg12[%add3A_46, %broadcast_in_dim3A_163] : memref<128x128xf32, #tpu.memory_space<vmem>>[vector<16xi32>, vector<16xi32>], vector<16xf32>,
        %gather3A_165 = tpu.vector_load_idx %arg13[%add3A_46, %broadcast_in_dim3A_163] : memref<128x128xf32, #tpu.memory_space<vmem>>[vector<16xi32>, vector<16xi32>], vector<16xf32>,
        %mul3A_166 = arith.mulf %gather3A_164, %gather3A_165 : vector<16xf32>
        %add3A_167 = arith.addf %add3A_161, %mul3A_166 : vector<16xf32>
        %broadcast_in_dim3A_168 = arith.constant 20 : i32
        %broadcast_in_dim3A_169 = vector.broadcast %broadcast_in_dim3A_168 : i32 to vector<16xi32>
        %gather3A_170 = tpu.vector_load_idx %arg12[%add3A_46, %broadcast_in_dim3A_169] : memref<128x128xf32, #tpu.memory_space<vmem>>[vector<16xi32>, vector<16xi32>], vector<16xf32>,
        %gather3A_171 = tpu.vector_load_idx %arg13[%add3A_46, %broadcast_in_dim3A_169] : memref<128x128xf32, #tpu.memory_space<vmem>>[vector<16xi32>, vector<16xi32>], vector<16xf32>,
        %mul3A_172 = arith.mulf %gather3A_170, %gather3A_171 : vector<16xf32>
        %add3A_173 = arith.addf %add3A_167, %mul3A_172 : vector<16xf32>
        %broadcast_in_dim3A_174 = arith.constant 21 : i32
        %broadcast_in_dim3A_175 = vector.broadcast %broadcast_in_dim3A_174 : i32 to vector<16xi32>
        %gather3A_176 = tpu.vector_load_idx %arg12[%add3A_46, %broadcast_in_dim3A_175] : memref<128x128xf32, #tpu.memory_space<vmem>>[vector<16xi32>, vector<16xi32>], vector<16xf32>,
        %gather3A_177 = tpu.vector_load_idx %arg13[%add3A_46, %broadcast_in_dim3A_175] : memref<128x128xf32, #tpu.memory_space<vmem>>[vector<16xi32>, vector<16xi32>], vector<16xf32>,
        %mul3A_178 = arith.mulf %gather3A_176, %gather3A_177 : vector<16xf32>
        %add3A_179 = arith.addf %add3A_173, %mul3A_178 : vector<16xf32>
        %broadcast_in_dim3A_180 = arith.constant 22 : i32
        %broadcast_in_dim3A_181 = vector.broadcast %broadcast_in_dim3A_180 : i32 to vector<16xi32>
        %gather3A_182 = tpu.vector_load_idx %arg12[%add3A_46, %broadcast_in_dim3A_181] : memref<128x128xf32, #tpu.memory_space<vmem>>[vector<16xi32>, vector<16xi32>], vector<16xf32>,
        %gather3A_183 = tpu.vector_load_idx %arg13[%add3A_46, %broadcast_in_dim3A_181] : memref<128x128xf32, #tpu.memory_space<vmem>>[vector<16xi32>, vector<16xi32>], vector<16xf32>,
        %mul3A_184 = arith.mulf %gather3A_182, %gather3A_183 : vector<16xf32>
        %add3A_185 = arith.addf %add3A_179, %mul3A_184 : vector<16xf32>
        %broadcast_in_dim3A_186 = arith.constant 23 : i32
        %broadcast_in_dim3A_187 = vector.broadcast %broadcast_in_dim3A_186 : i32 to vector<16xi32>
        %gather3A_188 = tpu.vector_load_idx %arg12[%add3A_46, %broadcast_in_dim3A_187] : memref<128x128xf32, #tpu.memory_space<vmem>>[vector<16xi32>, vector<16xi32>], vector<16xf32>,
        %gather3A_189 = tpu.vector_load_idx %arg13[%add3A_46, %broadcast_in_dim3A_187] : memref<128x128xf32, #tpu.memory_space<vmem>>[vector<16xi32>, vector<16xi32>], vector<16xf32>,
        %mul3A_190 = arith.mulf %gather3A_188, %gather3A_189 : vector<16xf32>
        %add3A_191 = arith.addf %add3A_185, %mul3A_190 : vector<16xf32>
        %broadcast_in_dim3A_192 = arith.constant 24 : i32
        %broadcast_in_dim3A_193 = vector.broadcast %broadcast_in_dim3A_192 : i32 to vector<16xi32>
        %gather3A_194 = tpu.vector_load_idx %arg12[%add3A_46, %broadcast_in_dim3A_193] : memref<128x128xf32, #tpu.memory_space<vmem>>[vector<16xi32>, vector<16xi32>], vector<16xf32>,
        %gather3A_195 = tpu.vector_load_idx %arg13[%add3A_46, %broadcast_in_dim3A_193] : memref<128x128xf32, #tpu.memory_space<vmem>>[vector<16xi32>, vector<16xi32>], vector<16xf32>,
        %mul3A_196 = arith.mulf %gather3A_194, %gather3A_195 : vector<16xf32>
        %add3A_197 = arith.addf %add3A_191, %mul3A_196 : vector<16xf32>
        %broadcast_in_dim3A_198 = arith.constant 25 : i32
        %broadcast_in_dim3A_199 = vector.broadcast %broadcast_in_dim3A_198 : i32 to vector<16xi32>
        %gather3A_200 = tpu.vector_load_idx %arg12[%add3A_46, %broadcast_in_dim3A_199] : memref<128x128xf32, #tpu.memory_space<vmem>>[vector<16xi32>, vector<16xi32>], vector<16xf32>,
        %gather3A_201 = tpu.vector_load_idx %arg13[%add3A_46, %broadcast_in_dim3A_199] : memref<128x128xf32, #tpu.memory_space<vmem>>[vector<16xi32>, vector<16xi32>], vector<16xf32>,
        %mul3A_202 = arith.mulf %gather3A_200, %gather3A_201 : vector<16xf32>
        %add3A_203 = arith.addf %add3A_197, %mul3A_202 : vector<16xf32>
        %broadcast_in_dim3A_204 = arith.constant 26 : i32
        %broadcast_in_dim3A_205 = vector.broadcast %broadcast_in_dim3A_204 : i32 to vector<16xi32>
        %gather3A_206 = tpu.vector_load_idx %arg12[%add3A_46, %broadcast_in_dim3A_205] : memref<128x128xf32, #tpu.memory_space<vmem>>[vector<16xi32>, vector<16xi32>], vector<16xf32>,
        %gather3A_207 = tpu.vector_load_idx %arg13[%add3A_46, %broadcast_in_dim3A_205] : memref<128x128xf32, #tpu.memory_space<vmem>>[vector<16xi32>, vector<16xi32>], vector<16xf32>,
        %mul3A_208 = arith.mulf %gather3A_206, %gather3A_207 : vector<16xf32>
        %add3A_209 = arith.addf %add3A_203, %mul3A_208 : vector<16xf32>
        %broadcast_in_dim3A_210 = arith.constant 27 : i32
        %broadcast_in_dim3A_211 = vector.broadcast %broadcast_in_dim3A_210 : i32 to vector<16xi32>
        %gather3A_212 = tpu.vector_load_idx %arg12[%add3A_46, %broadcast_in_dim3A_211] : memref<128x128xf32, #tpu.memory_space<vmem>>[vector<16xi32>, vector<16xi32>], vector<16xf32>,
        %gather3A_213 = tpu.vector_load_idx %arg13[%add3A_46, %broadcast_in_dim3A_211] : memref<128x128xf32, #tpu.memory_space<vmem>>[vector<16xi32>, vector<16xi32>], vector<16xf32>,
        %mul3A_214 = arith.mulf %gather3A_212, %gather3A_213 : vector<16xf32>
        %add3A_215 = arith.addf %add3A_209, %mul3A_214 : vector<16xf32>
        %broadcast_in_dim3A_216 = arith.constant 28 : i32
        %broadcast_in_dim3A_217 = vector.broadcast %broadcast_in_dim3A_216 : i32 to vector<16xi32>
        %gather3A_218 = tpu.vector_load_idx %arg12[%add3A_46, %broadcast_in_dim3A_217] : memref<128x128xf32, #tpu.memory_space<vmem>>[vector<16xi32>, vector<16xi32>], vector<16xf32>,
        %gather3A_219 = tpu.vector_load_idx %arg13[%add3A_46, %broadcast_in_dim3A_217] : memref<128x128xf32, #tpu.memory_space<vmem>>[vector<16xi32>, vector<16xi32>], vector<16xf32>,
        %mul3A_220 = arith.mulf %gather3A_218, %gather3A_219 : vector<16xf32>
        %add3A_221 = arith.addf %add3A_215, %mul3A_220 : vector<16xf32>
        %broadcast_in_dim3A_222 = arith.constant 29 : i32
        %broadcast_in_dim3A_223 = vector.broadcast %broadcast_in_dim3A_222 : i32 to vector<16xi32>
        %gather3A_224 = tpu.vector_load_idx %arg12[%add3A_46, %broadcast_in_dim3A_223] : memref<128x128xf32, #tpu.memory_space<vmem>>[vector<16xi32>, vector<16xi32>], vector<16xf32>,
        %gather3A_225 = tpu.vector_load_idx %arg13[%add3A_46, %broadcast_in_dim3A_223] : memref<128x128xf32, #tpu.memory_space<vmem>>[vector<16xi32>, vector<16xi32>], vector<16xf32>,
        %mul3A_226 = arith.mulf %gather3A_224, %gather3A_225 : vector<16xf32>
        %add3A_227 = arith.addf %add3A_221, %mul3A_226 : vector<16xf32>
        %broadcast_in_dim3A_228 = arith.constant 30 : i32
        %broadcast_in_dim3A_229 = vector.broadcast %broadcast_in_dim3A_228 : i32 to vector<16xi32>
        %gather3A_230 = tpu.vector_load_idx %arg12[%add3A_46, %broadcast_in_dim3A_229] : memref<128x128xf32, #tpu.memory_space<vmem>>[vector<16xi32>, vector<16xi32>], vector<16xf32>,
        %gather3A_231 = tpu.vector_load_idx %arg13[%add3A_46, %broadcast_in_dim3A_229] : memref<128x128xf32, #tpu.memory_space<vmem>>[vector<16xi32>, vector<16xi32>], vector<16xf32>,
        %mul3A_232 = arith.mulf %gather3A_230, %gather3A_231 : vector<16xf32>
        %add3A_233 = arith.addf %add3A_227, %mul3A_232 : vector<16xf32>
        %broadcast_in_dim3A_234 = arith.constant 31 : i32
        %broadcast_in_dim3A_235 = vector.broadcast %broadcast_in_dim3A_234 : i32 to vector<16xi32>
        %gather3A_236 = tpu.vector_load_idx %arg12[%add3A_46, %broadcast_in_dim3A_235] : memref<128x128xf32, #tpu.memory_space<vmem>>[vector<16xi32>, vector<16xi32>], vector<16xf32>,
        %gather3A_237 = tpu.vector_load_idx %arg13[%add3A_46, %broadcast_in_dim3A_235] : memref<128x128xf32, #tpu.memory_space<vmem>>[vector<16xi32>, vector<16xi32>], vector<16xf32>,
        %mul3A_238 = arith.mulf %gather3A_236, %gather3A_237 : vector<16xf32>
        %add3A_239 = arith.addf %add3A_233, %mul3A_238 : vector<16xf32>
        %broadcast_in_dim3A_240 = arith.constant 32 : i32
        %broadcast_in_dim3A_241 = vector.broadcast %broadcast_in_dim3A_240 : i32 to vector<16xi32>
        %gather3A_242 = tpu.vector_load_idx %arg12[%add3A_46, %broadcast_in_dim3A_241] : memref<128x128xf32, #tpu.memory_space<vmem>>[vector<16xi32>, vector<16xi32>], vector<16xf32>,
        %gather3A_243 = tpu.vector_load_idx %arg13[%add3A_46, %broadcast_in_dim3A_241] : memref<128x128xf32, #tpu.memory_space<vmem>>[vector<16xi32>, vector<16xi32>], vector<16xf32>,
        %mul3A_244 = arith.mulf %gather3A_242, %gather3A_243 : vector<16xf32>
        %add3A_245 = arith.addf %add3A_239, %mul3A_244 : vector<16xf32>
        %broadcast_in_dim3A_246 = arith.constant 33 : i32
        %broadcast_in_dim3A_247 = vector.broadcast %broadcast_in_dim3A_246 : i32 to vector<16xi32>
        %gather3A_248 = tpu.vector_load_idx %arg12[%add3A_46, %broadcast_in_dim3A_247] : memref<128x128xf32, #tpu.memory_space<vmem>>[vector<16xi32>, vector<16xi32>], vector<16xf32>,
        %gather3A_249 = tpu.vector_load_idx %arg13[%add3A_46, %broadcast_in_dim3A_247] : memref<128x128xf32, #tpu.memory_space<vmem>>[vector<16xi32>, vector<16xi32>], vector<16xf32>,
        %mul3A_250 = arith.mulf %gather3A_248, %gather3A_249 : vector<16xf32>
        %add3A_251 = arith.addf %add3A_245, %mul3A_250 : vector<16xf32>
        %broadcast_in_dim3A_252 = arith.constant 34 : i32
        %broadcast_in_dim3A_253 = vector.broadcast %broadcast_in_dim3A_252 : i32 to vector<16xi32>
        %gather3A_254 = tpu.vector_load_idx %arg12[%add3A_46, %broadcast_in_dim3A_253] : memref<128x128xf32, #tpu.memory_space<vmem>>[vector<16xi32>, vector<16xi32>], vector<16xf32>,
        %gather3A_255 = tpu.vector_load_idx %arg13[%add3A_46, %broadcast_in_dim3A_253] : memref<128x128xf32, #tpu.memory_space<vmem>>[vector<16xi32>, vector<16xi32>], vector<16xf32>,
        %mul3A_256 = arith.mulf %gather3A_254, %gather3A_255 : vector<16xf32>
        %add3A_257 = arith.addf %add3A_251, %mul3A_256 : vector<16xf32>
        %broadcast_in_dim3A_258 = arith.constant 35 : i32
        %broadcast_in_dim3A_259 = vector.broadcast %broadcast_in_dim3A_258 : i32 to vector<16xi32>
        %gather3A_260 = tpu.vector_load_idx %arg12[%add3A_46, %broadcast_in_dim3A_259] : memref<128x128xf32, #tpu.memory_space<vmem>>[vector<16xi32>, vector<16xi32>], vector<16xf32>,
        %gather3A_261 = tpu.vector_load_idx %arg13[%add3A_46, %broadcast_in_dim3A_259] : memref<128x128xf32, #tpu.memory_space<vmem>>[vector<16xi32>, vector<16xi32>], vector<16xf32>,
        %mul3A_262 = arith.mulf %gather3A_260, %gather3A_261 : vector<16xf32>
        %add3A_263 = arith.addf %add3A_257, %mul3A_262 : vector<16xf32>
        %broadcast_in_dim3A_264 = arith.constant 36 : i32
        %broadcast_in_dim3A_265 = vector.broadcast %broadcast_in_dim3A_264 : i32 to vector<16xi32>
        %gather3A_266 = tpu.vector_load_idx %arg12[%add3A_46, %broadcast_in_dim3A_265] : memref<128x128xf32, #tpu.memory_space<vmem>>[vector<16xi32>, vector<16xi32>], vector<16xf32>,
        %gather3A_267 = tpu.vector_load_idx %arg13[%add3A_46, %broadcast_in_dim3A_265] : memref<128x128xf32, #tpu.memory_space<vmem>>[vector<16xi32>, vector<16xi32>], vector<16xf32>,
        %mul3A_268 = arith.mulf %gather3A_266, %gather3A_267 : vector<16xf32>
        %add3A_269 = arith.addf %add3A_263, %mul3A_268 : vector<16xf32>
        %broadcast_in_dim3A_270 = arith.constant 37 : i32
        %broadcast_in_dim3A_271 = vector.broadcast %broadcast_in_dim3A_270 : i32 to vector<16xi32>
        %gather3A_272 = tpu.vector_load_idx %arg12[%add3A_46, %broadcast_in_dim3A_271] : memref<128x128xf32, #tpu.memory_space<vmem>>[vector<16xi32>, vector<16xi32>], vector<16xf32>,
        %gather3A_273 = tpu.vector_load_idx %arg13[%add3A_46, %broadcast_in_dim3A_271] : memref<128x128xf32, #tpu.memory_space<vmem>>[vector<16xi32>, vector<16xi32>], vector<16xf32>,
        %mul3A_274 = arith.mulf %gather3A_272, %gather3A_273 : vector<16xf32>
        %add3A_275 = arith.addf %add3A_269, %mul3A_274 : vector<16xf32>
        %broadcast_in_dim3A_276 = arith.constant 38 : i32
        %broadcast_in_dim3A_277 = vector.broadcast %broadcast_in_dim3A_276 : i32 to vector<16xi32>
        %gather3A_278 = tpu.vector_load_idx %arg12[%add3A_46, %broadcast_in_dim3A_277] : memref<128x128xf32, #tpu.memory_space<vmem>>[vector<16xi32>, vector<16xi32>], vector<16xf32>,
        %gather3A_279 = tpu.vector_load_idx %arg13[%add3A_46, %broadcast_in_dim3A_277] : memref<128x128xf32, #tpu.memory_space<vmem>>[vector<16xi32>, vector<16xi32>], vector<16xf32>,
        %mul3A_280 = arith.mulf %gather3A_278, %gather3A_279 : vector<16xf32>
        %add3A_281 = arith.addf %add3A_275, %mul3A_280 : vector<16xf32>
        %broadcast_in_dim3A_282 = arith.constant 39 : i32
        %broadcast_in_dim3A_283 = vector.broadcast %broadcast_in_dim3A_282 : i32 to vector<16xi32>
        %gather3A_284 = tpu.vector_load_idx %arg12[%add3A_46, %broadcast_in_dim3A_283] : memref<128x128xf32, #tpu.memory_space<vmem>>[vector<16xi32>, vector<16xi32>], vector<16xf32>,
        %gather3A_285 = tpu.vector_load_idx %arg13[%add3A_46, %broadcast_in_dim3A_283] : memref<128x128xf32, #tpu.memory_space<vmem>>[vector<16xi32>, vector<16xi32>], vector<16xf32>,
        %mul3A_286 = arith.mulf %gather3A_284, %gather3A_285 : vector<16xf32>
        %add3A_287 = arith.addf %add3A_281, %mul3A_286 : vector<16xf32>
        %broadcast_in_dim3A_288 = arith.constant 40 : i32
        %broadcast_in_dim3A_289 = vector.broadcast %broadcast_in_dim3A_288 : i32 to vector<16xi32>
        %gather3A_290 = tpu.vector_load_idx %arg12[%add3A_46, %broadcast_in_dim3A_289] : memref<128x128xf32, #tpu.memory_space<vmem>>[vector<16xi32>, vector<16xi32>], vector<16xf32>,
        %gather3A_291 = tpu.vector_load_idx %arg13[%add3A_46, %broadcast_in_dim3A_289] : memref<128x128xf32, #tpu.memory_space<vmem>>[vector<16xi32>, vector<16xi32>], vector<16xf32>,
        %mul3A_292 = arith.mulf %gather3A_290, %gather3A_291 : vector<16xf32>
        %add3A_293 = arith.addf %add3A_287, %mul3A_292 : vector<16xf32>
        %broadcast_in_dim3A_294 = arith.constant 41 : i32
        %broadcast_in_dim3A_295 = vector.broadcast %broadcast_in_dim3A_294 : i32 to vector<16xi32>
        %gather3A_296 = tpu.vector_load_idx %arg12[%add3A_46, %broadcast_in_dim3A_295] : memref<128x128xf32, #tpu.memory_space<vmem>>[vector<16xi32>, vector<16xi32>], vector<16xf32>,
        %gather3A_297 = tpu.vector_load_idx %arg13[%add3A_46, %broadcast_in_dim3A_295] : memref<128x128xf32, #tpu.memory_space<vmem>>[vector<16xi32>, vector<16xi32>], vector<16xf32>,
        %mul3A_298 = arith.mulf %gather3A_296, %gather3A_297 : vector<16xf32>
        %add3A_299 = arith.addf %add3A_293, %mul3A_298 : vector<16xf32>
        %broadcast_in_dim3A_300 = arith.constant 42 : i32
        %broadcast_in_dim3A_301 = vector.broadcast %broadcast_in_dim3A_300 : i32 to vector<16xi32>
        %gather3A_302 = tpu.vector_load_idx %arg12[%add3A_46, %broadcast_in_dim3A_301] : memref<128x128xf32, #tpu.memory_space<vmem>>[vector<16xi32>, vector<16xi32>], vector<16xf32>,
        %gather3A_303 = tpu.vector_load_idx %arg13[%add3A_46, %broadcast_in_dim3A_301] : memref<128x128xf32, #tpu.memory_space<vmem>>[vector<16xi32>, vector<16xi32>], vector<16xf32>,
        %mul3A_304 = arith.mulf %gather3A_302, %gather3A_303 : vector<16xf32>
        %add3A_305 = arith.addf %add3A_299, %mul3A_304 : vector<16xf32>
        %broadcast_in_dim3A_306 = arith.constant 43 : i32
        %broadcast_in_dim3A_307 = vector.broadcast %broadcast_in_dim3A_306 : i32 to vector<16xi32>
        %gather3A_308 = tpu.vector_load_idx %arg12[%add3A_46, %broadcast_in_dim3A_307] : memref<128x128xf32, #tpu.memory_space<vmem>>[vector<16xi32>, vector<16xi32>], vector<16xf32>,
        %gather3A_309 = tpu.vector_load_idx %arg13[%add3A_46, %broadcast_in_dim3A_307] : memref<128x128xf32, #tpu.memory_space<vmem>>[vector<16xi32>, vector<16xi32>], vector<16xf32>,
        %mul3A_310 = arith.mulf %gather3A_308, %gather3A_309 : vector<16xf32>
        %add3A_311 = arith.addf %add3A_305, %mul3A_310 : vector<16xf32>
        %broadcast_in_dim3A_312 = arith.constant 44 : i32
        %broadcast_in_dim3A_313 = vector.broadcast %broadcast_in_dim3A_312 : i32 to vector<16xi32>
        %gather3A_314 = tpu.vector_load_idx %arg12[%add3A_46, %broadcast_in_dim3A_313] : memref<128x128xf32, #tpu.memory_space<vmem>>[vector<16xi32>, vector<16xi32>], vector<16xf32>,
        %gather3A_315 = tpu.vector_load_idx %arg13[%add3A_46, %broadcast_in_dim3A_313] : memref<128x128xf32, #tpu.memory_space<vmem>>[vector<16xi32>, vector<16xi32>], vector<16xf32>,
        %mul3A_316 = arith.mulf %gather3A_314, %gather3A_315 : vector<16xf32>
        %add3A_317 = arith.addf %add3A_311, %mul3A_316 : vector<16xf32>
        %broadcast_in_dim3A_318 = arith.constant 45 : i32
        %broadcast_in_dim3A_319 = vector.broadcast %broadcast_in_dim3A_318 : i32 to vector<16xi32>
        %gather3A_320 = tpu.vector_load_idx %arg12[%add3A_46, %broadcast_in_dim3A_319] : memref<128x128xf32, #tpu.memory_space<vmem>>[vector<16xi32>, vector<16xi32>], vector<16xf32>,
        %gather3A_321 = tpu.vector_load_idx %arg13[%add3A_46, %broadcast_in_dim3A_319] : memref<128x128xf32, #tpu.memory_space<vmem>>[vector<16xi32>, vector<16xi32>], vector<16xf32>,
        %mul3A_322 = arith.mulf %gather3A_320, %gather3A_321 : vector<16xf32>
        %add3A_323 = arith.addf %add3A_317, %mul3A_322 : vector<16xf32>
        %broadcast_in_dim3A_324 = arith.constant 46 : i32
        %broadcast_in_dim3A_325 = vector.broadcast %broadcast_in_dim3A_324 : i32 to vector<16xi32>
        %gather3A_326 = tpu.vector_load_idx %arg12[%add3A_46, %broadcast_in_dim3A_325] : memref<128x128xf32, #tpu.memory_space<vmem>>[vector<16xi32>, vector<16xi32>], vector<16xf32>,
        %gather3A_327 = tpu.vector_load_idx %arg13[%add3A_46, %broadcast_in_dim3A_325] : memref<128x128xf32, #tpu.memory_space<vmem>>[vector<16xi32>, vector<16xi32>], vector<16xf32>,
        %mul3A_328 = arith.mulf %gather3A_326, %gather3A_327 : vector<16xf32>
        %add3A_329 = arith.addf %add3A_323, %mul3A_328 : vector<16xf32>
        %broadcast_in_dim3A_330 = arith.constant 47 : i32
        %broadcast_in_dim3A_331 = vector.broadcast %broadcast_in_dim3A_330 : i32 to vector<16xi32>
        %gather3A_332 = tpu.vector_load_idx %arg12[%add3A_46, %broadcast_in_dim3A_331] : memref<128x128xf32, #tpu.memory_space<vmem>>[vector<16xi32>, vector<16xi32>], vector<16xf32>,
        %gather3A_333 = tpu.vector_load_idx %arg13[%add3A_46, %broadcast_in_dim3A_331] : memref<128x128xf32, #tpu.memory_space<vmem>>[vector<16xi32>, vector<16xi32>], vector<16xf32>,
        %mul3A_334 = arith.mulf %gather3A_332, %gather3A_333 : vector<16xf32>
        %add3A_335 = arith.addf %add3A_329, %mul3A_334 : vector<16xf32>
        %broadcast_in_dim3A_336 = arith.constant 48 : i32
        %broadcast_in_dim3A_337 = vector.broadcast %broadcast_in_dim3A_336 : i32 to vector<16xi32>
        %gather3A_338 = tpu.vector_load_idx %arg12[%add3A_46, %broadcast_in_dim3A_337] : memref<128x128xf32, #tpu.memory_space<vmem>>[vector<16xi32>, vector<16xi32>], vector<16xf32>,
        %gather3A_339 = tpu.vector_load_idx %arg13[%add3A_46, %broadcast_in_dim3A_337] : memref<128x128xf32, #tpu.memory_space<vmem>>[vector<16xi32>, vector<16xi32>], vector<16xf32>,
        %mul3A_340 = arith.mulf %gather3A_338, %gather3A_339 : vector<16xf32>
        %add3A_341 = arith.addf %add3A_335, %mul3A_340 : vector<16xf32>
        %broadcast_in_dim3A_342 = arith.constant 49 : i32
        %broadcast_in_dim3A_343 = vector.broadcast %broadcast_in_dim3A_342 : i32 to vector<16xi32>
        %gather3A_344 = tpu.vector_load_idx %arg12[%add3A_46, %broadcast_in_dim3A_343] : memref<128x128xf32, #tpu.memory_space<vmem>>[vector<16xi32>, vector<16xi32>], vector<16xf32>,
        %gather3A_345 = tpu.vector_load_idx %arg13[%add3A_46, %broadcast_in_dim3A_343] : memref<128x128xf32, #tpu.memory_space<vmem>>[vector<16xi32>, vector<16xi32>], vector<16xf32>,
        %mul3A_346 = arith.mulf %gather3A_344, %gather3A_345 : vector<16xf32>
        %add3A_347 = arith.addf %add3A_341, %mul3A_346 : vector<16xf32>
        %add3A_348 = arith.addi %mul3A_23, %mul3A_44 : i32
        %swap3A = arith.index_cast %add3A_348 : i32 to index
        %swap3A_349 = tpu.vector_load %arg17[%swap3A] {strides = array<i32>} : memref<512xf32, #tpu.memory_space<vmem>>, vector<16xf32>,
        tpu.vector_store %arg17[%swap3A], %add3A_347 {strides = array<i32>} : memref<512xf32, #tpu.memory_space<vmem>>, vector<16xf32>,
      }
      %scan3A_41 = arith.constant 8 : i32
    }
    %scan3A_11 = arith.constant 4 : i32
    %dma_wait3A = arith.constant 0 : i32
    %dma_wait3A_12 = tpu.memref_slice %arg7[%dma_wait3A] : memref<1000000xf32, #tpu.memory_space<hbm>> -> memref<1000000xf32, #tpu.memory_space<hbm>>
    tpu.wait_indirect_dma semaphore(%arg20 : memref<!tpu.dma_semaphore, #tpu.memory_space<semaphore_mem>>) src(%dma_wait3A_12 : memref<1000000xf32, #tpu.memory_space<hbm>>) dst(%arg14 : memref<512xf32, #tpu.memory_space<vmem>>)
    %dma_wait3A_13 = arith.constant 0 : i32
    %dma_wait3A_14 = tpu.memref_slice %arg8[%dma_wait3A_13] : memref<1000000xf32, #tpu.memory_space<hbm>> -> memref<1000000xf32, #tpu.memory_space<hbm>>
    tpu.wait_indirect_dma semaphore(%arg21 : memref<!tpu.dma_semaphore, #tpu.memory_space<semaphore_mem>>) src(%dma_wait3A_14 : memref<1000000xf32, #tpu.memory_space<hbm>>) dst(%arg15 : memref<512xf32, #tpu.memory_space<vmem>>)
    %scan3A_15 = arith.constant 0 : i32
    %scan3A_16 = arith.constant 0 : i32
    %scan3A_17 = arith.constant 32 : i32
    %scan3A_18 = arith.addi %scan3A_16, %scan3A_17 : i32
    %scan3A_19 = arith.constant 1 : i32
    scf.for %scan3A_21 = %scan3A_16 to %scan3A_18 step %scan3A_19  : i32 {
      %mul3A_22 = arith.constant 16 : i32
      %mul3A_23 = arith.muli %scan3A_21, %mul3A_22 : i32
      %get3A_24 = arith.index_cast %mul3A_23 : i32 to index
      %get3A_25 = tpu.vector_load %arg17[%get3A_24] {strides = array<i32>} : memref<512xf32, #tpu.memory_space<vmem>>, vector<16xf32>,
      %get3A_26 = arith.index_cast %mul3A_23 : i32 to index
      %get3A_27 = tpu.vector_load %arg14[%get3A_26] {strides = array<i32>} : memref<512xf32, #tpu.memory_space<vmem>>, vector<16xf32>,
      %add3A_28 = arith.addf %get3A_25, %get3A_27 : vector<16xf32>
      %get3A_29 = arith.index_cast %mul3A_23 : i32 to index
      %get3A_30 = tpu.vector_load %arg15[%get3A_29] {strides = array<i32>} : memref<512xf32, #tpu.memory_space<vmem>>, vector<16xf32>,
      %add3A_31 = arith.addf %add3A_28, %get3A_30 : vector<16xf32>
      %add3A_32 = arith.addf %add3A_31, %broadcast_in_dim3A : vector<16xf32>
      %swap3A = arith.index_cast %mul3A_23 : i32 to index
      %swap3A_33 = tpu.vector_load %arg17[%swap3A] {strides = array<i32>} : memref<512xf32, #tpu.memory_space<vmem>>, vector<16xf32>,
      tpu.vector_store %arg17[%swap3A], %add3A_32 {strides = array<i32>} : memref<512xf32, #tpu.memory_space<vmem>>, vector<16xf32>,
    }
    %scan3A_20 = arith.constant 32 : i32
    "tpu.region"() ({
      %run_scoped3A = tpu.sem_alloc : memref<!tpu.dma_semaphore, #tpu.memory_space<semaphore_mem>>
      %dma_start3A_21 = tpu.memref_slice %arg9[%mul3A_2] : memref<16384xf32, #tpu.memory_space<hbm>> -> memref<512xf32, #tpu.memory_space<hbm>>
      %dma_start3A_22 = tpu.memref_slice %arg9[%mul3A_2] : memref<16384xf32, #tpu.memory_space<hbm>> -> memref<512xf32, #tpu.memory_space<hbm>>
      tpu.enqueue_dma source(%arg17 : memref<512xf32, #tpu.memory_space<vmem>>) target(%dma_start3A_22 : memref<512xf32, #tpu.memory_space<hbm>>) target_semaphore(%run_scoped3A : memref<!tpu.dma_semaphore, #tpu.memory_space<semaphore_mem>>)
      %dma_wait3A_23 = tpu.memref_slice %arg9[%mul3A_2] : memref<16384xf32, #tpu.memory_space<hbm>> -> memref<512xf32, #tpu.memory_space<hbm>>
      %dma_wait3A_24 = tpu.memref_slice %arg9[%mul3A_2] : memref<16384xf32, #tpu.memory_space<hbm>> -> memref<512xf32, #tpu.memory_space<hbm>>
      tpu.wait_dma2 semaphore(%run_scoped3A : memref<!tpu.dma_semaphore, #tpu.memory_space<semaphore_mem>>) src(%arg17 : memref<512xf32, #tpu.memory_space<vmem>>) dst(%dma_wait3A_24 : memref<512xf32, #tpu.memory_space<hbm>>)
      tpu.yield
    }) : () -> ()
    return
  }
}

</mosaic_0001>

<sc_bundles>
// kernel: kernel.3.cloned.1.call-start
scs
__scs_entry_jumppad:
0x0: {  	(pc) =	sbr.rel $0x88, $3  }
0x1: {  	(tag) =	ssettag $0x0;
	lr =	simm.s32 $0x1  }
0x2: {  	[smem:$0x3F9A] =	sst lr;
	_ =	strace $0xD0000000  }
0x3: {  	_ = 	snop  }
0x4: {  	_ = 	snop  }
0x5: {  	_ = 	snop  }
0x6: {  	_ = 	snop  }
0x7: {  	_ = 	snop  }
__scs_overlays_trampoline_lowered:
0x8: {  	[smem:$0x3FA9] =	sst s0  }
0x9: {  	[smem:$0x3FAA] =	sst s1  }
0xa: {  	[smem:$0x3FAB] =	sst s2  }
0xb: {  	[smem:$0x3FAC] =	sst s3  }
0xc: {  	[smem:$0x3FAD] =	sst s4  }
0xd: {  	[smem:$0x3FAE] =	sst s5  }
0xe: {  	[smem:$0x3FAF] =	sst s6  }
0xf: {  	[smem:$0x3FB0] =	sst s7  }
0x10: {  	[smem:$0x3FB1] =	sst s8  }
0x11: {  	[smem:$0x3FB2] =	sst s9;
	s0 =	simm.s32 @!p0 $0x0  }
0x12: {  	s1 =	sld [smem:$0x3F98];
	s0 =	simm.s32 @p0 $0x1  }
0x13: {  	[smem:$0x3FB3] =	sst s0;
	s0 =	simm.s32 @!p1 $0x0  }
0x14: {  	s2 =	sld [smem:$0x3F97];
	s0 =	simm.s32 @p1 $0x1  }
0x15: {  	[smem:$0x3FB4] =	sst s0;
	s0 =	simm.s32 @!p2 $0x0  }
0x16: {  	s3 =	sld [smem:$0x3FDB];
	s0 =	simm.s32 @p2 $0x1  }
0x17: {  	s4 =	simm.s32 $0x1BF5;
	[smem:$0x3FB6] =	sst s0  }
0x18: {  	s0 =	sld [smem:$0x3F99];
	_ =	swait.ge [sflag:s4], $0x0  }
0x19: {  	s7 =	sld [smem:$0x3F9A]  }
0x1a: {  	s8 =	sadd.s32 $0xFFFFE003, lr  }
0x1b: {  	s9 =	sadd.s32 $0xFFFFFEF7, lr;
	s5 =	simm.s32 $0xFFFFFFFF;
	p2 =	slt.u32 s8, $0xFFFFF086  }
0x1c: {  	p1 =	slt.u32 s9, $0xF7A;
	s5 =	simm.s32 @!p2 $0x0  }
0x1d: {  	s5 =	simm.s32 @p1 $0x1;
	p0 =	seq.s32 s7, s2  }
0x1e: {  	s7 =	smul.u32 @!p0 $0xF7A, s2;
	p2 =	seq.s32 @!p0 s5, $0x0  }
0x1f: {  	s9 =	smul.u32 $0xF7A, s1;
	s8 =	simm.s32 @!p0 $0x1BF5;
	p2 =	por !p2, p0  }
0x20: {  	[sflag:s8] =	ssyncset.s32 @!p0 $0xFFFFF086;
	s6 =	sadd.s32 @!p0 s3, s7;
	s7 =	simm.s32 @!p0 $0x108  }
0x21: {  	s3 =	sadd.s32 s3, s9;
	s6 =	sadd.s32 @!p0 $0x88, s6;
	s7 =	simm.s32 @p2 $0x1082  }
0x22: {  	[simem:s7], [sflag:s8] =	dma.local @!p0 [hbm:s6], $0xF7A  }
0x23: {  	s9 =	sor.u32 $0xD0000000, s2;
	s6 =	simm.s32 $0x108;
	_ =	swait.ge @!p0 [sflag:s8], $0x0  }
0x24: {  	s3 =	sadd.s32 $0x88, s3;
	s6 =	simm.s32 @!p1 $0x1082;
	[sflag:s4] =	ssyncset.s32 $0xFFFFF086  }
0x25: {  	[simem:s6], [sflag:s4] =	dma.local [hbm:s3], $0xF7A  }
0x26: {  	[smem:$0x3F9A] =	sst s1;
	(tag) =	ssettag s2;
	_ =	strace s9  }
0x27: {  	s1 =	sld [smem:$0x3FAA]  }
0x28: {  	s2 =	sld [smem:$0x3FAB]  }
0x29: {  	s4 =	sld [smem:$0x3FAD]  }
0x2a: {  	p0 =	seq.s32 s5, $0x0;
	s5 =	sld [smem:$0x3FAE]  }
0x2b: {  	s6 =	sld [smem:$0x3FAF]  }
0x2c: {  	s7 =	sld [smem:$0x3FB0]  }
0x2d: {  	s3 =	simm.s32 $0x108;
	s8 =	sld [smem:$0x3FB1]  }
0x2e: {  	s3 =	simm.s32 @!p0 $0x1082;
	s9 =	sld [smem:$0x3FB2]  }
0x2f: {  	lr =	sadd.s32 s0, s3;
	s0 =	sld [smem:$0x3FA9]  }
0x30: {  	s3 =	sld [smem:$0x3FAC]  }
0x31: {  	[smem:$0x3FB5] =	sst s10  }
0x32: {  	s10 =	sld [smem:$0x3FB3];
	_ =	sdelay $0x3  }
0x33: {  	p0 =	seq.s32 s10, $0x1;
	s10 =	sld [smem:$0x3FB5];
	_ =	sdelay $0x3  }
0x34: {  	[smem:$0x3FB5] =	sst s10  }
0x35: {  	s10 =	sld [smem:$0x3FB4];
	_ =	sdelay $0x3  }
0x36: {  	p1 =	seq.s32 s10, $0x1;
	s10 =	sld [smem:$0x3FB5];
	_ =	sdelay $0x3  }
0x37: {  	[smem:$0x3FB5] =	sst s10  }
0x38: {  	s10 =	sld [smem:$0x3FB6]  }
0x39: {  	_ = 	snop;
	(pc) =	sbr.ind lr, $3  }
0x3a: {  	_ = 	snop  }
0x3b: {  	_ = 	snop  }
0x3c: {  	p2 =	seq.s32 s10, $0x1;
	s10 =	sld [smem:$0x3FB5]  }
0x3d: {  	_ =	shalt  }
0x3e: {  	_ =	shalt  }
0x3f: {  	_ =	shalt  }
0x40: {  	_ =	shalt  }
0x41: {  	_ =	shalt  }
0x42: {  	_ =	shalt  }
0x43: {  	_ =	shalt  }
0x44: {  	_ =	shalt  }
0x45: {  	_ =	shalt  }
0x46: {  	_ =	shalt  }
0x47: {  	_ =	shalt  }
0x48: {  	_ =	shalt  }
0x49: {  	_ =	shalt  }
0x4a: {  	_ =	shalt  }
0x4b: {  	_ =	shalt  }
0x4c: {  	_ =	shalt  }
0x4d: {  	_ =	shalt  }
0x4e: {  	_ =	shalt  }
0x4f: {  	_ =	shalt  }
0x50: {  	_ =	shalt  }
0x51: {  	_ =	shalt  }
0x52: {  	_ =	shalt  }
0x53: {  	_ =	shalt  }
0x54: {  	_ =	shalt  }
0x55: {  	_ =	shalt  }
0x56: {  	_ =	shalt  }
0x57: {  	_ =	shalt  }
0x58: {  	_ =	shalt  }
0x59: {  	_ =	shalt  }
0x5a: {  	_ =	shalt  }
0x5b: {  	_ =	shalt  }
0x5c: {  	_ =	shalt  }
0x5d: {  	_ =	shalt  }
0x5e: {  	_ =	shalt  }
0x5f: {  	_ =	shalt  }
0x60: {  	_ =	shalt  }
0x61: {  	_ =	shalt  }
0x62: {  	_ =	shalt  }
0x63: {  	_ =	shalt  }
0x64: {  	_ =	shalt  }
0x65: {  	_ =	shalt  }
0x66: {  	_ =	shalt  }
0x67: {  	_ =	shalt  }
0x68: {  	_ =	shalt  }
0x69: {  	_ =	shalt  }
0x6a: {  	_ =	shalt  }
0x6b: {  	_ =	shalt  }
0x6c: {  	_ =	shalt  }
0x6d: {  	_ =	shalt  }
0x6e: {  	_ =	shalt  }
0x6f: {  	_ =	shalt  }
0x70: {  	_ =	shalt  }
0x71: {  	_ =	shalt  }
0x72: {  	_ =	shalt  }
0x73: {  	_ =	shalt  }
0x74: {  	_ =	shalt  }
0x75: {  	_ =	shalt  }
0x76: {  	_ =	shalt  }
0x77: {  	_ =	shalt  }
0x78: {  	_ =	shalt  }
0x79: {  	_ =	shalt  }
0x7a: {  	_ =	shalt  }
0x7b: {  	_ =	shalt  }
0x7c: {  	_ =	shalt  }
0x7d: {  	_ =	shalt  }
0x7e: {  	_ =	shalt  }
0x7f: {  	_ =	shalt  }
0x80: {  	_ =	shalt  }
0x81: {  	_ =	shalt  }
0x82: {  	_ =	shalt  }
0x83: {  	_ =	shalt  }
0x84: {  	_ =	shalt  }
0x85: {  	_ =	shalt  }
0x86: {  	_ =	shalt  }
0x87: {  	_ =	shalt  }
.Lfunc_end0:
.L_simem_size_0:
called_computation_lowered:
.L_overlay_start_0:
0x88: {  	s2 =	sld [smem:$0x3FD9]  }
0x89: {  	s3 =	sld [smem:$0x3FFE];
	_ =	sdelay $0x1  }
0x8a: {  	s1 =	srdreg.scid  }
0x8b: {  	s0 =	sand.u32 $0x1, s1  }
0x8c: {  	s17 =	sshll.u32 s0, $0xA;
	s2 =	sadd.s32 s3, s2  }
0x8d: {  	s2 =	sadd.s32 s2, s17  }
0x8e: {  	[smem:$0x3FC1] =	sst s2  }
0x8f: {  	_ = 	snop  }
0x90: {  	s2 =	sld [smem:$0x3FC9]  }
0x91: {  	s18 =	sld [smem:$0x3FC8]  }
0x92: {  	s4 =	sld [smem:$0x3FC5]  }
0x93: {  	s5 =	sld [smem:$0x3FC4]  }
0x94: {  	s6 =	sld [smem:$0x3FC3]  }
0x95: {  	s7 =	sld [smem:$0x3FD0];
	(tm) =	ssettm $0x1  }
0x96: {  	s8 =	sld [smem:$0x3FFB];
	_ =	sdelay $0x3  }
0x97: {  	_ =	strace s8  }
0x98: {  	s8 =	sld [smem:$0x3FFC];
	_ =	sdelay $0x3  }
0x99: {  	_ =	strace s8  }
0x9a: {  	s8 =	sld [smem:$0x3FFD];
	_ =	sdelay $0x3  }
0x9b: {  	_ =	strace s8  }
0x9c: {  	_ =	strace $0x8FFFFFFF  }
0x9d: {  	s19 =	sld [smem:$0x3FDB];
	_ =	sdelay $0x1  }
0x9e: {  	s9 =	simm.s32 $_scs_section_size  }
0x9f: {  	s10 =	simm.s32 $_size__tile_overlayer_lowered;
	s11 =	simm.s32 $_tile_overlayer_lowered  }
0xa0: {  	s22 =	simm.s32 $0x1BFF;
	s21 =	sshll.u32 s11, $0x1;
	s8 =	sadd.s32 s9, s19  }
0xa1: {  	s12 =	simm.s32 $0x0;
	s20 =	sshll.u32 s10, $0x1;
	s10 =	sadd.s32 s21, s8  }
0xa2: {  	[timem:s12], [sflag:s22] =	dma.local [hbm:s10], s20  }
0xa3: {  	_ =	swait.ge [sflag:s22], s20  }
0xa4: {  	s9 =	ssub.s32 $0x0, s20;
	[sflag:s22] =	ssyncset.done $0x0  }
0xa5: {  	[sflag:s22] =	ssyncadd.s32 s9;
	_ =	sdelay $0x1  }
0xa6: {  	s23 =	simm.s32 $0x1B8B  }
0xa7: {  	_ =	swait.ge [sflag:s23], $0x1  }
0xa8: {  	[sflag:s23] =	ssyncset.done $0x0  }
0xa9: {  	s25 =	simm.s32 $0x1B8E;
	s24 =	sld [smem:$0x3FFE];
	[sflag:s23] =	ssyncadd.s32 $0xFFFFFFFF  }
0xaa: {  	s26 =	simm.s32 $execute0_lowered;
	[smem:$0x3FD2] =	sst s25  }
0xab: {  	s10 =	sshll.u32 s26, $0x1;
	_ =	strace $0x80000046;
	[dreg:$0x1] =	wrdreg $0xFFFFFFFF  }
0xac: {  	s28 =	simm.s32 $_size_execute0_lowered;
	s8 =	sadd.s32 s8, s10;
	[dreg:$0x0] =	wrdreg $0x0  }
0xad: {  	s10 =	sshll.u32 s28, $0x1;
	[dreg:$0x2] =	wrdreg s8  }
0xae: {  	[dreg:$0x3] =	wrdreg s10  }
0xaf: {  	[dreg:$0x4] =	wrdreg $0xC0  }
0xb0: {  	_ =	task [dreg:s12], $0x5FFFF  }
0xb1: {  	[dreg:$0x1] =	wrdreg $0xFFFFFFFF  }
0xb2: {  	[dreg:$0x0] =	wrdreg $0x60  }
0xb3: {  	[dreg:$0x2] =	wrdreg s2  }
0xb4: {  	[dreg:$0x3] =	wrdreg s18  }
0xb5: {  	[dreg:$0x4] =	wrdreg s24  }
0xb6: {  	[dreg:$0x5] =	wrdreg s4  }
0xb7: {  	[dreg:$0x6] =	wrdreg s5  }
0xb8: {  	[dreg:$0x7] =	wrdreg s6  }
0xb9: {  	[dreg:$0x8] =	wrdreg s7  }
0xba: {  	[dreg:$0x9] =	wrdreg $0x9  }
0xbb: {  	_ =	task.clear_ibuf [dreg:s12], $0xAFFFF;
	_ =	strace $0x90000046  }
0xbc: {  	s29 =	simm.s32 $0x9;
	_ =	strace $0x80000048  }
0xbd: {  	_ =	swait.ge [sflag:s29], $0x1  }
0xbe: {  	[sflag:s29] =	ssyncadd.s32 $0xFFFFFFFF  }
0xbf: {  	_ =	strace $0x90000048  }
0xc0: {  	_ =	sfence  }
0xc1: {  	s30 =	sld [smem:$0x0];
	_ =	sdelay $0x2  }
0xc2: {  	s31 =	sshll.u32 s1, $0xD;
	s1 =	sshrl.u32 s1, $0x2  }
0xc3: {  	s3 =	sand.u32 $0x4000, s31;
	s1 =	sadd.s32 s1, s30  }
0xc4: {  	s0 =	sor.u32 s3, s0;
	s1 =	sshll.u32 s1, $0x11  }
0xc5: {  	s0 =	sor.u32 s1, s0  }
0xc6: {  	s0 =	sadd.s32 $0x8F2B, s0  }
0xc7: {  	[sflag:s0] =	ssyncadd.remote.s32 $0x1  }
0xc8: {  	_ =	sfence.sel $0xFFFF  }
0xc9: {  	[dreg:$0x0] =	wrdreg $0xFFFFFFFF;
	(pc) =	sbr.abs _section_cstart, $3  }
0xca: {  	[dreg:$0x1] =	wrdreg $0xFFFFFFFF  }
0xcb: {  	_ =	task.clear_ibuf [dreg:s12], $0x2FFFF;
	_ =	strace $0x9FFFFFFF  }
0xcc: {  	(tm) =	ssettm $0x7FFFFFFF  }
0xcd: {  	_ =	shalt  }
tec
execute0_lowered:
.L_overlay_start_1:
0x0: {  	(tag) =	ssettag $0x1  }
0x1: {  	s0 =	rddreg [dreg:$0x0]  }
0x2: {  	s1 =	rddreg [dreg:$0x1]  }
0x3: {  	s2 =	rddreg [dreg:$0x2]  }
0x4: {  	s3 =	rddreg [dreg:$0x6];
	s5 =	simm.s32 $0x0  }
0x5: {  	s4 =	srdreg.scid;
	s6 =	stileid.u32;
	s16 =	simm.s32 $0x400  }
0x6: {  	s17 =	simm.s32 $0x1;
	s18 =	simm.s32 $0x2;
	s4 =	sand.u32 $0x1, s4  }
0x7: {  	s7 =	sshll.u32 s6, $0x7;
	s8 =	ssub.s32 $0x2, s4;
	s4 =	sshll.u32 s4, $0x6  }
0x8: {  	s19 =	simm.s32 $0x4400;
	[smem:$0x7FF] =	sst s5;
	s4 =	sor.u32 s4, s7  }
0x9: {  	s6 =	sadd.s32 $0x400, s2;
	_ =	strace $0x80000047;
	s0 =	sadd.s32 s0, s4  }
0xa: {  	s9 =	sshrl.u32 s8, $0x1;
	s29 =	sadd.s32 s1, s4;
	[dreg:$0x8] =	wrdreg s0  }
0xb: {  	v0 =	vlaneseq.u32;
	s28 =	ssub.s32 s8, s9;
	s30 =	sadd.s32 s3, s4;
	[dreg:$0x9] =	wrdreg s29  }
0xc: {  	v0 =	vmul.u32 $0x80, v0;
	s7 =	sadd.s32 $0xF42800, s2;
	[dreg:$0xa] =	wrdreg s30;
	s31 =	smax.u32 s28, $0x1  }
0xd: {  	s2 =	simm.s32 $0x0;
	s1 =	simm.s32 $0x5;
	[dreg:$0xb] =	wrdreg s31  }
.LBB2_1:
0xe: {  	[dreg:$0xc] =	wrdreg s2  }
0xf: {  	s0 =	rddreg [dreg:$0x8]  }
0x10: {  	[tilespmem:s5], [sflag:$0x5] =	stream.linear.gather [hbm4b:s0+s5], $0x200, $0x38;
	[tilespmem:$0x8A80] =	vst v63  }
0x11: {  	_ =	swait.ge [sflag:s1], $0x200  }
0x12: {  	[sflag:s1] =	ssyncset.done $0x0  }
0x13: {  	s24 =	simm.s32 $0x200;
	s23 =	rddreg [dreg:$0x9];
	[sflag:s1] =	ssyncadd.s32 $0xFFFFFE00  }
0x14: {  	[tilespmem:s24], [sflag:$0x5] =	stream.linear.gather [hbm4b:s23+s5], $0x200, $0x38;
	[tilespmem:$0x8A80] =	vst v63  }
0x15: {  	_ =	swait.ge [sflag:s1], $0x200  }
0x16: {  	[sflag:s1] =	ssyncset.done $0x0  }
0x17: {  	[sflag:s1] =	ssyncadd.s32 $0xFFFFFE00  }
0x18: {  	s26 =	simm.s32 $0x8800;
	s25 =	rddreg [dreg:$0x3]  }
0x19: {  	[tilespmem:s26], [sflag:$0x5] =	stream.linear.gather [hbm4b:s25+s5], $0x1, $0x38;
	[tilespmem:$0x8A80] =	vst v63  }
0x1a: {  	_ =	swait.ge [sflag:s1], $0x1  }
0x1b: {  	[sflag:s1] =	ssyncset.done $0x0  }
0x1c: {  	[sflag:s1] =	ssyncadd.s32 $0xFFFFFFFF  }
0x1d: {  	s29 =	simm.s32 $0x8400;
	s28 =	rddreg [dreg:$0x4]  }
0x1e: {  	[tilespmem:s29], [sflag:$0x3] =	stream.indirect.gather [hbm4b:s28+s24], $0x1, s5, s24, $0xb8;
	[tilespmem:$0x8A80] =	vst v63  }
0x1f: {  	s31 =	simm.s32 $0x8600;
	s30 =	rddreg [dreg:$0x5]  }
0x20: {  	[tilespmem:s31], [sflag:$0x4] =	stream.indirect.gather [hbm4b:s30+s24], $0x1, s24, s24, $0xb8;
	[tilespmem:$0x8A80] =	vst v63  }
0x21: {  	s2 =	simm.s32 $0x0;
	s26 =	simm.s32 $0x0;
	s1 =	simm.s32 $0x8880;
	v1 =	vld [tilespmem:$0x8800]  }
.LBB2_2:
0x22: {  	v2 =	vld [tilespmem:s26+$0x0];
	_ =	sdelay $0x3  }
0x23: {  	v4 =	vld [tilespmem:s24+$0x0]  }
0x24: {  	v3 =	vshll.u32 v2, $0x4  }
0x25: {  	(v2sf) =	vpush v3, $0x0  }
0x26: {  	(v2sf) =	vpush v3, $0x1  }
0x27: {  	(v2sf) =	vpush v3, $0x2  }
0x28: {  	v2 =	vshll.u32 v4, $0x4  }
0x29: {  	(v2sf) =	vpush v2, $0x0;
	_ =	sdelay $0x6  }
0x2a: {  	(v2sf) =	vpush v2, $0x1;
	_ =	sdelay $0x3  }
0x2b: {  	[dreg:$0xd] =	wrdreg s1;
	s28 =	spop (v2sf)  }
0x2c: {  	s29 =	simm.s32 $0x80;
	s1 =	sand.u32 $0x1FFFFFF0, s28;
	s0 =	spop (v2sf)  }
0x2d: {  	s3 =	simm.s32 $0x400;
	s1 =	sadd.s32 s6, s1;
	s4 =	spop (v2sf)  }
0x2e: {  	[tilespmem:s3], [sflag:$0x1] =	stream.strided.gather [hbm4b:s1+s29], $0x0, s16, s29, $0x38;
	[tilespmem:$0x8A80] =	vst v63  }
0x2f: {  	(v2sf) =	vpush v2, $0x2;
	s8 =	spop (v2sf)  }
0x30: {  	s9 =	sand.u32 $0x1FFFFFF0, s8  }
0x31: {  	[tilespmem:s3], [sflag:$0x1] =	stream.linear.gather [hbm4b:s1+s5], $0x32, $0x38;
	[tilespmem:$0x8A80] =	vst v63  }
0x32: {  	s10 =	simm.s32 $0x4400;
	s1 =	sadd.s32 s7, s9  }
0x33: {  	(v2sf) =	vpush v3, $0x3;
	[tilespmem:s10], [sflag:$0x2] =	stream.strided.gather [hbm4b:s1+s29], $0x0, s16, s29, $0x38;
	[tilespmem:$0x8A80] =	vst v63  }
0x34: {  	[dreg:$0xf] =	wrdreg s2;
	s2 =	sand.u32 $0x1FFFFFF0, s0  }
0x35: {  	[tilespmem:s10], [sflag:$0x2] =	stream.linear.gather [hbm4b:s1+s5], $0x32, $0x38;
	[tilespmem:$0x8A80] =	vst v63  }
0x36: {  	s12 =	simm.s32 $0x480;
	s2 =	sadd.s32 s6, s2;
	s11 =	spop (v2sf)  }
0x37: {  	(v2sf) =	vpush v2, $0x3;
	[tilespmem:s12], [sflag:$0x1] =	stream.strided.gather [hbm4b:s2+s29], $0x0, s16, s29, $0x38;
	[tilespmem:$0x8A80] =	vst v63  }
0x38: {  	s1 =	sand.u32 $0x1FFFFFF0, s11  }
0x39: {  	[tilespmem:s12], [sflag:$0x1] =	stream.linear.gather [hbm4b:s2+s5], $0x32, $0x38;
	[tilespmem:$0x8A80] =	vst v63  }
0x3a: {  	s13 =	simm.s32 $0x4480;
	s1 =	sadd.s32 s7, s1  }
0x3b: {  	(v2sf) =	vpush v3, $0x4;
	[tilespmem:s13], [sflag:$0x2] =	stream.strided.gather [hbm4b:s1+s29], $0x0, s16, s29, $0x38;
	[tilespmem:$0x8A80] =	vst v63  }
0x3c: {  	s14 =	sand.u32 $0x1FFFFFF0, s4  }
0x3d: {  	[tilespmem:s13], [sflag:$0x2] =	stream.linear.gather [hbm4b:s1+s5], $0x32, $0x38;
	[tilespmem:$0x8A80] =	vst v63  }
0x3e: {  	s20 =	simm.s32 $0x500;
	s3 =	sadd.s32 s6, s14;
	s15 =	spop (v2sf)  }
0x3f: {  	(v2sf) =	vpush v2, $0x4;
	[tilespmem:s20], [sflag:$0x1] =	stream.strided.gather [hbm4b:s3+s29], $0x0, s16, s29, $0x38;
	[tilespmem:$0x8A80] =	vst v63  }
0x40: {  	s1 =	sand.u32 $0x1FFFFFF0, s15  }
0x41: {  	[tilespmem:s20], [sflag:$0x1] =	stream.linear.gather [hbm4b:s3+s5], $0x32, $0x38;
	[tilespmem:$0x8A80] =	vst v63  }
0x42: {  	s22 =	simm.s32 $0x4500;
	s21 =	spop (v2sf);
	s1 =	sadd.s32 s7, s1  }
0x43: {  	(v2sf) =	vpush v3, $0x5;
	[tilespmem:s22], [sflag:$0x2] =	stream.strided.gather [hbm4b:s1+s29], $0x0, s16, s29, $0x38;
	[tilespmem:$0x8A80] =	vst v63  }
0x44: {  	s2 =	sand.u32 $0x1FFFFFF0, s21  }
0x45: {  	[tilespmem:s22], [sflag:$0x2] =	stream.linear.gather [hbm4b:s1+s5], $0x32, $0x38;
	[tilespmem:$0x8A80] =	vst v63  }
0x46: {  	s25 =	simm.s32 $0x580;
	s23 =	spop (v2sf);
	s2 =	sadd.s32 s6, s2  }
0x47: {  	(v2sf) =	vpush v2, $0x5;
	[tilespmem:s25], [sflag:$0x1] =	stream.strided.gather [hbm4b:s2+s29], $0x0, s16, s29, $0x38;
	[tilespmem:$0x8A80] =	vst v63  }
0x48: {  	s1 =	sand.u32 $0x1FFFFFF0, s23  }
0x49: {  	[tilespmem:s25], [sflag:$0x1] =	stream.linear.gather [hbm4b:s2+s5], $0x32, $0x38;
	[tilespmem:$0x8A80] =	vst v63  }
0x4a: {  	s0 =	simm.s32 $0x4580;
	s28 =	spop (v2sf);
	s1 =	sadd.s32 s7, s1  }
0x4b: {  	(v2sf) =	vpush v3, $0x6;
	[tilespmem:s0], [sflag:$0x2] =	stream.strided.gather [hbm4b:s1+s29], $0x0, s16, s29, $0x38;
	[tilespmem:$0x8A80] =	vst v63  }
0x4c: {  	s2 =	sand.u32 $0x1FFFFFF0, s28  }
0x4d: {  	[tilespmem:s0], [sflag:$0x2] =	stream.linear.gather [hbm4b:s1+s5], $0x32, $0x38;
	[tilespmem:$0x8A80] =	vst v63  }
0x4e: {  	s8 =	simm.s32 $0x600;
	s4 =	spop (v2sf);
	s2 =	sadd.s32 s6, s2  }
0x4f: {  	(v2sf) =	vpush v2, $0x6;
	[tilespmem:s8], [sflag:$0x1] =	stream.strided.gather [hbm4b:s2+s29], $0x0, s16, s29, $0x38;
	[tilespmem:$0x8A80] =	vst v63  }
0x50: {  	s1 =	sand.u32 $0x1FFFFFF0, s4  }
0x51: {  	[tilespmem:s8], [sflag:$0x1] =	stream.linear.gather [hbm4b:s2+s5], $0x32, $0x38;
	[tilespmem:$0x8A80] =	vst v63  }
0x52: {  	s10 =	simm.s32 $0x4600;
	s9 =	spop (v2sf);
	s1 =	sadd.s32 s7, s1  }
0x53: {  	(v2sf) =	vpush v3, $0x7;
	[tilespmem:s10], [sflag:$0x2] =	stream.strided.gather [hbm4b:s1+s29], $0x0, s16, s29, $0x38;
	[tilespmem:$0x8A80] =	vst v63  }
0x54: {  	s2 =	sand.u32 $0x1FFFFFF0, s9  }
0x55: {  	[tilespmem:s10], [sflag:$0x2] =	stream.linear.gather [hbm4b:s1+s5], $0x32, $0x38;
	[tilespmem:$0x8A80] =	vst v63  }
0x56: {  	s12 =	simm.s32 $0x680;
	s11 =	spop (v2sf);
	s2 =	sadd.s32 s6, s2  }
0x57: {  	(v2sf) =	vpush v2, $0x7;
	[tilespmem:s12], [sflag:$0x1] =	stream.strided.gather [hbm4b:s2+s29], $0x0, s16, s29, $0x38;
	[tilespmem:$0x8A80] =	vst v63  }
0x58: {  	s1 =	sand.u32 $0x1FFFFFF0, s11  }
0x59: {  	[tilespmem:s12], [sflag:$0x1] =	stream.linear.gather [hbm4b:s2+s5], $0x32, $0x38;
	[tilespmem:$0x8A80] =	vst v63  }
0x5a: {  	s14 =	simm.s32 $0x4680;
	s13 =	spop (v2sf);
	s1 =	sadd.s32 s7, s1  }
0x5b: {  	(v2sf) =	vpush v3, $0x8;
	[tilespmem:s14], [sflag:$0x2] =	stream.strided.gather [hbm4b:s1+s29], $0x0, s16, s29, $0x38;
	[tilespmem:$0x8A80] =	vst v63  }
0x5c: {  	s2 =	sand.u32 $0x1FFFFFF0, s13  }
0x5d: {  	[tilespmem:s14], [sflag:$0x2] =	stream.linear.gather [hbm4b:s1+s5], $0x32, $0x38;
	[tilespmem:$0x8A80] =	vst v63  }
0x5e: {  	s20 =	simm.s32 $0x700;
	s15 =	spop (v2sf);
	s2 =	sadd.s32 s6, s2  }
0x5f: {  	(v2sf) =	vpush v2, $0x8;
	[tilespmem:s20], [sflag:$0x1] =	stream.strided.gather [hbm4b:s2+s29], $0x0, s16, s29, $0x38;
	[tilespmem:$0x8A80] =	vst v63  }
0x60: {  	s1 =	sand.u32 $0x1FFFFFF0, s15  }
0x61: {  	[tilespmem:s20], [sflag:$0x1] =	stream.linear.gather [hbm4b:s2+s5], $0x32, $0x38;
	[tilespmem:$0x8A80] =	vst v63  }
0x62: {  	s22 =	simm.s32 $0x4700;
	s21 =	spop (v2sf);
	s1 =	sadd.s32 s7, s1  }
0x63: {  	(v2sf) =	vpush v3, $0x9;
	[tilespmem:s22], [sflag:$0x2] =	stream.strided.gather [hbm4b:s1+s29], $0x0, s16, s29, $0x38;
	[tilespmem:$0x8A80] =	vst v63  }
0x64: {  	s2 =	sand.u32 $0x1FFFFFF0, s21  }
0x65: {  	[tilespmem:s22], [sflag:$0x2] =	stream.linear.gather [hbm4b:s1+s5], $0x32, $0x38;
	[tilespmem:$0x8A80] =	vst v63  }
0x66: {  	s25 =	simm.s32 $0x780;
	s23 =	spop (v2sf);
	s2 =	sadd.s32 s6, s2  }
0x67: {  	(v2sf) =	vpush v2, $0x9;
	[tilespmem:s25], [sflag:$0x1] =	stream.strided.gather [hbm4b:s2+s29], $0x0, s16, s29, $0x38;
	[tilespmem:$0x8A80] =	vst v63  }
0x68: {  	s1 =	sand.u32 $0x1FFFFFF0, s23  }
0x69: {  	[tilespmem:s25], [sflag:$0x1] =	stream.linear.gather [hbm4b:s2+s5], $0x32, $0x38;
	[tilespmem:$0x8A80] =	vst v63  }
0x6a: {  	s0 =	simm.s32 $0x4780;
	s28 =	spop (v2sf);
	s1 =	sadd.s32 s7, s1  }
0x6b: {  	(v2sf) =	vpush v3, $0xA;
	[tilespmem:s0], [sflag:$0x2] =	stream.strided.gather [hbm4b:s1+s29], $0x0, s16, s29, $0x38;
	[tilespmem:$0x8A80] =	vst v63  }
0x6c: {  	s2 =	sand.u32 $0x1FFFFFF0, s28  }
0x6d: {  	[tilespmem:s0], [sflag:$0x2] =	stream.linear.gather [hbm4b:s1+s5], $0x32, $0x38;
	[tilespmem:$0x8A80] =	vst v63  }
0x6e: {  	s8 =	simm.s32 $0x800;
	s4 =	spop (v2sf);
	s2 =	sadd.s32 s6, s2  }
0x6f: {  	(v2sf) =	vpush v2, $0xA;
	[tilespmem:s8], [sflag:$0x1] =	stream.strided.gather [hbm4b:s2+s29], $0x0, s16, s29, $0x38;
	[tilespmem:$0x8A80] =	vst v63  }
0x70: {  	s1 =	sand.u32 $0x1FFFFFF0, s4  }
0x71: {  	[tilespmem:s8], [sflag:$0x1] =	stream.linear.gather [hbm4b:s2+s5], $0x32, $0x38;
	[tilespmem:$0x8A80] =	vst v63  }
0x72: {  	s10 =	simm.s32 $0x4800;
	s9 =	spop (v2sf);
	s1 =	sadd.s32 s7, s1  }
0x73: {  	(v2sf) =	vpush v3, $0xB;
	[tilespmem:s10], [sflag:$0x2] =	stream.strided.gather [hbm4b:s1+s29], $0x0, s16, s29, $0x38;
	[tilespmem:$0x8A80] =	vst v63  }
0x74: {  	s2 =	sand.u32 $0x1FFFFFF0, s9  }
0x75: {  	[tilespmem:s10], [sflag:$0x2] =	stream.linear.gather [hbm4b:s1+s5], $0x32, $0x38;
	[tilespmem:$0x8A80] =	vst v63  }
0x76: {  	s12 =	simm.s32 $0x880;
	s11 =	spop (v2sf);
	s2 =	sadd.s32 s6, s2  }
0x77: {  	(v2sf) =	vpush v2, $0xB;
	[tilespmem:s12], [sflag:$0x1] =	stream.strided.gather [hbm4b:s2+s29], $0x0, s16, s29, $0x38;
	[tilespmem:$0x8A80] =	vst v63  }
0x78: {  	s1 =	sand.u32 $0x1FFFFFF0, s11  }
0x79: {  	[tilespmem:s12], [sflag:$0x1] =	stream.linear.gather [hbm4b:s2+s5], $0x32, $0x38;
	[tilespmem:$0x8A80] =	vst v63  }
0x7a: {  	s14 =	simm.s32 $0x4880;
	s13 =	spop (v2sf);
	s1 =	sadd.s32 s7, s1  }
0x7b: {  	(v2sf) =	vpush v3, $0xC;
	[tilespmem:s14], [sflag:$0x2] =	stream.strided.gather [hbm4b:s1+s29], $0x0, s16, s29, $0x38;
	[tilespmem:$0x8A80] =	vst v63  }
0x7c: {  	s2 =	sand.u32 $0x1FFFFFF0, s13  }
0x7d: {  	[tilespmem:s14], [sflag:$0x2] =	stream.linear.gather [hbm4b:s1+s5], $0x32, $0x38;
	[tilespmem:$0x8A80] =	vst v63  }
0x7e: {  	s20 =	simm.s32 $0x900;
	s15 =	spop (v2sf);
	s2 =	sadd.s32 s6, s2  }
0x7f: {  	(v2sf) =	vpush v2, $0xC;
	[tilespmem:s20], [sflag:$0x1] =	stream.strided.gather [hbm4b:s2+s29], $0x0, s16, s29, $0x38;
	[tilespmem:$0x8A80] =	vst v63  }
0x80: {  	s1 =	sand.u32 $0x1FFFFFF0, s15  }
0x81: {  	[tilespmem:s20], [sflag:$0x1] =	stream.linear.gather [hbm4b:s2+s5], $0x32, $0x38;
	[tilespmem:$0x8A80] =	vst v63  }
0x82: {  	s22 =	simm.s32 $0x4900;
	s21 =	spop (v2sf);
	s1 =	sadd.s32 s7, s1  }
0x83: {  	(v2sf) =	vpush v3, $0xD;
	[tilespmem:s22], [sflag:$0x2] =	stream.strided.gather [hbm4b:s1+s29], $0x0, s16, s29, $0x38;
	[tilespmem:$0x8A80] =	vst v63  }
0x84: {  	s2 =	sand.u32 $0x1FFFFFF0, s21  }
0x85: {  	[tilespmem:s22], [sflag:$0x2] =	stream.linear.gather [hbm4b:s1+s5], $0x32, $0x38;
	[tilespmem:$0x8A80] =	vst v63  }
0x86: {  	s25 =	simm.s32 $0x980;
	s23 =	spop (v2sf);
	s2 =	sadd.s32 s6, s2  }
0x87: {  	(v2sf) =	vpush v2, $0xD;
	[tilespmem:s25], [sflag:$0x1] =	stream.strided.gather [hbm4b:s2+s29], $0x0, s16, s29, $0x38;
	[tilespmem:$0x8A80] =	vst v63  }
0x88: {  	s1 =	sand.u32 $0x1FFFFFF0, s23  }
0x89: {  	[tilespmem:s25], [sflag:$0x1] =	stream.linear.gather [hbm4b:s2+s5], $0x32, $0x38;
	[tilespmem:$0x8A80] =	vst v63  }
0x8a: {  	s0 =	simm.s32 $0x4980;
	s28 =	spop (v2sf);
	s1 =	sadd.s32 s7, s1  }
0x8b: {  	(v2sf) =	vpush v3, $0xE;
	[tilespmem:s0], [sflag:$0x2] =	stream.strided.gather [hbm4b:s1+s29], $0x0, s16, s29, $0x38;
	[tilespmem:$0x8A80] =	vst v63  }
0x8c: {  	s2 =	sand.u32 $0x1FFFFFF0, s28  }
0x8d: {  	[tilespmem:s0], [sflag:$0x2] =	stream.linear.gather [hbm4b:s1+s5], $0x32, $0x38;
	[tilespmem:$0x8A80] =	vst v63  }
0x8e: {  	s8 =	simm.s32 $0xA00;
	s4 =	spop (v2sf);
	s2 =	sadd.s32 s6, s2  }
0x8f: {  	(v2sf) =	vpush v2, $0xE;
	[tilespmem:s8], [sflag:$0x1] =	stream.strided.gather [hbm4b:s2+s29], $0x0, s16, s29, $0x38;
	[tilespmem:$0x8A80] =	vst v63  }
0x90: {  	s1 =	sand.u32 $0x1FFFFFF0, s4  }
0x91: {  	[tilespmem:s8], [sflag:$0x1] =	stream.linear.gather [hbm4b:s2+s5], $0x32, $0x38;
	[tilespmem:$0x8A80] =	vst v63  }
0x92: {  	s10 =	simm.s32 $0x4A00;
	s9 =	spop (v2sf);
	s1 =	sadd.s32 s7, s1  }
0x93: {  	(v2sf) =	vpush v3, $0xF;
	[tilespmem:s10], [sflag:$0x2] =	stream.strided.gather [hbm4b:s1+s29], $0x0, s16, s29, $0x38;
	[tilespmem:$0x8A80] =	vst v63  }
0x94: {  	s2 =	sand.u32 $0x1FFFFFF0, s9  }
0x95: {  	[tilespmem:s10], [sflag:$0x2] =	stream.linear.gather [hbm4b:s1+s5], $0x32, $0x38;
	[tilespmem:$0x8A80] =	vst v63  }
0x96: {  	s12 =	simm.s32 $0xA80;
	s11 =	spop (v2sf);
	s2 =	sadd.s32 s6, s2  }
0x97: {  	(v2sf) =	vpush v2, $0xF;
	[tilespmem:s12], [sflag:$0x1] =	stream.strided.gather [hbm4b:s2+s29], $0x0, s16, s29, $0x38;
	[tilespmem:$0x8A80] =	vst v63  }
0x98: {  	s1 =	sand.u32 $0x1FFFFFF0, s11  }
0x99: {  	[tilespmem:s12], [sflag:$0x1] =	stream.linear.gather [hbm4b:s2+s5], $0x32, $0x38;
	[tilespmem:$0x8A80] =	vst v63  }
0x9a: {  	s14 =	simm.s32 $0x4A80;
	s13 =	spop (v2sf);
	s1 =	sadd.s32 s7, s1  }
0x9b: {  	[tilespmem:s14], [sflag:$0x2] =	stream.strided.gather [hbm4b:s1+s29], $0x0, s16, s29, $0x38;
	[tilespmem:$0x8A80] =	vst v63  }
0x9c: {  	s2 =	sand.u32 $0x1FFFFFF0, s13  }
0x9d: {  	[tilespmem:s14], [sflag:$0x2] =	stream.linear.gather [hbm4b:s1+s5], $0x32, $0x38;
	[tilespmem:$0x8A80] =	vst v63  }
0x9e: {  	s20 =	simm.s32 $0xB00;
	s15 =	spop (v2sf);
	s2 =	sadd.s32 s6, s2  }
0x9f: {  	[tilespmem:s20], [sflag:$0x1] =	stream.strided.gather [hbm4b:s2+s29], $0x0, s16, s29, $0x38;
	[tilespmem:$0x8A80] =	vst v63  }
0xa0: {  	s1 =	sand.u32 $0x1FFFFFF0, s15  }
0xa1: {  	[tilespmem:s20], [sflag:$0x1] =	stream.linear.gather [hbm4b:s2+s5], $0x32, $0x38;
	[tilespmem:$0x8A80] =	vst v63  }
0xa2: {  	s22 =	simm.s32 $0x4B00;
	s21 =	spop (v2sf);
	s1 =	sadd.s32 s7, s1  }
0xa3: {  	[tilespmem:s22], [sflag:$0x2] =	stream.strided.gather [hbm4b:s1+s29], $0x0, s16, s29, $0x38;
	[tilespmem:$0x8A80] =	vst v63  }
0xa4: {  	s2 =	sand.u32 $0x1FFFFFF0, s21  }
0xa5: {  	[tilespmem:s22], [sflag:$0x2] =	stream.linear.gather [hbm4b:s1+s5], $0x32, $0x38;
	[tilespmem:$0x8A80] =	vst v63  }
0xa6: {  	s25 =	simm.s32 $0xB80;
	s23 =	spop (v2sf);
	s2 =	sadd.s32 s6, s2  }
0xa7: {  	[tilespmem:s25], [sflag:$0x1] =	stream.strided.gather [hbm4b:s2+s29], $0x0, s16, s29, $0x38;
	[tilespmem:$0x8A80] =	vst v63  }
0xa8: {  	s30 =	simm.s32 $0x2000;
	s31 =	smov.u32 s24;
	s28 =	sand.u32 $0x1FFFFFF0, s23  }
0xa9: {  	[tilespmem:s25], [sflag:$0x1] =	stream.linear.gather [hbm4b:s2+s5], $0x32, $0x38;
	[tilespmem:$0x8A80] =	vst v63  }
0xaa: {  	[dreg:$0xe] =	wrdreg s26;
	s1 =	simm.s32 $0x4B80;
	s2 =	sadd.s32 s7, s28  }
0xab: {  	[tilespmem:s1], [sflag:$0x2] =	stream.strided.gather [hbm4b:s2+s29], $0x0, s16, s29, $0x38;
	[tilespmem:$0x8A80] =	vst v63  }
.LBB2_3:
0xac: {  	p0 =	sne.s32 s30, $0xE000;
	s31 =	sadd.s32 $0x10, s31;
	s26 =	sadd.s32 $0x10, s26  }
0xad: {  	[tilespmem:s1], [sflag:$0x2] =	stream.linear.gather [hbm4b:s2+s5], $0x32, $0x38;
	[tilespmem:$0x8A80] =	vst v63  }
0xae: {  	s1 =	smov.u32 s30;
	s30 =	sadd.s32 $0x2000, s30;
	v2 =	vld [tilespmem:s26+$0x0];
	_ =	sdelay $0x3  }
0xaf: {  	v4 =	vld [tilespmem:s31+$0x0]  }
0xb0: {  	v3 =	vshll.u32 v2, $0x4  }
0xb1: {  	(v2sf) =	vpush v3, $0x0  }
0xb2: {  	(v2sf) =	vpush v3, $0x1  }
0xb3: {  	(v2sf) =	vpush v3, $0x2  }
0xb4: {  	v2 =	vshll.u32 v4, $0x4  }
0xb5: {  	(v2sf) =	vpush v2, $0x0;
	_ =	sdelay $0x1  }
0xb6: {  	(v2sf) =	vpush v2, $0x1  }
0xb7: {  	(v2sf) =	vpush v2, $0x2;
	_ =	sdelay $0x3  }
0xb8: {  	(v2sf) =	vpush v3, $0x3;
	_ =	sdelay $0x3  }
0xb9: {  	s2 =	spop (v2sf);
	(v2sf) =	vpush v2, $0x3  }
0xba: {  	s4 =	sshra.s32 s1, $0x2;
	s1 =	sand.u32 $0x1FFFFFF0, s2;
	s2 =	spop (v2sf)  }
0xbb: {  	s3 =	sadd.s32 $0x400, s4;
	s1 =	sadd.s32 s6, s1;
	s8 =	spop (v2sf)  }
0xbc: {  	[tilespmem:s3], [sflag:$0x1] =	stream.strided.gather [hbm4b:s1+s29], $0x0, s16, s29, $0x38;
	[tilespmem:$0x8A80] =	vst v63  }
0xbd: {  	s2 =	sand.u32 $0x1FFFFFF0, s2;
	s8 =	sand.u32 $0x1FFFFFF0, s8;
	s9 =	spop (v2sf);
	(v2sf) =	vpush v3, $0x4  }
0xbe: {  	[tilespmem:s3], [sflag:$0x1] =	stream.linear.gather [hbm4b:s1+s5], $0x32, $0x38;
	[tilespmem:$0x8A80] =	vst v63  }
0xbf: {  	s1 =	sadd.s32 $0x4400, s4;
	s3 =	sand.u32 $0x1FFFFFF0, s9;
	s9 =	spop (v2sf);
	(v2sf) =	vpush v2, $0x4  }
0xc0: {  	s3 =	sadd.s32 s7, s3;
	s9 =	sand.u32 $0x1FFFFFF0, s9;
	s10 =	spop (v2sf)  }
0xc1: {  	[tilespmem:s1], [sflag:$0x2] =	stream.strided.gather [hbm4b:s3+s29], $0x0, s16, s29, $0x38;
	(v2sf) =	vpush v3, $0x5;
	[tilespmem:$0x8A80] =	vst v63  }
0xc2: {  	s11 =	sadd.s32 $0x480, s4;
	s2 =	sadd.s32 s6, s2;
	s10 =	sand.u32 $0x1FFFFFF0, s10  }
0xc3: {  	[tilespmem:s1], [sflag:$0x2] =	stream.linear.gather [hbm4b:s3+s5], $0x32, $0x38;
	(v2sf) =	vpush v2, $0x5;
	[tilespmem:$0x8A80] =	vst v63  }
0xc4: {  	s1 =	spop (v2sf)  }
0xc5: {  	[tilespmem:s11], [sflag:$0x1] =	stream.strided.gather [hbm4b:s2+s29], $0x0, s16, s29, $0x38;
	(v2sf) =	vpush v3, $0x6;
	[tilespmem:$0x8A80] =	vst v63  }
0xc6: {  	s9 =	sadd.s32 s7, s9;
	s3 =	sadd.s32 $0x4480, s4;
	s1 =	sand.u32 $0x1FFFFFF0, s1  }
0xc7: {  	[tilespmem:s11], [sflag:$0x1] =	stream.linear.gather [hbm4b:s2+s5], $0x32, $0x38;
	(v2sf) =	vpush v2, $0x6;
	[tilespmem:$0x8A80] =	vst v63  }
0xc8: {  	s2 =	spop (v2sf)  }
0xc9: {  	[tilespmem:s3], [sflag:$0x2] =	stream.strided.gather [hbm4b:s9+s29], $0x0, s16, s29, $0x38;
	(v2sf) =	vpush v3, $0x7;
	[tilespmem:$0x8A80] =	vst v63  }
0xca: {  	s8 =	sadd.s32 s6, s8;
	s11 =	sadd.s32 $0x500, s4;
	s2 =	sand.u32 $0x1FFFFFF0, s2  }
0xcb: {  	[tilespmem:s3], [sflag:$0x2] =	stream.linear.gather [hbm4b:s9+s5], $0x32, $0x38;
	(v2sf) =	vpush v2, $0x7;
	[tilespmem:$0x8A80] =	vst v63  }
0xcc: {  	s3 =	spop (v2sf)  }
0xcd: {  	[tilespmem:s11], [sflag:$0x1] =	stream.strided.gather [hbm4b:s8+s29], $0x0, s16, s29, $0x38;
	(v2sf) =	vpush v3, $0x8;
	[tilespmem:$0x8A80] =	vst v63  }
0xce: {  	s10 =	sadd.s32 s7, s10;
	s9 =	sadd.s32 $0x4500, s4;
	s13 =	spop (v2sf)  }
0xcf: {  	[tilespmem:s11], [sflag:$0x1] =	stream.linear.gather [hbm4b:s8+s5], $0x32, $0x38;
	(v2sf) =	vpush v2, $0x8;
	[tilespmem:$0x8A80] =	vst v63  }
0xd0: {  	s3 =	sand.u32 $0x1FFFFFF0, s3;
	s11 =	sand.u32 $0x1FFFFFF0, s13;
	s8 =	spop (v2sf)  }
0xd1: {  	[tilespmem:s9], [sflag:$0x2] =	stream.strided.gather [hbm4b:s10+s29], $0x0, s16, s29, $0x38;
	(v2sf) =	vpush v3, $0x9;
	[tilespmem:$0x8A80] =	vst v63  }
0xd2: {  	s1 =	sadd.s32 s6, s1;
	s13 =	sadd.s32 $0x580, s4;
	s14 =	spop (v2sf)  }
0xd3: {  	[tilespmem:s9], [sflag:$0x2] =	stream.linear.gather [hbm4b:s10+s5], $0x32, $0x38;
	(v2sf) =	vpush v2, $0x9;
	[tilespmem:$0x8A80] =	vst v63  }
0xd4: {  	s9 =	sand.u32 $0x1FFFFFF0, s8;
	s10 =	sand.u32 $0x1FFFFFF0, s14;
	s8 =	spop (v2sf)  }
0xd5: {  	[tilespmem:s13], [sflag:$0x1] =	stream.strided.gather [hbm4b:s1+s29], $0x0, s16, s29, $0x38;
	(v2sf) =	vpush v3, $0xA;
	[tilespmem:$0x8A80] =	vst v63  }
0xd6: {  	s15 =	sadd.s32 s7, s2;
	s14 =	sadd.s32 $0x4580, s4;
	s2 =	spop (v2sf)  }
0xd7: {  	[tilespmem:s13], [sflag:$0x1] =	stream.linear.gather [hbm4b:s1+s5], $0x32, $0x38;
	(v2sf) =	vpush v2, $0xA;
	[tilespmem:$0x8A80] =	vst v63  }
0xd8: {  	s13 =	sand.u32 $0x1FFFFFF0, s8;
	s2 =	sand.u32 $0x1FFFFFF0, s2;
	s1 =	spop (v2sf)  }
0xd9: {  	[tilespmem:s14], [sflag:$0x2] =	stream.strided.gather [hbm4b:s15+s29], $0x0, s16, s29, $0x38;
	(v2sf) =	vpush v3, $0xB;
	[tilespmem:$0x8A80] =	vst v63  }
0xda: {  	s20 =	sadd.s32 $0x600, s4;
	s3 =	sadd.s32 s6, s3;
	s21 =	spop (v2sf)  }
0xdb: {  	[tilespmem:s14], [sflag:$0x2] =	stream.linear.gather [hbm4b:s15+s5], $0x32, $0x38;
	(v2sf) =	vpush v2, $0xB;
	[tilespmem:$0x8A80] =	vst v63  }
0xdc: {  	s8 =	sand.u32 $0x1FFFFFF0, s1;
	s1 =	sand.u32 $0x1FFFFFF0, s21;
	s14 =	spop (v2sf)  }
0xdd: {  	[tilespmem:s20], [sflag:$0x1] =	stream.strided.gather [hbm4b:s3+s29], $0x0, s16, s29, $0x38;
	(v2sf) =	vpush v3, $0xC;
	[tilespmem:$0x8A80] =	vst v63  }
0xde: {  	s15 =	sadd.s32 $0x4600, s4;
	s21 =	sadd.s32 s7, s11;
	s11 =	spop (v2sf)  }
0xdf: {  	[tilespmem:s20], [sflag:$0x1] =	stream.linear.gather [hbm4b:s3+s5], $0x32, $0x38;
	(v2sf) =	vpush v2, $0xC;
	[tilespmem:$0x8A80] =	vst v63  }
0xe0: {  	s3 =	sand.u32 $0x1FFFFFF0, s14;
	s14 =	sand.u32 $0x1FFFFFF0, s11;
	s20 =	spop (v2sf)  }
0xe1: {  	[tilespmem:s15], [sflag:$0x2] =	stream.strided.gather [hbm4b:s21+s29], $0x0, s16, s29, $0x38;
	(v2sf) =	vpush v3, $0xD;
	[tilespmem:$0x8A80] =	vst v63  }
0xe2: {  	s12 =	sadd.s32 $0x680, s4;
	s9 =	sadd.s32 s6, s9;
	s11 =	spop (v2sf)  }
0xe3: {  	[tilespmem:s15], [sflag:$0x2] =	stream.linear.gather [hbm4b:s21+s5], $0x32, $0x38;
	(v2sf) =	vpush v2, $0xD;
	[tilespmem:$0x8A80] =	vst v63  }
0xe4: {  	s22 =	sand.u32 $0x1FFFFFF0, s20;
	s15 =	spop (v2sf)  }
0xe5: {  	[tilespmem:s12], [sflag:$0x1] =	stream.strided.gather [hbm4b:s9+s29], $0x0, s16, s29, $0x38;
	(v2sf) =	vpush v3, $0xE;
	[tilespmem:$0x8A80] =	vst v63  }
0xe6: {  	s23 =	sadd.s32 s7, s10;
	s20 =	sadd.s32 $0x4680, s4;
	s10 =	spop (v2sf)  }
0xe7: {  	[tilespmem:s12], [sflag:$0x1] =	stream.linear.gather [hbm4b:s9+s5], $0x32, $0x38;
	[tilespmem:$0x8A80] =	vst v63  }
0xe8: {  	s21 =	sand.u32 $0x1FFFFFF0, s15;
	s10 =	sand.u32 $0x1FFFFFF0, s10;
	s12 =	spop (v2sf)  }
0xe9: {  	[tilespmem:s20], [sflag:$0x2] =	stream.strided.gather [hbm4b:s23+s29], $0x0, s16, s29, $0x38;
	(v2sf) =	vpush v2, $0xE;
	[tilespmem:$0x8A80] =	vst v63  }
0xea: {  	s28 =	sadd.s32 $0x700, s4;
	s13 =	sadd.s32 s6, s13;
	s9 =	spop (v2sf)  }
0xeb: {  	[tilespmem:s20], [sflag:$0x2] =	stream.linear.gather [hbm4b:s23+s5], $0x32, $0x38;
	[tilespmem:$0x8A80] =	vst v63  }
0xec: {  	s20 =	sand.u32 $0x1FFFFFF0, s12;
	s15 =	spop (v2sf)  }
0xed: {  	[tilespmem:s28], [sflag:$0x1] =	stream.strided.gather [hbm4b:s13+s29], $0x0, s16, s29, $0x38;
	(v2sf) =	vpush v3, $0xF;
	[tilespmem:$0x8A80] =	vst v63  }
0xee: {  	s2 =	sadd.s32 s7, s2;
	s12 =	sadd.s32 $0x4700, s4;
	s23 =	spop (v2sf)  }
0xef: {  	[tilespmem:s28], [sflag:$0x1] =	stream.linear.gather [hbm4b:s13+s5], $0x32, $0x38;
	[tilespmem:$0x8A80] =	vst v63  }
0xf0: {  	s13 =	sand.u32 $0x1FFFFFF0, s23;
	s23 =	spop (v2sf)  }
0xf1: {  	[tilespmem:s12], [sflag:$0x2] =	stream.strided.gather [hbm4b:s2+s29], $0x0, s16, s29, $0x38;
	(v2sf) =	vpush v2, $0xF;
	[tilespmem:$0x8A80] =	vst v63  }
0xf2: {  	s25 =	sadd.s32 s6, s8;
	s28 =	sadd.s32 $0x780, s4;
	s0 =	spop (v2sf)  }
0xf3: {  	[tilespmem:s12], [sflag:$0x2] =	stream.linear.gather [hbm4b:s2+s5], $0x32, $0x38;
	[tilespmem:$0x8A80] =	vst v63  }
0xf4: {  	s8 =	sand.u32 $0x1FFFFFF0, s23;
	s2 =	sand.u32 $0x1FFFFFF0, s0;
	s0 =	spop (v2sf)  }
0xf5: {  	[tilespmem:s28], [sflag:$0x1] =	stream.strided.gather [hbm4b:s25+s29], $0x0, s16, s29, $0x38;
	[tilespmem:$0x8A80] =	vst v63  }
0xf6: {  	s23 =	sadd.s32 s7, s1;
	s12 =	sadd.s32 $0x4780, s4;
	s1 =	sand.u32 $0x1FFFFFF0, s0  }
0xf7: {  	[tilespmem:s28], [sflag:$0x1] =	stream.linear.gather [hbm4b:s25+s5], $0x32, $0x38;
	[tilespmem:$0x8A80] =	vst v63  }
0xf8: {  	s0 =	spop (v2sf)  }
0xf9: {  	[tilespmem:s12], [sflag:$0x2] =	stream.strided.gather [hbm4b:s23+s29], $0x0, s16, s29, $0x38;
	[tilespmem:$0x8A80] =	vst v63  }
0xfa: {  	s25 =	sadd.s32 $0x800, s4;
	s28 =	sadd.s32 s6, s3;
	s3 =	sand.u32 $0x1FFFFFF0, s0  }
0xfb: {  	[tilespmem:s12], [sflag:$0x2] =	stream.linear.gather [hbm4b:s23+s5], $0x32, $0x38;
	[tilespmem:$0x8A80] =	vst v63  }
0xfc: {  	s0 =	spop (v2sf)  }
0xfd: {  	[tilespmem:s25], [sflag:$0x1] =	stream.strided.gather [hbm4b:s28+s29], $0x0, s16, s29, $0x38;
	[tilespmem:$0x8A80] =	vst v63  }
0xfe: {  	s12 =	sadd.s32 $0x4800, s4;
	s23 =	sadd.s32 s7, s14;
	s14 =	sand.u32 $0x1FFFFFF0, s0  }
0xff: {  	[tilespmem:s25], [sflag:$0x1] =	stream.linear.gather [hbm4b:s28+s5], $0x32, $0x38;
	[tilespmem:$0x8A80] =	vst v63  }
0x100: {  	s0 =	spop (v2sf)  }
0x101: {  	[tilespmem:s12], [sflag:$0x2] =	stream.strided.gather [hbm4b:s23+s29], $0x0, s16, s29, $0x38;
	[tilespmem:$0x8A80] =	vst v63  }
0x102: {  	s25 =	sadd.s32 $0x880, s4;
	s28 =	sadd.s32 s6, s22;
	s22 =	sand.u32 $0x1FFFFFF0, s0  }
0x103: {  	[tilespmem:s12], [sflag:$0x2] =	stream.linear.gather [hbm4b:s23+s5], $0x32, $0x38;
	[tilespmem:$0x8A80] =	vst v63  }
0x104: {  	s0 =	sand.u32 $0x1FFFFFF0, s11  }
0x105: {  	[tilespmem:s25], [sflag:$0x1] =	stream.strided.gather [hbm4b:s28+s29], $0x0, s16, s29, $0x38;
	[tilespmem:$0x8A80] =	vst v63  }
0x106: {  	s11 =	sadd.s32 $0x4880, s4;
	s0 =	sadd.s32 s7, s0  }
0x107: {  	[tilespmem:s25], [sflag:$0x1] =	stream.linear.gather [hbm4b:s28+s5], $0x32, $0x38;
	[tilespmem:$0x8A80] =	vst v63  }
0x108: {  	_ = 	snop  }
0x109: {  	[tilespmem:s11], [sflag:$0x2] =	stream.strided.gather [hbm4b:s0+s29], $0x0, s16, s29, $0x38;
	[tilespmem:$0x8A80] =	vst v63  }
0x10a: {  	s21 =	sadd.s32 s6, s21;
	s12 =	sadd.s32 $0x900, s4  }
0x10b: {  	[tilespmem:s11], [sflag:$0x2] =	stream.linear.gather [hbm4b:s0+s5], $0x32, $0x38;
	[tilespmem:$0x8A80] =	vst v63  }
0x10c: {  	_ = 	snop  }
0x10d: {  	[tilespmem:s12], [sflag:$0x1] =	stream.strided.gather [hbm4b:s21+s29], $0x0, s16, s29, $0x38;
	[tilespmem:$0x8A80] =	vst v63  }
0x10e: {  	s10 =	sadd.s32 s7, s10;
	s0 =	sadd.s32 $0x4900, s4  }
0x10f: {  	[tilespmem:s12], [sflag:$0x1] =	stream.linear.gather [hbm4b:s21+s5], $0x32, $0x38;
	[tilespmem:$0x8A80] =	vst v63  }
0x110: {  	_ = 	snop  }
0x111: {  	[tilespmem:s0], [sflag:$0x2] =	stream.strided.gather [hbm4b:s10+s29], $0x0, s16, s29, $0x38;
	[tilespmem:$0x8A80] =	vst v63  }
0x112: {  	s11 =	sadd.s32 $0x980, s4;
	s12 =	sadd.s32 s6, s20  }
0x113: {  	[tilespmem:s0], [sflag:$0x2] =	stream.linear.gather [hbm4b:s10+s5], $0x32, $0x38;
	[tilespmem:$0x8A80] =	vst v63  }
0x114: {  	s0 =	sand.u32 $0x1FFFFFF0, s9  }
0x115: {  	[tilespmem:s11], [sflag:$0x1] =	stream.strided.gather [hbm4b:s12+s29], $0x0, s16, s29, $0x38;
	[tilespmem:$0x8A80] =	vst v63  }
0x116: {  	s9 =	sadd.s32 $0x4980, s4;
	s0 =	sadd.s32 s7, s0  }
0x117: {  	[tilespmem:s11], [sflag:$0x1] =	stream.linear.gather [hbm4b:s12+s5], $0x32, $0x38;
	[tilespmem:$0x8A80] =	vst v63  }
0x118: {  	s10 =	sand.u32 $0x1FFFFFF0, s15  }
0x119: {  	[tilespmem:s9], [sflag:$0x2] =	stream.strided.gather [hbm4b:s0+s29], $0x0, s16, s29, $0x38;
	[tilespmem:$0x8A80] =	vst v63  }
0x11a: {  	s10 =	sadd.s32 s6, s10;
	s11 =	sadd.s32 $0xA00, s4  }
0x11b: {  	[tilespmem:s9], [sflag:$0x2] =	stream.linear.gather [hbm4b:s0+s5], $0x32, $0x38;
	[tilespmem:$0x8A80] =	vst v63  }
0x11c: {  	_ = 	snop  }
0x11d: {  	[tilespmem:s11], [sflag:$0x1] =	stream.strided.gather [hbm4b:s10+s29], $0x0, s16, s29, $0x38;
	[tilespmem:$0x8A80] =	vst v63  }
0x11e: {  	s0 =	sadd.s32 $0x4A00, s4;
	s9 =	sadd.s32 s7, s13  }
0x11f: {  	[tilespmem:s11], [sflag:$0x1] =	stream.linear.gather [hbm4b:s10+s5], $0x32, $0x38;
	[tilespmem:$0x8A80] =	vst v63  }
0x120: {  	_ = 	snop  }
0x121: {  	[tilespmem:s0], [sflag:$0x2] =	stream.strided.gather [hbm4b:s9+s29], $0x0, s16, s29, $0x38;
	[tilespmem:$0x8A80] =	vst v63  }
0x122: {  	s8 =	sadd.s32 s6, s8;
	s10 =	sadd.s32 $0xA80, s4  }
0x123: {  	[tilespmem:s0], [sflag:$0x2] =	stream.linear.gather [hbm4b:s9+s5], $0x32, $0x38;
	[tilespmem:$0x8A80] =	vst v63  }
0x124: {  	_ = 	snop  }
0x125: {  	[tilespmem:s10], [sflag:$0x1] =	stream.strided.gather [hbm4b:s8+s29], $0x0, s16, s29, $0x38;
	[tilespmem:$0x8A80] =	vst v63  }
0x126: {  	s2 =	sadd.s32 s7, s2;
	s0 =	sadd.s32 $0x4A80, s4  }
0x127: {  	[tilespmem:s10], [sflag:$0x1] =	stream.linear.gather [hbm4b:s8+s5], $0x32, $0x38;
	[tilespmem:$0x8A80] =	vst v63  }
0x128: {  	_ = 	snop  }
0x129: {  	[tilespmem:s0], [sflag:$0x2] =	stream.strided.gather [hbm4b:s2+s29], $0x0, s16, s29, $0x38;
	[tilespmem:$0x8A80] =	vst v63  }
0x12a: {  	s1 =	sadd.s32 s6, s1;
	s8 =	sadd.s32 $0xB00, s4  }
0x12b: {  	[tilespmem:s0], [sflag:$0x2] =	stream.linear.gather [hbm4b:s2+s5], $0x32, $0x38;
	[tilespmem:$0x8A80] =	vst v63  }
0x12c: {  	_ = 	snop  }
0x12d: {  	[tilespmem:s8], [sflag:$0x1] =	stream.strided.gather [hbm4b:s1+s29], $0x0, s16, s29, $0x38;
	[tilespmem:$0x8A80] =	vst v63  }
0x12e: {  	s0 =	sadd.s32 $0x4B00, s4;
	s2 =	sadd.s32 s7, s3  }
0x12f: {  	[tilespmem:s8], [sflag:$0x1] =	stream.linear.gather [hbm4b:s1+s5], $0x32, $0x38;
	[tilespmem:$0x8A80] =	vst v63  }
0x130: {  	_ = 	snop  }
0x131: {  	[tilespmem:s0], [sflag:$0x2] =	stream.strided.gather [hbm4b:s2+s29], $0x0, s16, s29, $0x38;
	[tilespmem:$0x8A80] =	vst v63  }
0x132: {  	s3 =	sadd.s32 $0xB80, s4;
	s8 =	sadd.s32 s6, s14  }
0x133: {  	[tilespmem:s0], [sflag:$0x2] =	stream.linear.gather [hbm4b:s2+s5], $0x32, $0x38;
	[tilespmem:$0x8A80] =	vst v63  }
0x134: {  	_ = 	snop  }
0x135: {  	[tilespmem:s3], [sflag:$0x1] =	stream.strided.gather [hbm4b:s8+s29], $0x0, s16, s29, $0x38;
	[tilespmem:$0x8A80] =	vst v63  }
.Ltmp0:
0x136: {  	_ = 	snop;
	(pc) =	sbr.rel @p0 .LBB2_3-.Ltmp0, $4  }
0x137: {  	s1 =	sadd.s32 $0x4B80, s4;
	s2 =	sadd.s32 s7, s22  }
0x138: {  	[tilespmem:s3], [sflag:$0x1] =	stream.linear.gather [hbm4b:s8+s5], $0x32, $0x38;
	[tilespmem:$0x8A80] =	vst v63  }
0x139: {  	_ = 	snop  }
0x13a: {  	[tilespmem:s1], [sflag:$0x2] =	stream.strided.gather [hbm4b:s2+s29], $0x0, s16, s29, $0x38;
	[tilespmem:$0x8A80] =	vst v63  }
0x13b: {  	[tilespmem:s1], [sflag:$0x2] =	stream.linear.gather [hbm4b:s2+s5], $0x32, $0x38;
	[tilespmem:$0x8A80] =	vst v63  }
0x13c: {  	_ =	swait.ge [sflag:s17], $0x32  }
0x13d: {  	[sflag:s17] =	ssyncset.done $0x0  }
0x13e: {  	[sflag:s17] =	ssyncadd.s32 $0xFFFFFFCE  }
0x13f: {  	_ =	swait.ge [sflag:s18], $0x32  }
0x140: {  	s1 =	simm.s32 $0x7F;
	[sflag:s18] =	ssyncset.done $0x0  }
.LBB2_5:
0x141: {  	p0 =	sne.s32 s1, $0x1;
	s1 =	sadd.s32 $0xFFFFFFFF, s1;
	[sflag:s18] =	ssyncadd.s32 $0xFFFFFFCE  }
.Ltmp1:
0x142: {  	_ =	swait.ge [sflag:s17], $0x32;
	(pc) =	sbr.rel @p0 .LBB2_5-.Ltmp1, $4  }
0x143: {  	[sflag:s17] =	ssyncset.done $0x0  }
0x144: {  	[sflag:s17] =	ssyncadd.s32 $0xFFFFFFCE  }
0x145: {  	_ =	swait.ge [sflag:s18], $0x32  }
0x146: {  	[sflag:s18] =	ssyncset.done $0x0  }
0x147: {  	s0 =	simm.s32 $0x0  }
0x148: {  	v2 =	vmov s0  }
0x149: {  	v2 =	vshll.u32 v2, $0x7  }
0x14a: {  	v2 =	vor.u32 v0, v2;
	_ =	sdelay $0x1  }
0x14b: {  	v3 =	vor.u32 $0x1, v2;
	_ =	sdelay $0x1  }
0x14c: {  	[sflag:s18] =	ssyncadd.s32 $0xFFFFFFCE;
	v4 =	vor.u32 $0x2, v2  }
0x14d: {  	v5 =	vld.idx.msk [tilespmem:v2+s19+$0x0], $0xffff  }
0x14e: {  	v7 =	vor.u32 $0x3, v2;
	v6 =	vld.idx.msk [tilespmem:v2+s16+$0x0], $0xffff  }
0x14f: {  	v8 =	vld.idx.msk [tilespmem:v3+s16+$0x0], $0xffff  }
0x150: {  	v9 =	vor.u32 $0x4, v2;
	v3 =	vld.idx.msk [tilespmem:v3+s19+$0x0], $0xffff  }
0x151: {  	v10 =	vld.idx.msk [tilespmem:v4+s16+$0x0], $0xffff  }
0x152: {  	v11 =	vor.u32 $0x5, v2;
	v4 =	vld.idx.msk [tilespmem:v4+s19+$0x0], $0xffff  }
0x153: {  	v12 =	vld.idx.msk [tilespmem:v7+s16+$0x0], $0xffff;
	v5 =	vmul.f32 v5, v6  }
0x154: {  	v6 =	vld.idx.msk [tilespmem:v7+s19+$0x0], $0xffff;
	v7 =	vor.u32 $0x6, v2  }
0x155: {  	v13 =	vld.idx.msk [tilespmem:v9+s16+$0x0], $0xffff;
	v3 =	vmul.f32 v3, v8;
	v5 =	vadd.f32 $0.0e+00, v5  }
0x156: {  	v60 =	vor.u32 $0x7, v2;
	v8 =	vld.idx.msk [tilespmem:v9+s19+$0x0], $0xffff  }
0x157: {  	v14 =	vld.idx.msk [tilespmem:v11+s16+$0x0], $0xffff;
	v4 =	vmul.f32 v4, v10;
	v3 =	vadd.f32 v3, v5  }
0x158: {  	v61 =	vor.u32 $0x8, v2;
	v5 =	vld.idx.msk [tilespmem:v11+s19+$0x0], $0xffff  }
0x159: {  	v62 =	vld.idx.msk [tilespmem:v7+s16+$0x0], $0xffff;
	v3 =	vadd.f32 v4, v3;
	v4 =	vmul.f32 v6, v12  }
0x15a: {  	v6 =	vld.idx.msk [tilespmem:v7+s19+$0x0], $0xffff;
	v7 =	vor.u32 $0x9, v2  }
0x15b: {  	v63 =	vld.idx.msk [tilespmem:v60+s16+$0x0], $0xffff;
	v3 =	vadd.f32 v4, v3;
	v4 =	vmul.f32 v8, v13  }
0x15c: {  	v16 =	vor.u32 $0xA, v2;
	v8 =	vld.idx.msk [tilespmem:v60+s19+$0x0], $0xffff  }
0x15d: {  	v17 =	vld.idx.msk [tilespmem:v61+s16+$0x0], $0xffff;
	v3 =	vadd.f32 v4, v3;
	v4 =	vmul.f32 v5, v14  }
0x15e: {  	v18 =	vor.u32 $0xB, v2;
	v5 =	vld.idx.msk [tilespmem:v61+s19+$0x0], $0xffff  }
0x15f: {  	v19 =	vld.idx.msk [tilespmem:v7+s16+$0x0], $0xffff;
	v3 =	vadd.f32 v4, v3;
	v4 =	vmul.f32 v6, v62  }
0x160: {  	v6 =	vld.idx.msk [tilespmem:v7+s19+$0x0], $0xffff;
	v7 =	vor.u32 $0xC, v2  }
0x161: {  	v20 =	vld.idx.msk [tilespmem:v16+s16+$0x0], $0xffff;
	v3 =	vadd.f32 v4, v3;
	v4 =	vmul.f32 v8, v63  }
0x162: {  	v21 =	vor.u32 $0xD, v2;
	v8 =	vld.idx.msk [tilespmem:v16+s19+$0x0], $0xffff  }
0x163: {  	v22 =	vld.idx.msk [tilespmem:v18+s16+$0x0], $0xffff;
	v3 =	vadd.f32 v4, v3;
	v4 =	vmul.f32 v5, v17  }
0x164: {  	v23 =	vor.u32 $0xE, v2;
	v5 =	vld.idx.msk [tilespmem:v18+s19+$0x0], $0xffff  }
0x165: {  	v24 =	vld.idx.msk [tilespmem:v7+s16+$0x0], $0xffff;
	v3 =	vadd.f32 v4, v3;
	v4 =	vmul.f32 v6, v19  }
0x166: {  	v6 =	vld.idx.msk [tilespmem:v7+s19+$0x0], $0xffff;
	v7 =	vor.u32 $0xF, v2  }
0x167: {  	v25 =	vld.idx.msk [tilespmem:v21+s16+$0x0], $0xffff;
	v3 =	vadd.f32 v4, v3;
	v4 =	vmul.f32 v8, v20  }
0x168: {  	v26 =	vor.u32 $0x10, v2;
	v8 =	vld.idx.msk [tilespmem:v21+s19+$0x0], $0xffff  }
0x169: {  	v27 =	vld.idx.msk [tilespmem:v23+s16+$0x0], $0xffff;
	v3 =	vadd.f32 v4, v3;
	v4 =	vmul.f32 v5, v22  }
0x16a: {  	v28 =	vor.u32 $0x11, v2;
	v5 =	vld.idx.msk [tilespmem:v23+s19+$0x0], $0xffff  }
0x16b: {  	v29 =	vld.idx.msk [tilespmem:v7+s16+$0x0], $0xffff;
	v3 =	vadd.f32 v4, v3;
	v4 =	vmul.f32 v6, v24  }
0x16c: {  	v6 =	vld.idx.msk [tilespmem:v7+s19+$0x0], $0xffff;
	v7 =	vor.u32 $0x12, v2  }
0x16d: {  	v30 =	vld.idx.msk [tilespmem:v26+s16+$0x0], $0xffff;
	v3 =	vadd.f32 v4, v3;
	v4 =	vmul.f32 v8, v25  }
0x16e: {  	v31 =	vor.u32 $0x13, v2;
	v8 =	vld.idx.msk [tilespmem:v26+s19+$0x0], $0xffff  }
0x16f: {  	v32 =	vld.idx.msk [tilespmem:v28+s16+$0x0], $0xffff;
	v3 =	vadd.f32 v4, v3;
	v4 =	vmul.f32 v5, v27  }
0x170: {  	v33 =	vor.u32 $0x14, v2;
	v5 =	vld.idx.msk [tilespmem:v28+s19+$0x0], $0xffff  }
0x171: {  	v34 =	vld.idx.msk [tilespmem:v7+s16+$0x0], $0xffff;
	v3 =	vadd.f32 v4, v3;
	v4 =	vmul.f32 v6, v29  }
0x172: {  	v6 =	vld.idx.msk [tilespmem:v7+s19+$0x0], $0xffff;
	v7 =	vor.u32 $0x15, v2  }
0x173: {  	v35 =	vld.idx.msk [tilespmem:v31+s16+$0x0], $0xffff;
	v3 =	vadd.f32 v4, v3;
	v4 =	vmul.f32 v8, v30  }
0x174: {  	v36 =	vor.u32 $0x16, v2;
	v8 =	vld.idx.msk [tilespmem:v31+s19+$0x0], $0xffff  }
0x175: {  	v37 =	vld.idx.msk [tilespmem:v33+s16+$0x0], $0xffff;
	v3 =	vadd.f32 v4, v3;
	v4 =	vmul.f32 v5, v32  }
0x176: {  	v38 =	vor.u32 $0x17, v2;
	v5 =	vld.idx.msk [tilespmem:v33+s19+$0x0], $0xffff  }
0x177: {  	v39 =	vld.idx.msk [tilespmem:v7+s16+$0x0], $0xffff;
	v3 =	vadd.f32 v4, v3;
	v4 =	vmul.f32 v6, v34  }
0x178: {  	v6 =	vld.idx.msk [tilespmem:v7+s19+$0x0], $0xffff;
	v7 =	vor.u32 $0x18, v2  }
0x179: {  	v40 =	vld.idx.msk [tilespmem:v36+s16+$0x0], $0xffff;
	v3 =	vadd.f32 v4, v3;
	v4 =	vmul.f32 v8, v35  }
0x17a: {  	v41 =	vor.u32 $0x19, v2;
	v8 =	vld.idx.msk [tilespmem:v36+s19+$0x0], $0xffff  }
0x17b: {  	v42 =	vld.idx.msk [tilespmem:v38+s16+$0x0], $0xffff;
	v3 =	vadd.f32 v4, v3;
	v4 =	vmul.f32 v5, v37  }
0x17c: {  	v43 =	vor.u32 $0x1A, v2;
	v5 =	vld.idx.msk [tilespmem:v38+s19+$0x0], $0xffff  }
0x17d: {  	v44 =	vld.idx.msk [tilespmem:v7+s16+$0x0], $0xffff;
	v3 =	vadd.f32 v4, v3;
	v4 =	vmul.f32 v6, v39  }
0x17e: {  	v6 =	vld.idx.msk [tilespmem:v7+s19+$0x0], $0xffff;
	v7 =	vor.u32 $0x1B, v2  }
0x17f: {  	v45 =	vld.idx.msk [tilespmem:v41+s16+$0x0], $0xffff;
	v3 =	vadd.f32 v4, v3;
	v4 =	vmul.f32 v8, v40  }
0x180: {  	v46 =	vor.u32 $0x1C, v2;
	v8 =	vld.idx.msk [tilespmem:v41+s19+$0x0], $0xffff  }
0x181: {  	v47 =	vld.idx.msk [tilespmem:v43+s16+$0x0], $0xffff;
	v3 =	vadd.f32 v4, v3;
	v4 =	vmul.f32 v5, v42  }
0x182: {  	v48 =	vor.u32 $0x1D, v2;
	v5 =	vld.idx.msk [tilespmem:v43+s19+$0x0], $0xffff  }
0x183: {  	v49 =	vld.idx.msk [tilespmem:v7+s16+$0x0], $0xffff;
	v3 =	vadd.f32 v4, v3;
	v4 =	vmul.f32 v6, v44  }
0x184: {  	v6 =	vld.idx.msk [tilespmem:v7+s19+$0x0], $0xffff;
	v7 =	vor.u32 $0x1E, v2  }
0x185: {  	v50 =	vld.idx.msk [tilespmem:v46+s16+$0x0], $0xffff;
	v3 =	vadd.f32 v4, v3;
	v4 =	vmul.f32 v8, v45  }
0x186: {  	v51 =	vor.u32 $0x1F, v2;
	v8 =	vld.idx.msk [tilespmem:v46+s19+$0x0], $0xffff  }
0x187: {  	v52 =	vld.idx.msk [tilespmem:v48+s16+$0x0], $0xffff;
	v3 =	vadd.f32 v4, v3;
	v4 =	vmul.f32 v5, v47  }
0x188: {  	v53 =	vor.u32 $0x20, v2;
	v5 =	vld.idx.msk [tilespmem:v48+s19+$0x0], $0xffff  }
0x189: {  	v54 =	vld.idx.msk [tilespmem:v7+s16+$0x0], $0xffff;
	v3 =	vadd.f32 v4, v3;
	v4 =	vmul.f32 v6, v49  }
0x18a: {  	v6 =	vld.idx.msk [tilespmem:v7+s19+$0x0], $0xffff;
	v7 =	vor.u32 $0x21, v2  }
0x18b: {  	v55 =	vld.idx.msk [tilespmem:v51+s16+$0x0], $0xffff;
	v3 =	vadd.f32 v4, v3;
	v4 =	vmul.f32 v8, v50  }
0x18c: {  	v56 =	vor.u32 $0x22, v2;
	v8 =	vld.idx.msk [tilespmem:v51+s19+$0x0], $0xffff  }
0x18d: {  	v57 =	vld.idx.msk [tilespmem:v53+s16+$0x0], $0xffff;
	v3 =	vadd.f32 v4, v3;
	v4 =	vmul.f32 v5, v52  }
0x18e: {  	v58 =	vor.u32 $0x23, v2;
	v5 =	vld.idx.msk [tilespmem:v53+s19+$0x0], $0xffff  }
0x18f: {  	v59 =	vld.idx.msk [tilespmem:v7+s16+$0x0], $0xffff;
	v3 =	vadd.f32 v4, v3;
	v4 =	vmul.f32 v6, v54  }
0x190: {  	v6 =	vld.idx.msk [tilespmem:v7+s19+$0x0], $0xffff;
	v7 =	vor.u32 $0x24, v2  }
0x191: {  	v60 =	vld.idx.msk [tilespmem:v56+s16+$0x0], $0xffff;
	v3 =	vadd.f32 v4, v3;
	v4 =	vmul.f32 v8, v55  }
0x192: {  	v61 =	vor.u32 $0x25, v2;
	v8 =	vld.idx.msk [tilespmem:v56+s19+$0x0], $0xffff  }
0x193: {  	v62 =	vld.idx.msk [tilespmem:v58+s16+$0x0], $0xffff;
	v3 =	vadd.f32 v4, v3;
	v4 =	vmul.f32 v5, v57  }
0x194: {  	v63 =	vor.u32 $0x26, v2;
	v5 =	vld.idx.msk [tilespmem:v58+s19+$0x0], $0xffff  }
0x195: {  	v16 =	vld.idx.msk [tilespmem:v7+s16+$0x0], $0xffff;
	v3 =	vadd.f32 v4, v3;
	v4 =	vmul.f32 v6, v59  }
0x196: {  	v6 =	vld.idx.msk [tilespmem:v7+s19+$0x0], $0xffff;
	v7 =	vor.u32 $0x27, v2  }
0x197: {  	v17 =	vld.idx.msk [tilespmem:v61+s16+$0x0], $0xffff;
	v3 =	vadd.f32 v4, v3;
	v4 =	vmul.f32 v8, v60  }
0x198: {  	v18 =	vor.u32 $0x28, v2;
	v8 =	vld.idx.msk [tilespmem:v61+s19+$0x0], $0xffff  }
0x199: {  	v19 =	vld.idx.msk [tilespmem:v63+s16+$0x0], $0xffff;
	v3 =	vadd.f32 v4, v3;
	v4 =	vmul.f32 v5, v62  }
0x19a: {  	v20 =	vor.u32 $0x29, v2;
	v5 =	vld.idx.msk [tilespmem:v63+s19+$0x0], $0xffff  }
0x19b: {  	v21 =	vld.idx.msk [tilespmem:v7+s16+$0x0], $0xffff;
	v3 =	vadd.f32 v4, v3;
	v4 =	vmul.f32 v6, v16  }
0x19c: {  	v6 =	vld.idx.msk [tilespmem:v7+s19+$0x0], $0xffff;
	v7 =	vor.u32 $0x2A, v2  }
0x19d: {  	v22 =	vld.idx.msk [tilespmem:v18+s16+$0x0], $0xffff;
	v3 =	vadd.f32 v4, v3;
	v4 =	vmul.f32 v8, v17  }
0x19e: {  	v23 =	vor.u32 $0x2B, v2;
	v8 =	vld.idx.msk [tilespmem:v18+s19+$0x0], $0xffff  }
0x19f: {  	v24 =	vld.idx.msk [tilespmem:v20+s16+$0x0], $0xffff;
	v3 =	vadd.f32 v4, v3;
	v4 =	vmul.f32 v5, v19  }
0x1a0: {  	v25 =	vor.u32 $0x2C, v2;
	v5 =	vld.idx.msk [tilespmem:v20+s19+$0x0], $0xffff  }
0x1a1: {  	v26 =	vld.idx.msk [tilespmem:v7+s16+$0x0], $0xffff;
	v3 =	vadd.f32 v4, v3;
	v4 =	vmul.f32 v6, v21  }
0x1a2: {  	v6 =	vld.idx.msk [tilespmem:v7+s19+$0x0], $0xffff;
	v7 =	vor.u32 $0x2D, v2  }
0x1a3: {  	v27 =	vld.idx.msk [tilespmem:v23+s16+$0x0], $0xffff;
	v3 =	vadd.f32 v4, v3;
	v4 =	vmul.f32 v8, v22  }
0x1a4: {  	v28 =	vor.u32 $0x2E, v2;
	v8 =	vld.idx.msk [tilespmem:v23+s19+$0x0], $0xffff  }
0x1a5: {  	v29 =	vld.idx.msk [tilespmem:v25+s16+$0x0], $0xffff;
	v3 =	vadd.f32 v4, v3;
	v4 =	vmul.f32 v5, v24  }
0x1a6: {  	v30 =	vor.u32 $0x2F, v2;
	v5 =	vld.idx.msk [tilespmem:v25+s19+$0x0], $0xffff  }
0x1a7: {  	v31 =	vld.idx.msk [tilespmem:v7+s16+$0x0], $0xffff;
	v3 =	vadd.f32 v4, v3;
	v4 =	vmul.f32 v6, v26  }
0x1a8: {  	v6 =	vld.idx.msk [tilespmem:v7+s19+$0x0], $0xffff;
	v7 =	vor.u32 $0x30, v2  }
0x1a9: {  	v32 =	vld.idx.msk [tilespmem:v28+s16+$0x0], $0xffff;
	v3 =	vadd.f32 v4, v3;
	v4 =	vmul.f32 v8, v27  }
0x1aa: {  	v2 =	vor.u32 $0x31, v2;
	v8 =	vld.idx.msk [tilespmem:v28+s19+$0x0], $0xffff  }
0x1ab: {  	v33 =	vld.idx.msk [tilespmem:v30+s16+$0x0], $0xffff;
	v3 =	vadd.f32 v4, v3;
	v4 =	vmul.f32 v5, v29  }
0x1ac: {  	v5 =	vld.idx.msk [tilespmem:v30+s19+$0x0], $0xffff  }
0x1ad: {  	v34 =	vld.idx.msk [tilespmem:v7+s16+$0x0], $0xffff;
	v3 =	vadd.f32 v4, v3;
	v4 =	vmul.f32 v6, v31  }
0x1ae: {  	v6 =	vld.idx.msk [tilespmem:v7+s19+$0x0], $0xffff  }
0x1af: {  	v7 =	vld.idx.msk [tilespmem:v2+s16+$0x0], $0xffff;
	v3 =	vadd.f32 v4, v3;
	v4 =	vmul.f32 v8, v32  }
0x1b0: {  	v8 =	vld.idx.msk [tilespmem:v2+s19+$0x0], $0xffff  }
0x1b1: {  	v2 =	vadd.f32 v4, v3;
	v3 =	vmul.f32 v5, v33  }
0x1b2: {  	s30 =	simm.s32 $0x10  }
0x1b3: {  	v4 =	vmov s30;
	v5 =	vmul.f32 v6, v34;
	v3 =	vadd.f32 v3, v2  }
0x1b4: {  	v2 =	vshll.u32 v4, $0x7  }
0x1b5: {  	v2 =	vor.u32 v0, v2;
	v4 =	vmul.f32 v8, v7;
	v3 =	vadd.f32 v5, v3;
	_ =	sdelay $0x1  }
0x1b6: {  	v5 =	vor.u32 $0x1, v2;
	v3 =	vadd.f32 v4, v3  }
0x1b7: {  	s1 =	rddreg [dreg:$0xd]  }
0x1b8: {  	v4 =	vor.u32 $0x2, v2;
	[tilespmem:s1+$0x0] =	vst v3  }
0x1b9: {  	v3 =	vld.idx.msk [tilespmem:v2+s19+$0x0], $0xffff  }
0x1ba: {  	v7 =	vor.u32 $0x3, v2;
	v6 =	vld.idx.msk [tilespmem:v2+s16+$0x0], $0xffff  }
0x1bb: {  	v8 =	vld.idx.msk [tilespmem:v5+s16+$0x0], $0xffff  }
0x1bc: {  	v35 =	vor.u32 $0x4, v2;
	v5 =	vld.idx.msk [tilespmem:v5+s19+$0x0], $0xffff  }
0x1bd: {  	v36 =	vld.idx.msk [tilespmem:v4+s16+$0x0], $0xffff  }
0x1be: {  	v37 =	vor.u32 $0x5, v2;
	v4 =	vld.idx.msk [tilespmem:v4+s19+$0x0], $0xffff  }
0x1bf: {  	v38 =	vld.idx.msk [tilespmem:v7+s16+$0x0], $0xffff;
	v3 =	vmul.f32 v3, v6  }
0x1c0: {  	v6 =	vld.idx.msk [tilespmem:v7+s19+$0x0], $0xffff;
	v7 =	vor.u32 $0x6, v2  }
0x1c1: {  	v39 =	vld.idx.msk [tilespmem:v35+s16+$0x0], $0xffff;
	v5 =	vmul.f32 v5, v8;
	v3 =	vadd.f32 $0.0e+00, v3  }
0x1c2: {  	v40 =	vor.u32 $0x7, v2;
	v8 =	vld.idx.msk [tilespmem:v35+s19+$0x0], $0xffff  }
0x1c3: {  	v41 =	vld.idx.msk [tilespmem:v37+s16+$0x0], $0xffff;
	v4 =	vmul.f32 v4, v36;
	v3 =	vadd.f32 v5, v3  }
0x1c4: {  	v42 =	vor.u32 $0x8, v2;
	v5 =	vld.idx.msk [tilespmem:v37+s19+$0x0], $0xffff  }
0x1c5: {  	v43 =	vld.idx.msk [tilespmem:v7+s16+$0x0], $0xffff;
	v3 =	vadd.f32 v4, v3;
	v4 =	vmul.f32 v6, v38  }
0x1c6: {  	v6 =	vld.idx.msk [tilespmem:v7+s19+$0x0], $0xffff;
	v7 =	vor.u32 $0x9, v2  }
0x1c7: {  	v44 =	vld.idx.msk [tilespmem:v40+s16+$0x0], $0xffff;
	v3 =	vadd.f32 v4, v3;
	v4 =	vmul.f32 v8, v39  }
0x1c8: {  	v45 =	vor.u32 $0xA, v2;
	v8 =	vld.idx.msk [tilespmem:v40+s19+$0x0], $0xffff  }
0x1c9: {  	v46 =	vld.idx.msk [tilespmem:v42+s16+$0x0], $0xffff;
	v3 =	vadd.f32 v4, v3;
	v4 =	vmul.f32 v5, v41  }
0x1ca: {  	v47 =	vor.u32 $0xB, v2;
	v5 =	vld.idx.msk [tilespmem:v42+s19+$0x0], $0xffff  }
0x1cb: {  	v48 =	vld.idx.msk [tilespmem:v7+s16+$0x0], $0xffff;
	v3 =	vadd.f32 v4, v3;
	v4 =	vmul.f32 v6, v43  }
0x1cc: {  	v6 =	vld.idx.msk [tilespmem:v7+s19+$0x0], $0xffff;
	v7 =	vor.u32 $0xC, v2  }
0x1cd: {  	v49 =	vld.idx.msk [tilespmem:v45+s16+$0x0], $0xffff;
	v3 =	vadd.f32 v4, v3;
	v4 =	vmul.f32 v8, v44  }
0x1ce: {  	v50 =	vor.u32 $0xD, v2;
	v8 =	vld.idx.msk [tilespmem:v45+s19+$0x0], $0xffff  }
0x1cf: {  	v51 =	vld.idx.msk [tilespmem:v47+s16+$0x0], $0xffff;
	v3 =	vadd.f32 v4, v3;
	v4 =	vmul.f32 v5, v46  }
0x1d0: {  	v52 =	vor.u32 $0xE, v2;
	v5 =	vld.idx.msk [tilespmem:v47+s19+$0x0], $0xffff  }
0x1d1: {  	v53 =	vld.idx.msk [tilespmem:v7+s16+$0x0], $0xffff;
	v3 =	vadd.f32 v4, v3;
	v4 =	vmul.f32 v6, v48  }
0x1d2: {  	v6 =	vld.idx.msk [tilespmem:v7+s19+$0x0], $0xffff;
	v7 =	vor.u32 $0xF, v2  }
0x1d3: {  	v54 =	vld.idx.msk [tilespmem:v50+s16+$0x0], $0xffff;
	v3 =	vadd.f32 v4, v3;
	v4 =	vmul.f32 v8, v49  }
0x1d4: {  	v55 =	vor.u32 $0x10, v2;
	v8 =	vld.idx.msk [tilespmem:v50+s19+$0x0], $0xffff  }
0x1d5: {  	v56 =	vld.idx.msk [tilespmem:v52+s16+$0x0], $0xffff;
	v3 =	vadd.f32 v4, v3;
	v4 =	vmul.f32 v5, v51  }
0x1d6: {  	v57 =	vor.u32 $0x11, v2;
	v5 =	vld.idx.msk [tilespmem:v52+s19+$0x0], $0xffff  }
0x1d7: {  	v58 =	vld.idx.msk [tilespmem:v7+s16+$0x0], $0xffff;
	v3 =	vadd.f32 v4, v3;
	v4 =	vmul.f32 v6, v53  }
0x1d8: {  	v6 =	vld.idx.msk [tilespmem:v7+s19+$0x0], $0xffff;
	v7 =	vor.u32 $0x12, v2  }
0x1d9: {  	v59 =	vld.idx.msk [tilespmem:v55+s16+$0x0], $0xffff;
	v3 =	vadd.f32 v4, v3;
	v4 =	vmul.f32 v8, v54  }
0x1da: {  	v60 =	vor.u32 $0x13, v2;
	v8 =	vld.idx.msk [tilespmem:v55+s19+$0x0], $0xffff  }
0x1db: {  	v61 =	vld.idx.msk [tilespmem:v57+s16+$0x0], $0xffff;
	v3 =	vadd.f32 v4, v3;
	v4 =	vmul.f32 v5, v56  }
0x1dc: {  	v62 =	vor.u32 $0x14, v2;
	v5 =	vld.idx.msk [tilespmem:v57+s19+$0x0], $0xffff  }
0x1dd: {  	v63 =	vld.idx.msk [tilespmem:v7+s16+$0x0], $0xffff;
	v3 =	vadd.f32 v4, v3;
	v4 =	vmul.f32 v6, v58  }
0x1de: {  	v6 =	vld.idx.msk [tilespmem:v7+s19+$0x0], $0xffff;
	v7 =	vor.u32 $0x15, v2  }
0x1df: {  	v16 =	vld.idx.msk [tilespmem:v60+s16+$0x0], $0xffff;
	v3 =	vadd.f32 v4, v3;
	v4 =	vmul.f32 v8, v59  }
0x1e0: {  	v17 =	vor.u32 $0x16, v2;
	v8 =	vld.idx.msk [tilespmem:v60+s19+$0x0], $0xffff  }
0x1e1: {  	v18 =	vld.idx.msk [tilespmem:v62+s16+$0x0], $0xffff;
	v3 =	vadd.f32 v4, v3;
	v4 =	vmul.f32 v5, v61  }
0x1e2: {  	v19 =	vor.u32 $0x17, v2;
	v5 =	vld.idx.msk [tilespmem:v62+s19+$0x0], $0xffff  }
0x1e3: {  	v20 =	vld.idx.msk [tilespmem:v7+s16+$0x0], $0xffff;
	v3 =	vadd.f32 v4, v3;
	v4 =	vmul.f32 v6, v63  }
0x1e4: {  	v6 =	vld.idx.msk [tilespmem:v7+s19+$0x0], $0xffff;
	v7 =	vor.u32 $0x18, v2  }
0x1e5: {  	v21 =	vld.idx.msk [tilespmem:v17+s16+$0x0], $0xffff;
	v3 =	vadd.f32 v4, v3;
	v4 =	vmul.f32 v8, v16  }
0x1e6: {  	v22 =	vor.u32 $0x19, v2;
	v8 =	vld.idx.msk [tilespmem:v17+s19+$0x0], $0xffff  }
0x1e7: {  	v23 =	vld.idx.msk [tilespmem:v19+s16+$0x0], $0xffff;
	v3 =	vadd.f32 v4, v3;
	v4 =	vmul.f32 v5, v18  }
0x1e8: {  	v24 =	vor.u32 $0x1A, v2;
	v5 =	vld.idx.msk [tilespmem:v19+s19+$0x0], $0xffff  }
0x1e9: {  	v25 =	vld.idx.msk [tilespmem:v7+s16+$0x0], $0xffff;
	v3 =	vadd.f32 v4, v3;
	v4 =	vmul.f32 v6, v20  }
0x1ea: {  	v6 =	vld.idx.msk [tilespmem:v7+s19+$0x0], $0xffff;
	v7 =	vor.u32 $0x1B, v2  }
0x1eb: {  	v26 =	vld.idx.msk [tilespmem:v22+s16+$0x0], $0xffff;
	v3 =	vadd.f32 v4, v3;
	v4 =	vmul.f32 v8, v21  }
0x1ec: {  	v27 =	vor.u32 $0x1C, v2;
	v8 =	vld.idx.msk [tilespmem:v22+s19+$0x0], $0xffff  }
0x1ed: {  	v28 =	vld.idx.msk [tilespmem:v24+s16+$0x0], $0xffff;
	v3 =	vadd.f32 v4, v3;
	v4 =	vmul.f32 v5, v23  }
0x1ee: {  	v29 =	vor.u32 $0x1D, v2;
	v5 =	vld.idx.msk [tilespmem:v24+s19+$0x0], $0xffff  }
0x1ef: {  	v30 =	vld.idx.msk [tilespmem:v7+s16+$0x0], $0xffff;
	v3 =	vadd.f32 v4, v3;
	v4 =	vmul.f32 v6, v25  }
0x1f0: {  	v6 =	vld.idx.msk [tilespmem:v7+s19+$0x0], $0xffff;
	v7 =	vor.u32 $0x1E, v2  }
0x1f1: {  	v31 =	vld.idx.msk [tilespmem:v27+s16+$0x0], $0xffff;
	v3 =	vadd.f32 v4, v3;
	v4 =	vmul.f32 v8, v26  }
0x1f2: {  	v32 =	vor.u32 $0x1F, v2;
	v8 =	vld.idx.msk [tilespmem:v27+s19+$0x0], $0xffff  }
0x1f3: {  	v33 =	vld.idx.msk [tilespmem:v29+s16+$0x0], $0xffff;
	v3 =	vadd.f32 v4, v3;
	v4 =	vmul.f32 v5, v28  }
0x1f4: {  	v34 =	vor.u32 $0x20, v2;
	v5 =	vld.idx.msk [tilespmem:v29+s19+$0x0], $0xffff  }
0x1f5: {  	v35 =	vld.idx.msk [tilespmem:v7+s16+$0x0], $0xffff;
	v3 =	vadd.f32 v4, v3;
	v4 =	vmul.f32 v6, v30  }
0x1f6: {  	v6 =	vld.idx.msk [tilespmem:v7+s19+$0x0], $0xffff;
	v7 =	vor.u32 $0x21, v2  }
0x1f7: {  	v36 =	vld.idx.msk [tilespmem:v32+s16+$0x0], $0xffff;
	v3 =	vadd.f32 v4, v3;
	v4 =	vmul.f32 v8, v31  }
0x1f8: {  	v37 =	vor.u32 $0x22, v2;
	v8 =	vld.idx.msk [tilespmem:v32+s19+$0x0], $0xffff  }
0x1f9: {  	v38 =	vld.idx.msk [tilespmem:v34+s16+$0x0], $0xffff;
	v3 =	vadd.f32 v4, v3;
	v4 =	vmul.f32 v5, v33  }
0x1fa: {  	v39 =	vor.u32 $0x23, v2;
	v5 =	vld.idx.msk [tilespmem:v34+s19+$0x0], $0xffff  }
0x1fb: {  	v40 =	vld.idx.msk [tilespmem:v7+s16+$0x0], $0xffff;
	v3 =	vadd.f32 v4, v3;
	v4 =	vmul.f32 v6, v35  }
0x1fc: {  	v6 =	vld.idx.msk [tilespmem:v7+s19+$0x0], $0xffff;
	v7 =	vor.u32 $0x24, v2  }
0x1fd: {  	v41 =	vld.idx.msk [tilespmem:v37+s16+$0x0], $0xffff;
	v3 =	vadd.f32 v4, v3;
	v4 =	vmul.f32 v8, v36  }
0x1fe: {  	v42 =	vor.u32 $0x25, v2;
	v8 =	vld.idx.msk [tilespmem:v37+s19+$0x0], $0xffff  }
0x1ff: {  	v43 =	vld.idx.msk [tilespmem:v39+s16+$0x0], $0xffff;
	v3 =	vadd.f32 v4, v3;
	v4 =	vmul.f32 v5, v38  }
0x200: {  	v44 =	vor.u32 $0x26, v2;
	v5 =	vld.idx.msk [tilespmem:v39+s19+$0x0], $0xffff  }
0x201: {  	v45 =	vld.idx.msk [tilespmem:v7+s16+$0x0], $0xffff;
	v3 =	vadd.f32 v4, v3;
	v4 =	vmul.f32 v6, v40  }
0x202: {  	v6 =	vld.idx.msk [tilespmem:v7+s19+$0x0], $0xffff;
	v7 =	vor.u32 $0x27, v2  }
0x203: {  	v46 =	vld.idx.msk [tilespmem:v42+s16+$0x0], $0xffff;
	v3 =	vadd.f32 v4, v3;
	v4 =	vmul.f32 v8, v41  }
0x204: {  	v47 =	vor.u32 $0x28, v2;
	v8 =	vld.idx.msk [tilespmem:v42+s19+$0x0], $0xffff  }
0x205: {  	v48 =	vld.idx.msk [tilespmem:v44+s16+$0x0], $0xffff;
	v3 =	vadd.f32 v4, v3;
	v4 =	vmul.f32 v5, v43  }
0x206: {  	v49 =	vor.u32 $0x29, v2;
	v5 =	vld.idx.msk [tilespmem:v44+s19+$0x0], $0xffff  }
0x207: {  	v50 =	vld.idx.msk [tilespmem:v7+s16+$0x0], $0xffff;
	v3 =	vadd.f32 v4, v3;
	v4 =	vmul.f32 v6, v45  }
0x208: {  	v6 =	vld.idx.msk [tilespmem:v7+s19+$0x0], $0xffff;
	v7 =	vor.u32 $0x2A, v2  }
0x209: {  	v51 =	vld.idx.msk [tilespmem:v47+s16+$0x0], $0xffff;
	v3 =	vadd.f32 v4, v3;
	v4 =	vmul.f32 v8, v46  }
0x20a: {  	v52 =	vor.u32 $0x2B, v2;
	v8 =	vld.idx.msk [tilespmem:v47+s19+$0x0], $0xffff  }
0x20b: {  	v53 =	vld.idx.msk [tilespmem:v49+s16+$0x0], $0xffff;
	v3 =	vadd.f32 v4, v3;
	v4 =	vmul.f32 v5, v48  }
0x20c: {  	v54 =	vor.u32 $0x2C, v2;
	v5 =	vld.idx.msk [tilespmem:v49+s19+$0x0], $0xffff  }
0x20d: {  	v55 =	vld.idx.msk [tilespmem:v7+s16+$0x0], $0xffff;
	v3 =	vadd.f32 v4, v3;
	v4 =	vmul.f32 v6, v50  }
0x20e: {  	v6 =	vld.idx.msk [tilespmem:v7+s19+$0x0], $0xffff;
	v7 =	vor.u32 $0x2D, v2  }
0x20f: {  	v56 =	vld.idx.msk [tilespmem:v52+s16+$0x0], $0xffff;
	v3 =	vadd.f32 v4, v3;
	v4 =	vmul.f32 v8, v51  }
0x210: {  	v57 =	vor.u32 $0x2E, v2;
	v8 =	vld.idx.msk [tilespmem:v52+s19+$0x0], $0xffff  }
0x211: {  	v58 =	vld.idx.msk [tilespmem:v54+s16+$0x0], $0xffff;
	v3 =	vadd.f32 v4, v3;
	v4 =	vmul.f32 v5, v53  }
0x212: {  	v5 =	vld.idx.msk [tilespmem:v54+s19+$0x0], $0xffff  }
0x213: {  	v60 =	vld.idx.msk [tilespmem:v7+s16+$0x0], $0xffff;
	v3 =	vadd.f32 v4, v3;
	v4 =	vmul.f32 v6, v55  }
0x214: {  	v59 =	vor.u32 $0x2F, v2;
	v6 =	vld.idx.msk [tilespmem:v7+s19+$0x0], $0xffff  }
0x215: {  	v61 =	vld.idx.msk [tilespmem:v57+s16+$0x0], $0xffff;
	v3 =	vadd.f32 v4, v3;
	v4 =	vmul.f32 v8, v56  }
0x216: {  	v7 =	vor.u32 $0x30, v2;
	v8 =	vld.idx.msk [tilespmem:v57+s19+$0x0], $0xffff  }
0x217: {  	v3 =	vadd.f32 v4, v3;
	v4 =	vmul.f32 v5, v58  }
0x218: {  	v2 =	vor.u32 $0x31, v2  }
0x219: {  	v62 =	vld.idx.msk [tilespmem:v59+s16+$0x0], $0xffff;
	v3 =	vadd.f32 v4, v3;
	v4 =	vmul.f32 v6, v60  }
0x21a: {  	v5 =	vld.idx.msk [tilespmem:v59+s19+$0x0], $0xffff  }
0x21b: {  	v63 =	vld.idx.msk [tilespmem:v7+s16+$0x0], $0xffff;
	v3 =	vadd.f32 v4, v3;
	v4 =	vmul.f32 v8, v61  }
0x21c: {  	v6 =	vld.idx.msk [tilespmem:v7+s19+$0x0], $0xffff  }
0x21d: {  	v7 =	vadd.f32 v4, v3;
	v3 =	vld.idx.msk [tilespmem:v2+s16+$0x0], $0xffff  }
0x21e: {  	v4 =	vld.idx.msk [tilespmem:v2+s19+$0x0], $0xffff  }
0x21f: {  	v5 =	vmul.f32 v5, v62  }
0x220: {  	s31 =	simm.s32 $0x20  }
0x221: {  	v8 =	vmov s31;
	v6 =	vmul.f32 v6, v63;
	v5 =	vadd.f32 v5, v7  }
0x222: {  	s29 =	simm.s32 $0x30;
	s2 =	rddreg [dreg:$0xf];
	s26 =	smov.u32 s1;
	v2 =	vshll.u32 v8, $0x7  }
.LBB2_7:
0x223: {  	p0 =	sne.s32 s29, $0x70;
	v2 =	vor.u32 v0, v2;
	v5 =	vadd.f32 v6, v5;
	v3 =	vmul.f32 v4, v3;
	_ =	sdelay $0x1  }
0x224: {  	v4 =	vor.u32 $0x1, v2;
	v3 =	vadd.f32 v3, v5  }
0x225: {  	s26 =	sadd.s32 $0x10, s26  }
0x226: {  	v5 =	vor.u32 $0x2, v2;
	[tilespmem:s26+$0x0] =	vst v3  }
0x227: {  	v3 =	vld.idx.msk [tilespmem:v2+s19+$0x0], $0xffff  }
0x228: {  	v7 =	vor.u32 $0x3, v2;
	v6 =	vld.idx.msk [tilespmem:v2+s16+$0x0], $0xffff  }
0x229: {  	v8 =	vld.idx.msk [tilespmem:v4+s16+$0x0], $0xffff  }
0x22a: {  	v9 =	vor.u32 $0x4, v2;
	v4 =	vld.idx.msk [tilespmem:v4+s19+$0x0], $0xffff  }
0x22b: {  	v10 =	vld.idx.msk [tilespmem:v5+s16+$0x0], $0xffff  }
0x22c: {  	v11 =	vor.u32 $0x5, v2;
	v5 =	vld.idx.msk [tilespmem:v5+s19+$0x0], $0xffff  }
0x22d: {  	v12 =	vld.idx.msk [tilespmem:v7+s16+$0x0], $0xffff  }
0x22e: {  	v3 =	vmul.f32 v3, v6;
	v6 =	vld.idx.msk [tilespmem:v7+s19+$0x0], $0xffff;
	v7 =	vor.u32 $0x6, v2  }
0x22f: {  	v13 =	vld.idx.msk [tilespmem:v9+s16+$0x0], $0xffff  }
0x230: {  	v3 =	vadd.f32 $0.0e+00, v3;
	v4 =	vmul.f32 v4, v8;
	v8 =	vld.idx.msk [tilespmem:v9+s19+$0x0], $0xffff;
	v9 =	vor.u32 $0x7, v2  }
0x231: {  	v14 =	vld.idx.msk [tilespmem:v11+s16+$0x0], $0xffff  }
0x232: {  	v3 =	vadd.f32 v4, v3;
	v4 =	vmul.f32 v5, v10;
	v10 =	vor.u32 $0x8, v2;
	v5 =	vld.idx.msk [tilespmem:v11+s19+$0x0], $0xffff  }
0x233: {  	v11 =	vld.idx.msk [tilespmem:v7+s16+$0x0], $0xffff  }
0x234: {  	v3 =	vadd.f32 v4, v3;
	v4 =	vmul.f32 v6, v12;
	v6 =	vld.idx.msk [tilespmem:v7+s19+$0x0], $0xffff;
	v7 =	vor.u32 $0x9, v2  }
0x235: {  	v12 =	vld.idx.msk [tilespmem:v9+s16+$0x0], $0xffff  }
0x236: {  	v3 =	vadd.f32 v4, v3;
	v4 =	vmul.f32 v8, v13;
	v8 =	vld.idx.msk [tilespmem:v9+s19+$0x0], $0xffff;
	v9 =	vor.u32 $0xA, v2  }
0x237: {  	v13 =	vld.idx.msk [tilespmem:v10+s16+$0x0], $0xffff  }
0x238: {  	v3 =	vadd.f32 v4, v3;
	v4 =	vmul.f32 v5, v14;
	v5 =	vld.idx.msk [tilespmem:v10+s19+$0x0], $0xffff;
	v10 =	vor.u32 $0xB, v2  }
0x239: {  	v14 =	vld.idx.msk [tilespmem:v7+s16+$0x0], $0xffff  }
0x23a: {  	v3 =	vadd.f32 v4, v3;
	v4 =	vmul.f32 v6, v11;
	v6 =	vld.idx.msk [tilespmem:v7+s19+$0x0], $0xffff;
	v7 =	vor.u32 $0xC, v2  }
0x23b: {  	v11 =	vld.idx.msk [tilespmem:v9+s16+$0x0], $0xffff  }
0x23c: {  	v3 =	vadd.f32 v4, v3;
	v4 =	vmul.f32 v8, v12;
	v8 =	vld.idx.msk [tilespmem:v9+s19+$0x0], $0xffff;
	v9 =	vor.u32 $0xD, v2  }
0x23d: {  	v12 =	vld.idx.msk [tilespmem:v10+s16+$0x0], $0xffff  }
0x23e: {  	v3 =	vadd.f32 v4, v3;
	v4 =	vmul.f32 v5, v13;
	v5 =	vld.idx.msk [tilespmem:v10+s19+$0x0], $0xffff;
	v10 =	vor.u32 $0xE, v2  }
0x23f: {  	v13 =	vld.idx.msk [tilespmem:v7+s16+$0x0], $0xffff  }
0x240: {  	v3 =	vadd.f32 v4, v3;
	v4 =	vmul.f32 v6, v14;
	v6 =	vld.idx.msk [tilespmem:v7+s19+$0x0], $0xffff;
	v7 =	vor.u32 $0xF, v2  }
0x241: {  	v14 =	vld.idx.msk [tilespmem:v9+s16+$0x0], $0xffff  }
0x242: {  	v3 =	vadd.f32 v4, v3;
	v4 =	vmul.f32 v8, v11;
	v8 =	vld.idx.msk [tilespmem:v9+s19+$0x0], $0xffff;
	v9 =	vor.u32 $0x10, v2  }
0x243: {  	v11 =	vld.idx.msk [tilespmem:v10+s16+$0x0], $0xffff  }
0x244: {  	v3 =	vadd.f32 v4, v3;
	v4 =	vmul.f32 v5, v12;
	v5 =	vld.idx.msk [tilespmem:v10+s19+$0x0], $0xffff;
	v10 =	vor.u32 $0x11, v2  }
0x245: {  	v12 =	vld.idx.msk [tilespmem:v7+s16+$0x0], $0xffff  }
0x246: {  	v3 =	vadd.f32 v4, v3;
	v4 =	vmul.f32 v6, v13;
	v6 =	vld.idx.msk [tilespmem:v7+s19+$0x0], $0xffff;
	v7 =	vor.u32 $0x12, v2  }
0x247: {  	v13 =	vld.idx.msk [tilespmem:v9+s16+$0x0], $0xffff  }
0x248: {  	v3 =	vadd.f32 v4, v3;
	v4 =	vmul.f32 v8, v14;
	v8 =	vld.idx.msk [tilespmem:v9+s19+$0x0], $0xffff;
	v9 =	vor.u32 $0x13, v2  }
0x249: {  	v14 =	vld.idx.msk [tilespmem:v10+s16+$0x0], $0xffff  }
0x24a: {  	v3 =	vadd.f32 v4, v3;
	v4 =	vmul.f32 v5, v11;
	v5 =	vld.idx.msk [tilespmem:v10+s19+$0x0], $0xffff;
	v10 =	vor.u32 $0x14, v2  }
0x24b: {  	v11 =	vld.idx.msk [tilespmem:v7+s16+$0x0], $0xffff  }
0x24c: {  	v3 =	vadd.f32 v4, v3;
	v4 =	vmul.f32 v6, v12;
	v6 =	vld.idx.msk [tilespmem:v7+s19+$0x0], $0xffff;
	v7 =	vor.u32 $0x15, v2  }
0x24d: {  	v12 =	vld.idx.msk [tilespmem:v9+s16+$0x0], $0xffff  }
0x24e: {  	v3 =	vadd.f32 v4, v3;
	v4 =	vmul.f32 v8, v13;
	v8 =	vld.idx.msk [tilespmem:v9+s19+$0x0], $0xffff;
	v9 =	vor.u32 $0x16, v2  }
0x24f: {  	v13 =	vld.idx.msk [tilespmem:v10+s16+$0x0], $0xffff  }
0x250: {  	v3 =	vadd.f32 v4, v3;
	v4 =	vmul.f32 v5, v14;
	v5 =	vld.idx.msk [tilespmem:v10+s19+$0x0], $0xffff;
	v10 =	vor.u32 $0x17, v2  }
0x251: {  	v14 =	vld.idx.msk [tilespmem:v7+s16+$0x0], $0xffff  }
0x252: {  	v3 =	vadd.f32 v4, v3;
	v4 =	vmul.f32 v6, v11;
	v6 =	vld.idx.msk [tilespmem:v7+s19+$0x0], $0xffff;
	v7 =	vor.u32 $0x18, v2  }
0x253: {  	v11 =	vld.idx.msk [tilespmem:v9+s16+$0x0], $0xffff  }
0x254: {  	v3 =	vadd.f32 v4, v3;
	v4 =	vmul.f32 v8, v12;
	v8 =	vld.idx.msk [tilespmem:v9+s19+$0x0], $0xffff;
	v9 =	vor.u32 $0x19, v2  }
0x255: {  	v12 =	vld.idx.msk [tilespmem:v10+s16+$0x0], $0xffff  }
0x256: {  	v3 =	vadd.f32 v4, v3;
	v4 =	vmul.f32 v5, v13;
	v5 =	vld.idx.msk [tilespmem:v10+s19+$0x0], $0xffff;
	v10 =	vor.u32 $0x1A, v2  }
0x257: {  	v13 =	vld.idx.msk [tilespmem:v7+s16+$0x0], $0xffff  }
0x258: {  	v3 =	vadd.f32 v4, v3;
	v4 =	vmul.f32 v6, v14;
	v6 =	vld.idx.msk [tilespmem:v7+s19+$0x0], $0xffff;
	v7 =	vor.u32 $0x1B, v2  }
0x259: {  	v14 =	vld.idx.msk [tilespmem:v9+s16+$0x0], $0xffff  }
0x25a: {  	v3 =	vadd.f32 v4, v3;
	v4 =	vmul.f32 v8, v11;
	v8 =	vld.idx.msk [tilespmem:v9+s19+$0x0], $0xffff;
	v9 =	vor.u32 $0x1C, v2  }
0x25b: {  	v11 =	vld.idx.msk [tilespmem:v10+s16+$0x0], $0xffff  }
0x25c: {  	v3 =	vadd.f32 v4, v3;
	v4 =	vmul.f32 v5, v12;
	v5 =	vld.idx.msk [tilespmem:v10+s19+$0x0], $0xffff;
	v10 =	vor.u32 $0x1D, v2  }
0x25d: {  	v12 =	vld.idx.msk [tilespmem:v7+s16+$0x0], $0xffff  }
0x25e: {  	v3 =	vadd.f32 v4, v3;
	v4 =	vmul.f32 v6, v13;
	v6 =	vld.idx.msk [tilespmem:v7+s19+$0x0], $0xffff;
	v7 =	vor.u32 $0x1E, v2  }
0x25f: {  	v13 =	vld.idx.msk [tilespmem:v9+s16+$0x0], $0xffff  }
0x260: {  	v3 =	vadd.f32 v4, v3;
	v4 =	vmul.f32 v8, v14;
	v8 =	vld.idx.msk [tilespmem:v9+s19+$0x0], $0xffff;
	v9 =	vor.u32 $0x1F, v2  }
0x261: {  	v14 =	vld.idx.msk [tilespmem:v10+s16+$0x0], $0xffff  }
0x262: {  	v3 =	vadd.f32 v4, v3;
	v4 =	vmul.f32 v5, v11;
	v5 =	vld.idx.msk [tilespmem:v10+s19+$0x0], $0xffff;
	v10 =	vor.u32 $0x20, v2  }
0x263: {  	v11 =	vld.idx.msk [tilespmem:v7+s16+$0x0], $0xffff  }
0x264: {  	v3 =	vadd.f32 v4, v3;
	v4 =	vmul.f32 v6, v12;
	v6 =	vld.idx.msk [tilespmem:v7+s19+$0x0], $0xffff;
	v7 =	vor.u32 $0x21, v2  }
0x265: {  	v12 =	vld.idx.msk [tilespmem:v9+s16+$0x0], $0xffff  }
0x266: {  	v3 =	vadd.f32 v4, v3;
	v4 =	vmul.f32 v8, v13;
	v8 =	vld.idx.msk [tilespmem:v9+s19+$0x0], $0xffff;
	v9 =	vor.u32 $0x22, v2  }
0x267: {  	v13 =	vld.idx.msk [tilespmem:v10+s16+$0x0], $0xffff  }
0x268: {  	v3 =	vadd.f32 v4, v3;
	v4 =	vmul.f32 v5, v14;
	v5 =	vld.idx.msk [tilespmem:v10+s19+$0x0], $0xffff;
	v10 =	vor.u32 $0x23, v2  }
0x269: {  	v14 =	vld.idx.msk [tilespmem:v7+s16+$0x0], $0xffff  }
0x26a: {  	v3 =	vadd.f32 v4, v3;
	v4 =	vmul.f32 v6, v11;
	v6 =	vld.idx.msk [tilespmem:v7+s19+$0x0], $0xffff;
	v7 =	vor.u32 $0x24, v2  }
0x26b: {  	v11 =	vld.idx.msk [tilespmem:v9+s16+$0x0], $0xffff  }
0x26c: {  	v3 =	vadd.f32 v4, v3;
	v4 =	vmul.f32 v8, v12;
	v8 =	vld.idx.msk [tilespmem:v9+s19+$0x0], $0xffff;
	v9 =	vor.u32 $0x25, v2  }
0x26d: {  	v12 =	vld.idx.msk [tilespmem:v10+s16+$0x0], $0xffff  }
0x26e: {  	v3 =	vadd.f32 v4, v3;
	v4 =	vmul.f32 v5, v13;
	v5 =	vld.idx.msk [tilespmem:v10+s19+$0x0], $0xffff;
	v10 =	vor.u32 $0x26, v2  }
0x26f: {  	v13 =	vld.idx.msk [tilespmem:v7+s16+$0x0], $0xffff  }
0x270: {  	v3 =	vadd.f32 v4, v3;
	v4 =	vmul.f32 v6, v14;
	v6 =	vld.idx.msk [tilespmem:v7+s19+$0x0], $0xffff;
	v7 =	vor.u32 $0x27, v2  }
0x271: {  	v14 =	vld.idx.msk [tilespmem:v9+s16+$0x0], $0xffff  }
0x272: {  	v3 =	vadd.f32 v4, v3;
	v4 =	vmul.f32 v8, v11;
	v8 =	vld.idx.msk [tilespmem:v9+s19+$0x0], $0xffff;
	v9 =	vor.u32 $0x28, v2  }
0x273: {  	v11 =	vld.idx.msk [tilespmem:v10+s16+$0x0], $0xffff  }
0x274: {  	v3 =	vadd.f32 v4, v3;
	v4 =	vmul.f32 v5, v12;
	v5 =	vld.idx.msk [tilespmem:v10+s19+$0x0], $0xffff;
	v10 =	vor.u32 $0x29, v2  }
0x275: {  	v12 =	vld.idx.msk [tilespmem:v7+s16+$0x0], $0xffff  }
0x276: {  	v3 =	vadd.f32 v4, v3;
	v4 =	vmul.f32 v6, v13;
	v6 =	vld.idx.msk [tilespmem:v7+s19+$0x0], $0xffff;
	v7 =	vor.u32 $0x2A, v2  }
0x277: {  	v13 =	vld.idx.msk [tilespmem:v9+s16+$0x0], $0xffff  }
0x278: {  	v3 =	vadd.f32 v4, v3;
	v4 =	vmul.f32 v8, v14;
	v8 =	vld.idx.msk [tilespmem:v9+s19+$0x0], $0xffff;
	v9 =	vor.u32 $0x2B, v2  }
0x279: {  	v14 =	vld.idx.msk [tilespmem:v10+s16+$0x0], $0xffff  }
0x27a: {  	v3 =	vadd.f32 v4, v3;
	v4 =	vmul.f32 v5, v11;
	v5 =	vld.idx.msk [tilespmem:v10+s19+$0x0], $0xffff;
	v10 =	vor.u32 $0x2C, v2  }
0x27b: {  	v11 =	vld.idx.msk [tilespmem:v7+s16+$0x0], $0xffff  }
0x27c: {  	v3 =	vadd.f32 v4, v3;
	v4 =	vmul.f32 v6, v12;
	v6 =	vld.idx.msk [tilespmem:v7+s19+$0x0], $0xffff;
	v7 =	vor.u32 $0x2D, v2  }
0x27d: {  	v12 =	vld.idx.msk [tilespmem:v9+s16+$0x0], $0xffff  }
0x27e: {  	v3 =	vadd.f32 v4, v3;
	v4 =	vmul.f32 v8, v13;
	v8 =	vld.idx.msk [tilespmem:v9+s19+$0x0], $0xffff;
	v9 =	vor.u32 $0x2E, v2  }
0x27f: {  	v13 =	vld.idx.msk [tilespmem:v10+s16+$0x0], $0xffff  }
0x280: {  	v3 =	vadd.f32 v4, v3;
	v4 =	vmul.f32 v5, v14;
	v5 =	vld.idx.msk [tilespmem:v10+s19+$0x0], $0xffff;
	v10 =	vor.u32 $0x2F, v2  }
0x281: {  	v14 =	vld.idx.msk [tilespmem:v7+s16+$0x0], $0xffff  }
0x282: {  	v3 =	vadd.f32 v4, v3;
	v4 =	vmul.f32 v6, v11;
	v6 =	vld.idx.msk [tilespmem:v7+s19+$0x0], $0xffff;
	v7 =	vor.u32 $0x30, v2  }
0x283: {  	v11 =	vld.idx.msk [tilespmem:v9+s16+$0x0], $0xffff  }
0x284: {  	v2 =	vor.u32 $0x31, v2;
	v3 =	vadd.f32 v4, v3;
	v4 =	vmul.f32 v8, v12;
	v8 =	vld.idx.msk [tilespmem:v9+s19+$0x0], $0xffff  }
0x285: {  	v9 =	vld.idx.msk [tilespmem:v10+s16+$0x0], $0xffff  }
0x286: {  	v3 =	vadd.f32 v4, v3;
	v4 =	vmul.f32 v5, v13;
	v5 =	vld.idx.msk [tilespmem:v10+s19+$0x0], $0xffff  }
0x287: {  	v10 =	vld.idx.msk [tilespmem:v7+s16+$0x0], $0xffff  }
0x288: {  	v4 =	vadd.f32 v4, v3;
	v6 =	vmul.f32 v6, v14;
	v7 =	vld.idx.msk [tilespmem:v7+s19+$0x0], $0xffff  }
0x289: {  	v3 =	vld.idx.msk [tilespmem:v2+s16+$0x0], $0xffff  }
0x28a: {  	v6 =	vadd.f32 v6, v4;
	v8 =	vmul.f32 v8, v11;
	v4 =	vld.idx.msk [tilespmem:v2+s19+$0x0], $0xffff  }
.Ltmp2:
0x28b: {  	(pc) =	sbr.rel @p0 .LBB2_7-.Ltmp2, $3  }
0x28c: {  	v2 =	vadd.f32 v8, v6;
	v5 =	vmul.f32 v5, v9;
	_ =	sdelay $0x1  }
0x28d: {  	v8 =	vmov s29;
	v5 =	vadd.f32 v5, v2;
	v6 =	vmul.f32 v7, v10  }
0x28e: {  	s29 =	sadd.s32 $0x10, s29;
	v2 =	vshll.u32 v8, $0x7  }
0x28f: {  	v2 =	vor.u32 v0, v2;
	v5 =	vadd.f32 v6, v5;
	v3 =	vmul.f32 v4, v3;
	_ =	sdelay $0x1  }
0x290: {  	v25 =	vor.u32 $0x1, v2;
	v3 =	vadd.f32 v3, v5  }
0x291: {  	s4 =	sadd.s32 $0x10, s26  }
0x292: {  	v26 =	vor.u32 $0x2, v2;
	[tilespmem:s4+$0x0] =	vst v3  }
0x293: {  	v3 =	vld.idx.msk [tilespmem:v2+s19+$0x0], $0xffff  }
0x294: {  	v7 =	vor.u32 $0x3, v2;
	v27 =	vld.idx.msk [tilespmem:v2+s16+$0x0], $0xffff  }
0x295: {  	v8 =	vld.idx.msk [tilespmem:v25+s16+$0x0], $0xffff  }
0x296: {  	v9 =	vor.u32 $0x4, v2;
	v4 =	vld.idx.msk [tilespmem:v25+s19+$0x0], $0xffff  }
0x297: {  	v10 =	vld.idx.msk [tilespmem:v26+s16+$0x0], $0xffff  }
0x298: {  	v11 =	vor.u32 $0x5, v2;
	v5 =	vld.idx.msk [tilespmem:v26+s19+$0x0], $0xffff  }
0x299: {  	v12 =	vld.idx.msk [tilespmem:v7+s16+$0x0], $0xffff;
	v3 =	vmul.f32 v3, v27  }
0x29a: {  	v29 =	vor.u32 $0x6, v2;
	v28 =	vld.idx.msk [tilespmem:v7+s19+$0x0], $0xffff  }
0x29b: {  	v13 =	vld.idx.msk [tilespmem:v9+s16+$0x0], $0xffff;
	v4 =	vmul.f32 v4, v8;
	v3 =	vadd.f32 $0.0e+00, v3  }
0x29c: {  	v31 =	vor.u32 $0x7, v2;
	v30 =	vld.idx.msk [tilespmem:v9+s19+$0x0], $0xffff  }
0x29d: {  	v14 =	vld.idx.msk [tilespmem:v11+s16+$0x0], $0xffff;
	v32 =	vmul.f32 v5, v10;
	v3 =	vadd.f32 v4, v3  }
0x29e: {  	v34 =	vor.u32 $0x8, v2;
	v33 =	vld.idx.msk [tilespmem:v11+s19+$0x0], $0xffff  }
0x29f: {  	v35 =	vld.idx.msk [tilespmem:v29+s16+$0x0], $0xffff;
	v36 =	vmul.f32 v28, v12;
	v3 =	vadd.f32 v32, v3  }
0x2a0: {  	v38 =	vor.u32 $0x9, v2;
	v37 =	vld.idx.msk [tilespmem:v29+s19+$0x0], $0xffff  }
0x2a1: {  	v39 =	vld.idx.msk [tilespmem:v31+s16+$0x0], $0xffff;
	v40 =	vmul.f32 v30, v13;
	v3 =	vadd.f32 v36, v3  }
0x2a2: {  	v42 =	vor.u32 $0xA, v2;
	v41 =	vld.idx.msk [tilespmem:v31+s19+$0x0], $0xffff  }
0x2a3: {  	v43 =	vld.idx.msk [tilespmem:v34+s16+$0x0], $0xffff;
	v44 =	vmul.f32 v33, v14;
	v3 =	vadd.f32 v40, v3  }
0x2a4: {  	v46 =	vor.u32 $0xB, v2;
	v45 =	vld.idx.msk [tilespmem:v34+s19+$0x0], $0xffff  }
0x2a5: {  	v47 =	vld.idx.msk [tilespmem:v38+s16+$0x0], $0xffff;
	v48 =	vmul.f32 v37, v35;
	v3 =	vadd.f32 v44, v3  }
0x2a6: {  	v50 =	vor.u32 $0xC, v2;
	v49 =	vld.idx.msk [tilespmem:v38+s19+$0x0], $0xffff  }
0x2a7: {  	v51 =	vld.idx.msk [tilespmem:v42+s16+$0x0], $0xffff;
	v52 =	vmul.f32 v41, v39;
	v3 =	vadd.f32 v48, v3  }
0x2a8: {  	v54 =	vor.u32 $0xD, v2;
	v53 =	vld.idx.msk [tilespmem:v42+s19+$0x0], $0xffff  }
0x2a9: {  	v55 =	vld.idx.msk [tilespmem:v46+s16+$0x0], $0xffff;
	v56 =	vmul.f32 v45, v43;
	v3 =	vadd.f32 v52, v3  }
0x2aa: {  	v58 =	vor.u32 $0xE, v2;
	v57 =	vld.idx.msk [tilespmem:v46+s19+$0x0], $0xffff  }
0x2ab: {  	v59 =	vld.idx.msk [tilespmem:v50+s16+$0x0], $0xffff;
	v60 =	vmul.f32 v49, v47;
	v3 =	vadd.f32 v56, v3  }
0x2ac: {  	v62 =	vor.u32 $0xF, v2;
	v61 =	vld.idx.msk [tilespmem:v50+s19+$0x0], $0xffff  }
0x2ad: {  	v63 =	vld.idx.msk [tilespmem:v54+s16+$0x0], $0xffff;
	v16 =	vmul.f32 v53, v51;
	v3 =	vadd.f32 v60, v3  }
0x2ae: {  	v18 =	vor.u32 $0x10, v2;
	v17 =	vld.idx.msk [tilespmem:v54+s19+$0x0], $0xffff  }
0x2af: {  	v19 =	vld.idx.msk [tilespmem:v58+s16+$0x0], $0xffff;
	v20 =	vmul.f32 v57, v55;
	v3 =	vadd.f32 v16, v3  }
0x2b0: {  	v22 =	vor.u32 $0x11, v2;
	v21 =	vld.idx.msk [tilespmem:v58+s19+$0x0], $0xffff  }
0x2b1: {  	v23 =	vld.idx.msk [tilespmem:v62+s16+$0x0], $0xffff;
	v24 =	vmul.f32 v61, v59;
	v3 =	vadd.f32 v20, v3  }
0x2b2: {  	v25 =	vld.idx.msk [tilespmem:v62+s19+$0x0], $0xffff;
	v26 =	vor.u32 $0x12, v2  }
0x2b3: {  	v29 =	vld.idx.msk [tilespmem:v18+s19+$0x0], $0xffff;
	v28 =	vmul.f32 v17, v63;
	v3 =	vadd.f32 v24, v3  }
0x2b4: {  	v27 =	vld.idx.msk [tilespmem:v18+s16+$0x0], $0xffff;
	v30 =	vor.u32 $0x13, v2  }
0x2b5: {  	v31 =	vld.idx.msk [tilespmem:v22+s16+$0x0], $0xffff;
	v32 =	vmul.f32 v21, v19;
	v3 =	vadd.f32 v28, v3  }
0x2b6: {  	v34 =	vor.u32 $0x14, v2;
	v33 =	vld.idx.msk [tilespmem:v22+s19+$0x0], $0xffff  }
0x2b7: {  	v35 =	vld.idx.msk [tilespmem:v26+s16+$0x0], $0xffff;
	v36 =	vmul.f32 v25, v23;
	v3 =	vadd.f32 v32, v3  }
0x2b8: {  	v38 =	vor.u32 $0x15, v2;
	v37 =	vld.idx.msk [tilespmem:v26+s19+$0x0], $0xffff  }
0x2b9: {  	v39 =	vld.idx.msk [tilespmem:v30+s16+$0x0], $0xffff;
	v40 =	vmul.f32 v29, v27;
	v3 =	vadd.f32 v36, v3  }
0x2ba: {  	v42 =	vor.u32 $0x16, v2;
	v41 =	vld.idx.msk [tilespmem:v30+s19+$0x0], $0xffff  }
0x2bb: {  	v43 =	vld.idx.msk [tilespmem:v34+s16+$0x0], $0xffff;
	v44 =	vmul.f32 v33, v31;
	v3 =	vadd.f32 v40, v3  }
0x2bc: {  	v46 =	vor.u32 $0x17, v2;
	v45 =	vld.idx.msk [tilespmem:v34+s19+$0x0], $0xffff  }
0x2bd: {  	v47 =	vld.idx.msk [tilespmem:v38+s16+$0x0], $0xffff;
	v48 =	vmul.f32 v37, v35;
	v3 =	vadd.f32 v44, v3  }
0x2be: {  	v50 =	vor.u32 $0x18, v2;
	v49 =	vld.idx.msk [tilespmem:v38+s19+$0x0], $0xffff  }
0x2bf: {  	v51 =	vld.idx.msk [tilespmem:v42+s16+$0x0], $0xffff;
	v52 =	vmul.f32 v41, v39;
	v3 =	vadd.f32 v48, v3  }
0x2c0: {  	v54 =	vor.u32 $0x19, v2;
	v53 =	vld.idx.msk [tilespmem:v42+s19+$0x0], $0xffff  }
0x2c1: {  	v55 =	vld.idx.msk [tilespmem:v46+s16+$0x0], $0xffff;
	v56 =	vmul.f32 v45, v43;
	v3 =	vadd.f32 v52, v3  }
0x2c2: {  	v58 =	vor.u32 $0x1A, v2;
	v57 =	vld.idx.msk [tilespmem:v46+s19+$0x0], $0xffff  }
0x2c3: {  	v59 =	vld.idx.msk [tilespmem:v50+s16+$0x0], $0xffff;
	v60 =	vmul.f32 v49, v47;
	v3 =	vadd.f32 v56, v3  }
0x2c4: {  	v62 =	vor.u32 $0x1B, v2;
	v61 =	vld.idx.msk [tilespmem:v50+s19+$0x0], $0xffff  }
0x2c5: {  	v63 =	vld.idx.msk [tilespmem:v54+s16+$0x0], $0xffff;
	v16 =	vmul.f32 v53, v51;
	v3 =	vadd.f32 v60, v3  }
0x2c6: {  	v18 =	vor.u32 $0x1C, v2;
	v17 =	vld.idx.msk [tilespmem:v54+s19+$0x0], $0xffff  }
0x2c7: {  	v19 =	vld.idx.msk [tilespmem:v58+s16+$0x0], $0xffff;
	v20 =	vmul.f32 v57, v55;
	v3 =	vadd.f32 v16, v3  }
0x2c8: {  	v22 =	vor.u32 $0x1D, v2;
	v21 =	vld.idx.msk [tilespmem:v58+s19+$0x0], $0xffff  }
0x2c9: {  	v23 =	vld.idx.msk [tilespmem:v62+s16+$0x0], $0xffff;
	v24 =	vmul.f32 v61, v59;
	v3 =	vadd.f32 v20, v3  }
0x2ca: {  	v26 =	vor.u32 $0x1E, v2;
	v25 =	vld.idx.msk [tilespmem:v62+s19+$0x0], $0xffff  }
0x2cb: {  	v27 =	vld.idx.msk [tilespmem:v18+s16+$0x0], $0xffff;
	v28 =	vmul.f32 v17, v63;
	v3 =	vadd.f32 v24, v3  }
0x2cc: {  	v30 =	vor.u32 $0x1F, v2;
	v29 =	vld.idx.msk [tilespmem:v18+s19+$0x0], $0xffff  }
0x2cd: {  	v31 =	vld.idx.msk [tilespmem:v22+s16+$0x0], $0xffff;
	v32 =	vmul.f32 v21, v19;
	v3 =	vadd.f32 v28, v3  }
0x2ce: {  	v34 =	vor.u32 $0x20, v2;
	v33 =	vld.idx.msk [tilespmem:v22+s19+$0x0], $0xffff  }
0x2cf: {  	v35 =	vld.idx.msk [tilespmem:v26+s16+$0x0], $0xffff;
	v36 =	vmul.f32 v25, v23;
	v3 =	vadd.f32 v32, v3  }
0x2d0: {  	v38 =	vor.u32 $0x21, v2;
	v37 =	vld.idx.msk [tilespmem:v26+s19+$0x0], $0xffff  }
0x2d1: {  	v39 =	vld.idx.msk [tilespmem:v30+s16+$0x0], $0xffff;
	v40 =	vmul.f32 v29, v27;
	v3 =	vadd.f32 v36, v3  }
0x2d2: {  	v42 =	vor.u32 $0x22, v2;
	v41 =	vld.idx.msk [tilespmem:v30+s19+$0x0], $0xffff  }
0x2d3: {  	v43 =	vld.idx.msk [tilespmem:v34+s16+$0x0], $0xffff;
	v44 =	vmul.f32 v33, v31;
	v3 =	vadd.f32 v40, v3  }
0x2d4: {  	v46 =	vor.u32 $0x23, v2;
	v45 =	vld.idx.msk [tilespmem:v34+s19+$0x0], $0xffff  }
0x2d5: {  	v47 =	vld.idx.msk [tilespmem:v38+s16+$0x0], $0xffff;
	v48 =	vmul.f32 v37, v35;
	v3 =	vadd.f32 v44, v3  }
0x2d6: {  	v50 =	vor.u32 $0x24, v2;
	v49 =	vld.idx.msk [tilespmem:v38+s19+$0x0], $0xffff  }
0x2d7: {  	v51 =	vld.idx.msk [tilespmem:v42+s16+$0x0], $0xffff;
	v52 =	vmul.f32 v41, v39;
	v3 =	vadd.f32 v48, v3  }
0x2d8: {  	v54 =	vor.u32 $0x25, v2;
	v53 =	vld.idx.msk [tilespmem:v42+s19+$0x0], $0xffff  }
0x2d9: {  	v55 =	vld.idx.msk [tilespmem:v46+s16+$0x0], $0xffff;
	v56 =	vmul.f32 v45, v43;
	v3 =	vadd.f32 v52, v3  }
0x2da: {  	v58 =	vor.u32 $0x26, v2;
	v57 =	vld.idx.msk [tilespmem:v46+s19+$0x0], $0xffff  }
0x2db: {  	v59 =	vld.idx.msk [tilespmem:v50+s16+$0x0], $0xffff;
	v60 =	vmul.f32 v49, v47;
	v3 =	vadd.f32 v56, v3  }
0x2dc: {  	v62 =	vor.u32 $0x27, v2;
	v61 =	vld.idx.msk [tilespmem:v50+s19+$0x0], $0xffff  }
0x2dd: {  	v63 =	vld.idx.msk [tilespmem:v54+s16+$0x0], $0xffff;
	v16 =	vmul.f32 v53, v51;
	v3 =	vadd.f32 v60, v3  }
0x2de: {  	v18 =	vor.u32 $0x28, v2;
	v17 =	vld.idx.msk [tilespmem:v54+s19+$0x0], $0xffff  }
0x2df: {  	v19 =	vld.idx.msk [tilespmem:v58+s16+$0x0], $0xffff;
	v20 =	vmul.f32 v57, v55;
	v3 =	vadd.f32 v16, v3  }
0x2e0: {  	v22 =	vor.u32 $0x29, v2;
	v21 =	vld.idx.msk [tilespmem:v58+s19+$0x0], $0xffff  }
0x2e1: {  	v23 =	vld.idx.msk [tilespmem:v62+s16+$0x0], $0xffff;
	v24 =	vmul.f32 v61, v59;
	v3 =	vadd.f32 v20, v3  }
0x2e2: {  	v26 =	vor.u32 $0x2A, v2;
	v25 =	vld.idx.msk [tilespmem:v62+s19+$0x0], $0xffff  }
0x2e3: {  	v27 =	vld.idx.msk [tilespmem:v18+s16+$0x0], $0xffff;
	v28 =	vmul.f32 v17, v63;
	v3 =	vadd.f32 v24, v3  }
0x2e4: {  	v30 =	vor.u32 $0x2B, v2;
	v29 =	vld.idx.msk [tilespmem:v18+s19+$0x0], $0xffff  }
0x2e5: {  	v31 =	vld.idx.msk [tilespmem:v22+s16+$0x0], $0xffff;
	v32 =	vmul.f32 v21, v19;
	v3 =	vadd.f32 v28, v3  }
0x2e6: {  	v34 =	vor.u32 $0x2C, v2;
	v33 =	vld.idx.msk [tilespmem:v22+s19+$0x0], $0xffff  }
0x2e7: {  	v35 =	vld.idx.msk [tilespmem:v26+s16+$0x0], $0xffff;
	v36 =	vmul.f32 v25, v23;
	v3 =	vadd.f32 v32, v3  }
0x2e8: {  	v38 =	vor.u32 $0x2D, v2;
	v37 =	vld.idx.msk [tilespmem:v26+s19+$0x0], $0xffff  }
0x2e9: {  	v39 =	vld.idx.msk [tilespmem:v30+s16+$0x0], $0xffff;
	v40 =	vmul.f32 v29, v27;
	v3 =	vadd.f32 v36, v3  }
0x2ea: {  	v42 =	vor.u32 $0x2E, v2;
	v41 =	vld.idx.msk [tilespmem:v30+s19+$0x0], $0xffff  }
0x2eb: {  	v43 =	vld.idx.msk [tilespmem:v34+s16+$0x0], $0xffff;
	v44 =	vmul.f32 v33, v31;
	v3 =	vadd.f32 v40, v3  }
0x2ec: {  	v46 =	vor.u32 $0x2F, v2;
	v45 =	vld.idx.msk [tilespmem:v34+s19+$0x0], $0xffff  }
0x2ed: {  	v47 =	vld.idx.msk [tilespmem:v38+s16+$0x0], $0xffff;
	v48 =	vmul.f32 v37, v35;
	v3 =	vadd.f32 v44, v3  }
0x2ee: {  	v50 =	vor.u32 $0x30, v2;
	v49 =	vld.idx.msk [tilespmem:v38+s19+$0x0], $0xffff  }
0x2ef: {  	v51 =	vld.idx.msk [tilespmem:v42+s16+$0x0], $0xffff;
	v52 =	vmul.f32 v41, v39;
	v3 =	vadd.f32 v48, v3  }
0x2f0: {  	v2 =	vor.u32 $0x31, v2;
	v53 =	vld.idx.msk [tilespmem:v42+s19+$0x0], $0xffff  }
0x2f1: {  	v54 =	vld.idx.msk [tilespmem:v46+s16+$0x0], $0xffff;
	v55 =	vmul.f32 v45, v43;
	v3 =	vadd.f32 v52, v3  }
0x2f2: {  	v56 =	vld.idx.msk [tilespmem:v46+s19+$0x0], $0xffff  }
0x2f3: {  	v57 =	vld.idx.msk [tilespmem:v50+s16+$0x0], $0xffff;
	v58 =	vmul.f32 v49, v47;
	v3 =	vadd.f32 v55, v3  }
0x2f4: {  	v59 =	vld.idx.msk [tilespmem:v50+s19+$0x0], $0xffff  }
0x2f5: {  	v61 =	vmul.f32 v53, v51;
	v60 =	vld.idx.msk [tilespmem:v2+s16+$0x0], $0xffff;
	v3 =	vadd.f32 v58, v3  }
0x2f6: {  	v2 =	vld.idx.msk [tilespmem:v2+s19+$0x0], $0xffff  }
0x2f7: {  	v62 =	vmul.f32 v56, v54;
	v3 =	vadd.f32 v61, v3;
	_ =	sdelay $0x1  }
0x2f8: {  	s2 =	sadd.s32 $0x1, s2;
	v63 =	vmul.f32 v59, v57;
	v3 =	vadd.f32 v62, v3  }
0x2f9: {  	p0 =	sne.s32 s2, $0x4  }
.Ltmp3:
0x2fa: {  	v2 =	vmul.f32 v2, v60;
	v3 =	vadd.f32 v63, v3;
	(pc) =	sbr.rel @p0 .LBB2_2-.Ltmp3, $4  }
0x2fb: {  	_ = 	snop  }
0x2fc: {  	v2 =	vadd.f32 v2, v3  }
0x2fd: {  	s31 =	rddreg [dreg:$0xe];
	s0 =	sadd.s32 $0x10, s4  }
0x2fe: {  	s24 =	sadd.s32 $0x80, s24;
	s1 =	sadd.s32 $0x80, s1;
	s26 =	sadd.s32 $0x80, s31;
	[tilespmem:s0+$0x0] =	vst v2  }
0x2ff: {  	s0 =	simm.s32 $0x3  }
0x300: {  	_ =	swait.ge [sflag:s0], $0x200  }
0x301: {  	[sflag:s0] =	ssyncset.done $0x0  }
0x302: {  	s31 =	simm.s32 $0x4;
	[sflag:s0] =	ssyncadd.s32 $0xFFFFFE00  }
0x303: {  	_ =	swait.ge [sflag:s31], $0x200  }
0x304: {  	[sflag:s31] =	ssyncset.done $0x0  }
0x305: {  	s0 =	simm.s32 $0x0;
	[sflag:s31] =	ssyncadd.s32 $0xFFFFFE00  }
0x306: {  	v1 =	vbroadcast v1, $0x0;
	s1 =	simm.s32 $0x40;
	v2 =	vld [tilespmem:s0+$0x8400]  }
.LBB2_10:
0x307: {  	p0 =	sne.s32 s1, $0x7C0;
	v3 =	vld [tilespmem:s0+$0x8880];
	_ =	sdelay $0x1  }
0x308: {  	v4 =	vld [tilespmem:s0+$0x8600];
	_ =	sdelay $0x2  }
0x309: {  	v2 =	vadd.f32 v2, v3;
	_ =	sdelay $0x1  }
.Ltmp4:
0x30a: {  	v2 =	vadd.f32 v4, v2;
	(pc) =	sbr.rel @p0 .LBB2_10-.Ltmp4, $4  }
0x30b: {  	_ = 	snop  }
0x30c: {  	v3 =	vadd.f32 v2, v1  }
0x30d: {  	s2 =	sshra.s32 s1, $0x2  }
0x30e: {  	s1 =	sadd.s32 $0x40, s1;
	v2 =	vld [tilespmem:s2+$0x8400];
	[tilespmem:s0+$0x8880] =	vst v3;
	s0 =	smov.u32 s2  }
0x30f: {  	v3 =	vld [tilespmem:s0+$0x8880];
	_ =	sdelay $0x1  }
0x310: {  	v4 =	vld [tilespmem:s0+$0x8600];
	_ =	sdelay $0x2  }
0x311: {  	v2 =	vadd.f32 v2, v3;
	_ =	sdelay $0x1  }
0x312: {  	v2 =	vadd.f32 v4, v2;
	_ =	sdelay $0x1  }
0x313: {  	v1 =	vadd.f32 v2, v1;
	_ =	sdelay $0x1  }
0x314: {  	s30 =	rddreg [dreg:$0xa];
	s1 =	simm.s32 $0x8880;
	[tilespmem:s0+$0x8880] =	vst v1  }
0x315: {  	[hbm4b:s30+s5] =	stream.linear.scatter [tilespmem:s1], [sflag:$0x5], $0x200, $0x38;
	[tilespmem:$0x8A80] =	vst v63  }
0x316: {  	s1 =	simm.s32 $0x5  }
0x317: {  	_ =	swait.ge [sflag:s1], $0x200  }
0x318: {  	s2 =	rddreg [dreg:$0xc]  }
0x319: {  	s31 =	rddreg [dreg:$0xb];
	s2 =	sadd.s32 $0x1, s2  }
0x31a: {  	p0 =	sne.s32 s2, s31  }
.Ltmp5:
0x31b: {  	_ = 	snop;
	(pc) =	sbr.rel @p0 .LBB2_1-.Ltmp5, $3  }
0x31c: {  	_ =	sdelay $0x1  }
0x31d: {  	[sflag:s1] =	ssyncset.done $0x0  }
0x31e: {  	[sflag:s1] =	ssyncadd.s32 $0xFFFFFE00  }
0x31f: {  	_ =	sfence.sel $0x180000  }
0x320: {  	[bflag:$0x0] =	sbarrier.arrive $0xFFFF  }
0x321: {  	_ =	strace $0x90000047  }
0x322: {  	s0 =	stileid.u32;
	[bflag:$0x2] =	sbarrier.arrive $0xFFFF  }
0x323: {  	p0 =	sne.s32 s0, $0x0;
	s0 =	rddreg [dreg:$0x7]  }
0x324: {  	s0 =	sadd.s32 @!p0 $0x100000, s0  }
0x325: {  	[sflag:s0] =	ssyncadd.tile.s32 @!p0 $0x1;
	_ =	shalt  }
.Lfunc_end2:
_tile_overlayer_lowered:
.L_overlay_start_2:
0x326: {  	(tag) =	ssettag $0x2  }
0x327: {  	s0 =	rddreg [dreg:$0x0];
	s2 =	stileid.u32  }
0x328: {  	s1 =	rddreg [dreg:$0x1];
	p0 =	sne.s32 s2, $0x0  }
0x329: {  	s3 =	rddreg [dreg:$0x2];
	[bflag:$0x3] =	sbarrier.arrive $0xFFFF;
	s2 =	simm.s32 @!p0 $0x1C05  }
0x32a: {  	[timem:s3], [sflag:s2] =	dma.local @!p0 [hbm:s0], s1  }
0x32b: {  	s0 =	simm.s32 @!p0 $0x5  }
0x32c: {  	_ =	swait.ge @!p0 [sflag:s0], s1  }
0x32d: {  	s1 =	ssub.s32 @!p0 $0x0, s1;
	[sflag:s0] =	ssyncset.done @!p0 $0x0  }
0x32e: {  	[sflag:s0] =	ssyncadd.s32 @!p0 s1  }
0x32f: {  	[bflag:$0x3] =	sbarrier.arrive $0xFFFF  }
0x330: {  	_ =	shalt  }

</sc_bundles>
